<compile_context>
chip_gen: v7x
topology: tpu7x:2x2x1
jax: 0.10.2.dev20260603
libtpu: 0.0.44.dev20260713+nightly
codegen_flags: <defaults>
</compile_context>

<pallas_src>
import functools

import jax
import jax.numpy as jnp
from jax import lax
from jax.experimental import pallas as pl
from jax.experimental.pallas import tpu as pltpu
from jax.experimental.pallas import tpu_sc as plsc

N = 10000
E = 320000
D = 128

NC = 2
NS = 16
NW = NC * NS
CHUNK = 128
NCH_ALL = E // CHUNK
CH_PER_TILE = 80
NBUF = 2
ROWS_PER_TILE = 624
TAIL_ROWS = N - NS * ROWS_PER_TILE


def _sc_segment_sum(h, src, dst2d, zeros):
    mesh = plsc.VectorSubcoreMesh(core_axis_name="c", subcore_axis_name="s")

    @functools.partial(
        pl.kernel,
        out_type=jax.ShapeDtypeStruct((NC, N, D), jnp.float32),
        mesh=mesh,
        scratch_types=[
            pltpu.VMEM_SHARED((N, D), jnp.float32),
            pltpu.VMEM((NBUF, CHUNK), jnp.int32),
            pltpu.VMEM((CH_PER_TILE, CHUNK), jnp.int32),
            pltpu.VMEM((NBUF, CHUNK, D), jnp.float32),
        ] + [pltpu.SemaphoreType.DMA] * (2 * NBUF),
    )
    def k(h_hbm, src_hbm, dst2d_hbm, z_hbm, out_hbm, acc, sidx, didx, rows,
          *sems):
        gsem = sems[:NBUF]
        ssem = sems[NBUF:]
        c = lax.axis_index("c")
        s = lax.axis_index("s")
        wid = c * NS + s
        is_last = wid == NW - 1
        ntail = NCH_ALL - (NW - 1) * CH_PER_TILE
        nch = jnp.where(is_last, ntail, CH_PER_TILE)

        pltpu.sync_copy(z_hbm.at[pl.ds(s * ROWS_PER_TILE, ROWS_PER_TILE)],
                        acc.at[pl.ds(s * ROWS_PER_TILE, ROWS_PER_TILE)])

        @pl.when(s == NS - 1)
        def _zero_tail():
            pltpu.sync_copy(z_hbm.at[pl.ds(NS * ROWS_PER_TILE, TAIL_ROWS)],
                            acc.at[pl.ds(NS * ROWS_PER_TILE, TAIL_ROWS)])

        @pl.when(jnp.logical_not(is_last))
        def _stage_idx_full():
            pltpu.sync_copy(dst2d_hbm.at[pl.ds(wid * CH_PER_TILE, CH_PER_TILE)],
                            didx)

        @pl.when(is_last)
        def _stage_idx_tail():
            pltpu.sync_copy(dst2d_hbm.at[pl.ds((NW - 1) * CH_PER_TILE, ntail)],
                            didx.at[pl.ds(0, ntail)])

        edge_base = wid * CH_PER_TILE * CHUNK

        def _sidx_copy(ci, b):
            pltpu.sync_copy(src_hbm.at[pl.ds(edge_base + ci * CHUNK, CHUNK)],
                            sidx.at[b])

        def _gstart(ci, b):
            pltpu.async_copy(h_hbm.at[sidx.at[b]], rows.at[b], gsem[b])

        def _gwait(ci, b):
            pltpu.make_async_copy(h_hbm.at[sidx.at[b]], rows.at[b],
                                  gsem[b]).wait()

        def _sstart(ci, b):
            pltpu.async_copy(rows.at[b], acc.at[didx.at[ci]], ssem[b],
                             add=True)

        def _swait(ci, b):
            pltpu.make_async_copy(rows.at[b], acc.at[didx.at[ci]],
                                  ssem[b]).wait()

        plsc.subcore_barrier()

        for b in range(NBUF):
            _sidx_copy(b, b)
            _gstart(b, b)

        def pipe_body(g, carry):
            for b in range(NBUF):
                ci = g * NBUF + b
                _gwait(ci, b)
                _sstart(ci, b)
            for b in range(NBUF):
                nci = g * NBUF + b + NBUF

                @pl.when(nci < nch)
                def _():
                    _swait(nci - NBUF, b)
                    _sidx_copy(nci, b)
                    _gstart(nci, b)

            return carry

        lax.fori_loop(0, nch // NBUF, pipe_body, 0)
        for b in range(NBUF):
            _swait(nch - NBUF + b, b)

        plsc.subcore_barrier()

        pltpu.sync_copy(acc.at[pl.ds(s * ROWS_PER_TILE, ROWS_PER_TILE)],
                        out_hbm.at[c, pl.ds(s * ROWS_PER_TILE, ROWS_PER_TILE)])

        @pl.when(s == NS - 1)
        def _copy_tail():
            pltpu.sync_copy(acc.at[pl.ds(NS * ROWS_PER_TILE, TAIL_ROWS)],
                            out_hbm.at[c, pl.ds(NS * ROWS_PER_TILE, TAIL_ROWS)])

    return k(h, src, dst2d, zeros)


BN = 1000


def _ffn_body(h_ref, p_ref, w1_ref, b1_ref, w2_ref, b2_ref, o_ref):
    h = h_ref[...] + p_ref[0] + p_ref[1]
    t = jnp.dot(h, w1_ref[...], preferred_element_type=jnp.float32) + b1_ref[...]
    t = jnp.maximum(t, 0.01 * t)
    o_ref[...] = jnp.dot(t, w2_ref[...], preferred_element_type=jnp.float32) + b2_ref[...]


def _ffn_skip_body(h_ref, p_ref, w1_ref, b1_ref, w2_ref, b2_ref, x0_ref, o_ref):
    h = h_ref[...] + p_ref[0] + p_ref[1]
    t = jnp.dot(h, w1_ref[...], preferred_element_type=jnp.float32) + b1_ref[...]
    t = jnp.maximum(t, 0.01 * t)
    o_ref[...] = (jnp.dot(t, w2_ref[...], preferred_element_type=jnp.float32)
                  + b2_ref[...] + x0_ref[...])


_ROW_SPEC = pl.BlockSpec((BN, D), lambda i: (i, 0))
_PART_SPEC = pl.BlockSpec((NC, BN, D), lambda i: (0, i, 0))
_W_SPEC = pl.BlockSpec((D, D), lambda i: (0, 0))
_B_SPEC = pl.BlockSpec((1, D), lambda i: (0, 0))


def _tc_ffn(h, parts, w1, b1, w2, b2):
    return pl.pallas_call(
        _ffn_body,
        grid=(N // BN,),
        in_specs=[_ROW_SPEC, _PART_SPEC, _W_SPEC, _B_SPEC, _W_SPEC, _B_SPEC],
        out_specs=_ROW_SPEC,
        out_shape=jax.ShapeDtypeStruct((N, D), jnp.float32),
    )(h, parts, w1, b1.reshape(1, D), w2, b2.reshape(1, D))


def _tc_ffn_skip(h, parts, w1, b1, w2, b2, x0):
    return pl.pallas_call(
        _ffn_skip_body,
        grid=(N // BN,),
        in_specs=[_ROW_SPEC, _PART_SPEC, _W_SPEC, _B_SPEC, _W_SPEC, _B_SPEC,
                  _ROW_SPEC],
        out_specs=_ROW_SPEC,
        out_shape=jax.ShapeDtypeStruct((N, D), jnp.float32),
    )(h, parts, w1, b1.reshape(1, D), w2, b2.reshape(1, D), x0)


def kernel(x, batch, edge_index, W1_0, b1_0, W2_0, b2_0, W1_1, b1_1, W2_1, b2_1):
    src = edge_index[0]
    dst2d = edge_index[1].reshape(NCH_ALL, CHUNK)
    zeros = jnp.zeros((N, D), jnp.float32)

    parts1 = _sc_segment_sum(x, src, dst2d, zeros)
    h1 = _tc_ffn(x, parts1, W1_0, b1_0, W2_0, b2_0)
    parts2 = _sc_segment_sum(h1, src, dst2d, zeros)
    return _tc_ffn_skip(h1, parts2, W1_1, b1_1, W2_1, b2_1, x)

# --- scband reference (transcript-rebuilt; emitter-appended) ---
"""Pipeline reference for scband-mplseq-9096740733428 (READ-ONLY COPY).

The authoritative reference and input builder live on the scoring server;
editing this copy changes nothing except your own understanding.
"""

import jax, jax.numpy as jnp
import numpy as np

N = 10000
E = 320000
D = 128
H = 128
NG = 64


def setup_inputs(seed: int = 0) -> dict:
    key = jax.random.key(seed)
    ks = jax.random.split(key, 12)
    x = jax.random.normal(ks[0], (N, D), dtype=jnp.float32)
    batch = jnp.sort(jax.random.randint(ks[1], (N,), 0, NG, dtype=jnp.int32))
    edge_index = jax.random.randint(ks[2], (2, E), 0, N, dtype=jnp.int32)
    s = 0.05
    W1_0 = jax.random.normal(ks[3], (D, H), dtype=jnp.float32) * s
    b1_0 = jnp.zeros((H,), dtype=jnp.float32)
    W2_0 = jax.random.normal(ks[4], (H, D), dtype=jnp.float32) * s
    b2_0 = jnp.zeros((D,), dtype=jnp.float32)
    W1_1 = jax.random.normal(ks[5], (D, H), dtype=jnp.float32) * s
    b1_1 = jnp.zeros((H,), dtype=jnp.float32)
    W2_1 = jax.random.normal(ks[6], (H, D), dtype=jnp.float32) * s
    b2_1 = jnp.zeros((D,), dtype=jnp.float32)
    return {"x": x, "batch": batch, "edge_index": edge_index,
            "W1_0": W1_0, "b1_0": b1_0, "W2_0": W2_0, "b2_0": b2_0,
            "W1_1": W1_1, "b1_1": b1_1, "W2_1": W2_1, "b2_1": b2_1}


def _ffn(h, W1, b1, W2, b2):
    h = h @ W1 + b1
    h = jax.nn.leaky_relu(h, 0.01)
    h = h @ W2 + b2
    return h


def reference(x, batch, edge_index, W1_0, b1_0, W2_0, b2_0, W1_1, b1_1, W2_1, b2_1):
    # MPLSeq with conv_name='GINConv', n_cond=0, n_global=0, n_mpl=2, skip_connecton=True.
    # Each GINConv: h' = FFN((1+eps)*h + sum_{j->i} h_j), eps=0 (PyG default).
    # n_cond=n_global=0 so hstack((x, cond[batch], global[batch])) == x; batch unused.
    src = edge_index[0]
    dst = edge_index[1]
    x0 = x
    h = x
    for (W1, b1, W2, b2) in ((W1_0, b1_0, W2_0, b2_0), (W1_1, b1_1, W2_1, b2_1)):
        msgs = jnp.take(h, src, axis=0)               # gather: [E, D]
        agg = jax.ops.segment_sum(msgs, dst, num_segments=N)  # scatter-add: [N, D]
        h = _ffn(h + agg, W1, b1, W2, b2)
    # skip connection: x[..., :in_features] += x_clone[..., :out_features] (in==out==D)
    h = h + x0
    return h

if __name__ == "__main__":
    import jax
    _d = setup_inputs()
    print(jax.jit(kernel)(*tuple(_d.values())))

</pallas_src>

<mosaic_0001>
#map = affine_map<(d0, d1) -> (0, 0)>
#map1 = affine_map<(d0, d1) -> (0)>
#map2 = affine_map<(d0, d1) -> (0, 0, 0)>
module attributes {stable_mosaic.version = 14 : i64} {
  func.func @k(%arg0: i32, %arg1: i32, %arg2: memref<10000x128xf32, #tpu.memory_space<hbm>>, %arg3: memref<320000xi32, #tpu.memory_space<hbm>>, %arg4: memref<2500x128xi32, #tpu.memory_space<hbm>>, %arg5: memref<10000x128xf32, #tpu.memory_space<hbm>>, %arg6: memref<2x10000x128xf32, #tpu.memory_space<hbm>>, %arg7: memref<10000x128xf32, #tpu.memory_space<vmem_shared>>, %arg8: memref<2x128xi32, #tpu.memory_space<vmem>>, %arg9: memref<80x128xi32, #tpu.memory_space<vmem>>, %arg10: memref<2x128x128xf32, #tpu.memory_space<vmem>>, %arg11: memref<!tpu.dma_semaphore, #tpu.memory_space<semaphore_mem>>, %arg12: memref<!tpu.dma_semaphore, #tpu.memory_space<semaphore_mem>>, %arg13: memref<!tpu.dma_semaphore, #tpu.memory_space<semaphore_mem>>, %arg14: memref<!tpu.dma_semaphore, #tpu.memory_space<semaphore_mem>>) attributes {dimension_semantics = [#tpu.dimension_semantics<core_parallel>, #tpu.dimension_semantics<subcore_parallel>], iteration_bounds = array<i64: 2, 16>, scalar_prefetch = 0 : i64, scratch_operands = 8 : i64, tpu.core_type = #tpu.core_type<sc_vector_subcore>, window_params = [{transform_indices = #map}, {transform_indices = #map1}, {transform_indices = #map}, {transform_indices = #map}, {transform_indices = #map2}]} {
    %mul3A = arith.constant 16 : i32
    %mul3A_0 = arith.muli %arg0, %mul3A : i32
    %add3A = arith.addi %mul3A_0, %arg1 : i32
    %eq3A = arith.constant 31 : i32
    %eq3A_1 = arith.cmpi eq, %add3A, %eq3A : i32
    %jit3A = arith.constant 20 : i32
    %jit3A_2 = arith.constant 80 : i32
    %select_n3A = arith.select %eq3A_1, %jit3A, %jit3A_2 : i32
    %mul3A_3 = arith.constant 624 : i32
    %mul3A_4 = arith.muli %arg1, %mul3A_3 : i32
    %mul3A_5 = arith.constant 624 : i32
    %mul3A_6 = arith.muli %arg1, %mul3A_5 : i32
    "tpu.region"() ({
      %run_scoped3A_115 = tpu.sem_alloc : memref<!tpu.dma_semaphore, #tpu.memory_space<semaphore_mem>>
      %dma_start3A_116 = arith.constant 0 : i32
      %dma_start3A_117 = tpu.memref_slice %arg7[%mul3A_6, %dma_start3A_116] : memref<10000x128xf32, #tpu.memory_space<vmem_shared>> -> memref<624x128xf32, #tpu.memory_space<vmem_shared>>
      %dma_start3A_118 = arith.constant 0 : i32
      %dma_start3A_119 = tpu.memref_slice %arg5[%mul3A_4, %dma_start3A_118] : memref<10000x128xf32, #tpu.memory_space<hbm>> -> memref<624x128xf32, #tpu.memory_space<hbm>>
      tpu.enqueue_dma source(%dma_start3A_119 : memref<624x128xf32, #tpu.memory_space<hbm>>) target(%dma_start3A_117 : memref<624x128xf32, #tpu.memory_space<vmem_shared>>) target_semaphore(%run_scoped3A_115 : memref<!tpu.dma_semaphore, #tpu.memory_space<semaphore_mem>>)
      %dma_wait3A_120 = arith.constant 0 : i32
      %dma_wait3A_121 = tpu.memref_slice %arg7[%mul3A_6, %dma_wait3A_120] : memref<10000x128xf32, #tpu.memory_space<vmem_shared>> -> memref<624x128xf32, #tpu.memory_space<vmem_shared>>
      %dma_wait3A_122 = arith.constant 0 : i32
      %dma_wait3A_123 = tpu.memref_slice %arg5[%mul3A_4, %dma_wait3A_122] : memref<10000x128xf32, #tpu.memory_space<hbm>> -> memref<624x128xf32, #tpu.memory_space<hbm>>
      tpu.wait_dma2 semaphore(%run_scoped3A_115 : memref<!tpu.dma_semaphore, #tpu.memory_space<semaphore_mem>>) src(%dma_wait3A_123 : memref<624x128xf32, #tpu.memory_space<hbm>>) dst(%dma_wait3A_121 : memref<624x128xf32, #tpu.memory_space<vmem_shared>>)
      tpu.yield
    }) : () -> ()
    %eq3A_7 = arith.constant 15 : i32
    %eq3A_8 = arith.cmpi eq, %arg1, %eq3A_7 : i32
    %convert_element_type3A = arith.extui %eq3A_8 : i1 to i32
    %cond3A = arith.constant 0 : i32
    %cond3A_9 = arith.cmpi ne, %convert_element_type3A, %cond3A : i32
    scf.if %cond3A_9 {
      "tpu.region"() ({
        %run_scoped3A_115 = tpu.sem_alloc : memref<!tpu.dma_semaphore, #tpu.memory_space<semaphore_mem>>
        %dma_start3A_116 = arith.constant 9984 : i32
        %dma_start3A_117 = arith.constant 0 : i32
        %dma_start3A_118 = tpu.memref_slice %arg7[%dma_start3A_116, %dma_start3A_117] : memref<10000x128xf32, #tpu.memory_space<vmem_shared>> -> memref<16x128xf32, #tpu.memory_space<vmem_shared>>
        %dma_start3A_119 = arith.constant 9984 : i32
        %dma_start3A_120 = arith.constant 0 : i32
        %dma_start3A_121 = tpu.memref_slice %arg5[%dma_start3A_119, %dma_start3A_120] : memref<10000x128xf32, #tpu.memory_space<hbm>> -> memref<16x128xf32, #tpu.memory_space<hbm>>
        tpu.enqueue_dma source(%dma_start3A_121 : memref<16x128xf32, #tpu.memory_space<hbm>>) target(%dma_start3A_118 : memref<16x128xf32, #tpu.memory_space<vmem_shared>>) target_semaphore(%run_scoped3A_115 : memref<!tpu.dma_semaphore, #tpu.memory_space<semaphore_mem>>)
        %dma_wait3A_122 = arith.constant 9984 : i32
        %dma_wait3A_123 = arith.constant 0 : i32
        %dma_wait3A_124 = tpu.memref_slice %arg7[%dma_wait3A_122, %dma_wait3A_123] : memref<10000x128xf32, #tpu.memory_space<vmem_shared>> -> memref<16x128xf32, #tpu.memory_space<vmem_shared>>
        %dma_wait3A_125 = arith.constant 9984 : i32
        %dma_wait3A_126 = arith.constant 0 : i32
        %dma_wait3A_127 = tpu.memref_slice %arg5[%dma_wait3A_125, %dma_wait3A_126] : memref<10000x128xf32, #tpu.memory_space<hbm>> -> memref<16x128xf32, #tpu.memory_space<hbm>>
        tpu.wait_dma2 semaphore(%run_scoped3A_115 : memref<!tpu.dma_semaphore, #tpu.memory_space<semaphore_mem>>) src(%dma_wait3A_127 : memref<16x128xf32, #tpu.memory_space<hbm>>) dst(%dma_wait3A_124 : memref<16x128xf32, #tpu.memory_space<vmem_shared>>)
        tpu.yield
      }) : () -> ()
    } else {
    }
    %not3A = arith.constant true
    %not3A_10 = arith.xori %eq3A_1, %not3A : i1
    %convert_element_type3A_11 = arith.extui %not3A_10 : i1 to i32
    %cond3A_12 = arith.constant 0 : i32
    %cond3A_13 = arith.cmpi ne, %convert_element_type3A_11, %cond3A_12 : i32
    scf.if %cond3A_13 {
      %mul3A_115 = arith.constant 80 : i32
      %mul3A_116 = arith.muli %add3A, %mul3A_115 : i32
      "tpu.region"() ({
        %run_scoped3A_117 = tpu.sem_alloc : memref<!tpu.dma_semaphore, #tpu.memory_space<semaphore_mem>>
        %dma_start3A_118 = arith.constant 0 : i32
        %dma_start3A_119 = tpu.memref_slice %arg4[%mul3A_116, %dma_start3A_118] : memref<2500x128xi32, #tpu.memory_space<hbm>> -> memref<80x128xi32, #tpu.memory_space<hbm>>
        %dma_start3A_120 = arith.constant 0 : i32
        %dma_start3A_121 = tpu.memref_slice %arg4[%mul3A_116, %dma_start3A_120] : memref<2500x128xi32, #tpu.memory_space<hbm>> -> memref<80x128xi32, #tpu.memory_space<hbm>>
        tpu.enqueue_dma source(%dma_start3A_121 : memref<80x128xi32, #tpu.memory_space<hbm>>) target(%arg9 : memref<80x128xi32, #tpu.memory_space<vmem>>) target_semaphore(%run_scoped3A_117 : memref<!tpu.dma_semaphore, #tpu.memory_space<semaphore_mem>>)
        %dma_wait3A_122 = arith.constant 0 : i32
        %dma_wait3A_123 = tpu.memref_slice %arg4[%mul3A_116, %dma_wait3A_122] : memref<2500x128xi32, #tpu.memory_space<hbm>> -> memref<80x128xi32, #tpu.memory_space<hbm>>
        %dma_wait3A_124 = arith.constant 0 : i32
        %dma_wait3A_125 = tpu.memref_slice %arg4[%mul3A_116, %dma_wait3A_124] : memref<2500x128xi32, #tpu.memory_space<hbm>> -> memref<80x128xi32, #tpu.memory_space<hbm>>
        tpu.wait_dma2 semaphore(%run_scoped3A_117 : memref<!tpu.dma_semaphore, #tpu.memory_space<semaphore_mem>>) src(%dma_wait3A_125 : memref<80x128xi32, #tpu.memory_space<hbm>>) dst(%arg9 : memref<80x128xi32, #tpu.memory_space<vmem>>)
        tpu.yield
      }) : () -> ()
    } else {
    }
    %convert_element_type3A_14 = arith.extui %eq3A_1 : i1 to i32
    %cond3A_15 = arith.constant 0 : i32
    %cond3A_16 = arith.cmpi ne, %convert_element_type3A_14, %cond3A_15 : i32
    scf.if %cond3A_16 {
      "tpu.region"() ({
        %run_scoped3A_115 = tpu.sem_alloc : memref<!tpu.dma_semaphore, #tpu.memory_space<semaphore_mem>>
        %dma_start3A_116 = arith.constant 0 : i32
        %dma_start3A_117 = arith.constant 0 : i32
        %dma_start3A_118 = tpu.memref_slice %arg9[%dma_start3A_116, %dma_start3A_117] : memref<80x128xi32, #tpu.memory_space<vmem>> -> memref<20x128xi32, #tpu.memory_space<vmem>>
        %dma_start3A_119 = arith.constant 2480 : i32
        %dma_start3A_120 = arith.constant 0 : i32
        %dma_start3A_121 = tpu.memref_slice %arg4[%dma_start3A_119, %dma_start3A_120] : memref<2500x128xi32, #tpu.memory_space<hbm>> -> memref<20x128xi32, #tpu.memory_space<hbm>>
        %dma_start3A_122 = arith.constant 0 : i32
        %dma_start3A_123 = arith.constant 0 : i32
        %dma_start3A_124 = tpu.memref_slice %arg9[%dma_start3A_122, %dma_start3A_123] : memref<80x128xi32, #tpu.memory_space<vmem>> -> memref<20x128xi32, #tpu.memory_space<vmem>>
        %dma_start3A_125 = arith.constant 2480 : i32
        %dma_start3A_126 = arith.constant 0 : i32
        %dma_start3A_127 = tpu.memref_slice %arg4[%dma_start3A_125, %dma_start3A_126] : memref<2500x128xi32, #tpu.memory_space<hbm>> -> memref<20x128xi32, #tpu.memory_space<hbm>>
        tpu.enqueue_dma source(%dma_start3A_127 : memref<20x128xi32, #tpu.memory_space<hbm>>) target(%dma_start3A_124 : memref<20x128xi32, #tpu.memory_space<vmem>>) target_semaphore(%run_scoped3A_115 : memref<!tpu.dma_semaphore, #tpu.memory_space<semaphore_mem>>)
        %dma_wait3A_128 = arith.constant 0 : i32
        %dma_wait3A_129 = arith.constant 0 : i32
        %dma_wait3A_130 = tpu.memref_slice %arg9[%dma_wait3A_128, %dma_wait3A_129] : memref<80x128xi32, #tpu.memory_space<vmem>> -> memref<20x128xi32, #tpu.memory_space<vmem>>
        %dma_wait3A_131 = arith.constant 2480 : i32
        %dma_wait3A_132 = arith.constant 0 : i32
        %dma_wait3A_133 = tpu.memref_slice %arg4[%dma_wait3A_131, %dma_wait3A_132] : memref<2500x128xi32, #tpu.memory_space<hbm>> -> memref<20x128xi32, #tpu.memory_space<hbm>>
        %dma_wait3A_134 = arith.constant 0 : i32
        %dma_wait3A_135 = arith.constant 0 : i32
        %dma_wait3A_136 = tpu.memref_slice %arg9[%dma_wait3A_134, %dma_wait3A_135] : memref<80x128xi32, #tpu.memory_space<vmem>> -> memref<20x128xi32, #tpu.memory_space<vmem>>
        %dma_wait3A_137 = arith.constant 2480 : i32
        %dma_wait3A_138 = arith.constant 0 : i32
        %dma_wait3A_139 = tpu.memref_slice %arg4[%dma_wait3A_137, %dma_wait3A_138] : memref<2500x128xi32, #tpu.memory_space<hbm>> -> memref<20x128xi32, #tpu.memory_space<hbm>>
        tpu.wait_dma2 semaphore(%run_scoped3A_115 : memref<!tpu.dma_semaphore, #tpu.memory_space<semaphore_mem>>) src(%dma_wait3A_139 : memref<20x128xi32, #tpu.memory_space<hbm>>) dst(%dma_wait3A_136 : memref<20x128xi32, #tpu.memory_space<vmem>>)
        tpu.yield
      }) : () -> ()
    } else {
    }
    %mul3A_17 = arith.constant 80 : i32
    %mul3A_18 = arith.muli %add3A, %mul3A_17 : i32
    %mul3A_19 = arith.constant 128 : i32
    %mul3A_20 = arith.muli %mul3A_18, %mul3A_19 : i32
    %barrier3A = arith.constant 0 : index
    tpu.barrier barrier_id(%barrier3A)
    %add3A_21 = arith.constant 0 : i32
    %add3A_22 = arith.addi %mul3A_20, %add3A_21 : i32
    %run_scoped3A = arith.constant 0 : i32
    "tpu.region"() ({
      %run_scoped3A_115 = tpu.sem_alloc : memref<!tpu.dma_semaphore, #tpu.memory_space<semaphore_mem>>
      %dma_start3A_116 = arith.constant 0 : i32
      %dma_start3A_117 = tpu.memref_slice %arg8[%run_scoped3A, %dma_start3A_116] : memref<2x128xi32, #tpu.memory_space<vmem>> -> memref<1x128xi32, #tpu.memory_space<vmem>>
      %dma_start3A_118 = tpu.memref_squeeze %dma_start3A_117 : memref<1x128xi32, #tpu.memory_space<vmem>> -> memref<128xi32, #tpu.memory_space<vmem>>
      %dma_start3A_119 = tpu.memref_slice %arg3[%add3A_22] : memref<320000xi32, #tpu.memory_space<hbm>> -> memref<128xi32, #tpu.memory_space<hbm>>
      %dma_start3A_120 = arith.constant 0 : i32
      %dma_start3A_121 = tpu.memref_slice %arg8[%run_scoped3A, %dma_start3A_120] : memref<2x128xi32, #tpu.memory_space<vmem>> -> memref<1x128xi32, #tpu.memory_space<vmem>>
      %dma_start3A_122 = tpu.memref_squeeze %dma_start3A_121 : memref<1x128xi32, #tpu.memory_space<vmem>> -> memref<128xi32, #tpu.memory_space<vmem>>
      %dma_start3A_123 = tpu.memref_slice %arg3[%add3A_22] : memref<320000xi32, #tpu.memory_space<hbm>> -> memref<128xi32, #tpu.memory_space<hbm>>
      tpu.enqueue_dma source(%dma_start3A_123 : memref<128xi32, #tpu.memory_space<hbm>>) target(%dma_start3A_122 : memref<128xi32, #tpu.memory_space<vmem>>) target_semaphore(%run_scoped3A_115 : memref<!tpu.dma_semaphore, #tpu.memory_space<semaphore_mem>>)
      %dma_wait3A_124 = arith.constant 0 : i32
      %dma_wait3A_125 = tpu.memref_slice %arg8[%run_scoped3A, %dma_wait3A_124] : memref<2x128xi32, #tpu.memory_space<vmem>> -> memref<1x128xi32, #tpu.memory_space<vmem>>
      %dma_wait3A_126 = tpu.memref_squeeze %dma_wait3A_125 : memref<1x128xi32, #tpu.memory_space<vmem>> -> memref<128xi32, #tpu.memory_space<vmem>>
      %dma_wait3A_127 = tpu.memref_slice %arg3[%add3A_22] : memref<320000xi32, #tpu.memory_space<hbm>> -> memref<128xi32, #tpu.memory_space<hbm>>
      %dma_wait3A_128 = arith.constant 0 : i32
      %dma_wait3A_129 = tpu.memref_slice %arg8[%run_scoped3A, %dma_wait3A_128] : memref<2x128xi32, #tpu.memory_space<vmem>> -> memref<1x128xi32, #tpu.memory_space<vmem>>
      %dma_wait3A_130 = tpu.memref_squeeze %dma_wait3A_129 : memref<1x128xi32, #tpu.memory_space<vmem>> -> memref<128xi32, #tpu.memory_space<vmem>>
      %dma_wait3A_131 = tpu.memref_slice %arg3[%add3A_22] : memref<320000xi32, #tpu.memory_space<hbm>> -> memref<128xi32, #tpu.memory_space<hbm>>
      tpu.wait_dma2 semaphore(%run_scoped3A_115 : memref<!tpu.dma_semaphore, #tpu.memory_space<semaphore_mem>>) src(%dma_wait3A_131 : memref<128xi32, #tpu.memory_space<hbm>>) dst(%dma_wait3A_130 : memref<128xi32, #tpu.memory_space<vmem>>)
      tpu.yield
    }) : () -> ()
    %dma_start3A = arith.constant 0 : i32
    %dma_start3A_23 = arith.constant 0 : i32
    %dma_start3A_24 = arith.constant 0 : i32
    %dma_start3A_25 = arith.constant 0 : i32
    %dma_start3A_26 = tpu.memref_slice %arg10[%dma_start3A_23, %dma_start3A_24, %dma_start3A_25] : memref<2x128x128xf32, #tpu.memory_space<vmem>> -> memref<1x128x128xf32, #tpu.memory_space<vmem>>
    %dma_start3A_27 = tpu.memref_squeeze %dma_start3A_26 : memref<1x128x128xf32, #tpu.memory_space<vmem>> -> memref<128x128xf32, #tpu.memory_space<vmem>>
    %dma_start3A_28 = arith.constant 0 : i32
    %dma_start3A_29 = tpu.memref_slice %arg8[%dma_start3A, %dma_start3A_28] : memref<2x128xi32, #tpu.memory_space<vmem>> -> memref<1x128xi32, #tpu.memory_space<vmem>>
    %dma_start3A_30 = tpu.memref_squeeze %dma_start3A_29 : memref<1x128xi32, #tpu.memory_space<vmem>> -> memref<128xi32, #tpu.memory_space<vmem>>
    %dma_start3A_31 = arith.constant 0 : i32
    %dma_start3A_32 = arith.constant 0 : i32
    %dma_start3A_33 = tpu.memref_slice %arg2[%dma_start3A_31, %dma_start3A_32] : memref<10000x128xf32, #tpu.memory_space<hbm>> -> memref<10000x128xf32, #tpu.memory_space<hbm>>
    tpu.enqueue_indirect_dma source(%dma_start3A_33 : memref<10000x128xf32, #tpu.memory_space<hbm>>) target(%dma_start3A_27 : memref<128x128xf32, #tpu.memory_space<vmem>>) offsets(%dma_start3A_30 : memref<128xi32, #tpu.memory_space<vmem>>) semaphore(%arg11 : memref<!tpu.dma_semaphore, #tpu.memory_space<semaphore_mem>>)
    %add3A_34 = arith.constant 128 : i32
    %add3A_35 = arith.addi %mul3A_20, %add3A_34 : i32
    %run_scoped3A_36 = arith.constant 1 : i32
    "tpu.region"() ({
      %run_scoped3A_115 = tpu.sem_alloc : memref<!tpu.dma_semaphore, #tpu.memory_space<semaphore_mem>>
      %dma_start3A_116 = arith.constant 0 : i32
      %dma_start3A_117 = tpu.memref_slice %arg8[%run_scoped3A_36, %dma_start3A_116] : memref<2x128xi32, #tpu.memory_space<vmem>> -> memref<1x128xi32, #tpu.memory_space<vmem>>
      %dma_start3A_118 = tpu.memref_squeeze %dma_start3A_117 : memref<1x128xi32, #tpu.memory_space<vmem>> -> memref<128xi32, #tpu.memory_space<vmem>>
      %dma_start3A_119 = tpu.memref_slice %arg3[%add3A_35] : memref<320000xi32, #tpu.memory_space<hbm>> -> memref<128xi32, #tpu.memory_space<hbm>>
      %dma_start3A_120 = arith.constant 0 : i32
      %dma_start3A_121 = tpu.memref_slice %arg8[%run_scoped3A_36, %dma_start3A_120] : memref<2x128xi32, #tpu.memory_space<vmem>> -> memref<1x128xi32, #tpu.memory_space<vmem>>
      %dma_start3A_122 = tpu.memref_squeeze %dma_start3A_121 : memref<1x128xi32, #tpu.memory_space<vmem>> -> memref<128xi32, #tpu.memory_space<vmem>>
      %dma_start3A_123 = tpu.memref_slice %arg3[%add3A_35] : memref<320000xi32, #tpu.memory_space<hbm>> -> memref<128xi32, #tpu.memory_space<hbm>>
      tpu.enqueue_dma source(%dma_start3A_123 : memref<128xi32, #tpu.memory_space<hbm>>) target(%dma_start3A_122 : memref<128xi32, #tpu.memory_space<vmem>>) target_semaphore(%run_scoped3A_115 : memref<!tpu.dma_semaphore, #tpu.memory_space<semaphore_mem>>)
      %dma_wait3A_124 = arith.constant 0 : i32
      %dma_wait3A_125 = tpu.memref_slice %arg8[%run_scoped3A_36, %dma_wait3A_124] : memref<2x128xi32, #tpu.memory_space<vmem>> -> memref<1x128xi32, #tpu.memory_space<vmem>>
      %dma_wait3A_126 = tpu.memref_squeeze %dma_wait3A_125 : memref<1x128xi32, #tpu.memory_space<vmem>> -> memref<128xi32, #tpu.memory_space<vmem>>
      %dma_wait3A_127 = tpu.memref_slice %arg3[%add3A_35] : memref<320000xi32, #tpu.memory_space<hbm>> -> memref<128xi32, #tpu.memory_space<hbm>>
      %dma_wait3A_128 = arith.constant 0 : i32
      %dma_wait3A_129 = tpu.memref_slice %arg8[%run_scoped3A_36, %dma_wait3A_128] : memref<2x128xi32, #tpu.memory_space<vmem>> -> memref<1x128xi32, #tpu.memory_space<vmem>>
      %dma_wait3A_130 = tpu.memref_squeeze %dma_wait3A_129 : memref<1x128xi32, #tpu.memory_space<vmem>> -> memref<128xi32, #tpu.memory_space<vmem>>
      %dma_wait3A_131 = tpu.memref_slice %arg3[%add3A_35] : memref<320000xi32, #tpu.memory_space<hbm>> -> memref<128xi32, #tpu.memory_space<hbm>>
      tpu.wait_dma2 semaphore(%run_scoped3A_115 : memref<!tpu.dma_semaphore, #tpu.memory_space<semaphore_mem>>) src(%dma_wait3A_131 : memref<128xi32, #tpu.memory_space<hbm>>) dst(%dma_wait3A_130 : memref<128xi32, #tpu.memory_space<vmem>>)
      tpu.yield
    }) : () -> ()
    %dma_start3A_37 = arith.constant 1 : i32
    %dma_start3A_38 = arith.constant 1 : i32
    %dma_start3A_39 = arith.constant 0 : i32
    %dma_start3A_40 = arith.constant 0 : i32
    %dma_start3A_41 = tpu.memref_slice %arg10[%dma_start3A_38, %dma_start3A_39, %dma_start3A_40] : memref<2x128x128xf32, #tpu.memory_space<vmem>> -> memref<1x128x128xf32, #tpu.memory_space<vmem>>
    %dma_start3A_42 = tpu.memref_squeeze %dma_start3A_41 : memref<1x128x128xf32, #tpu.memory_space<vmem>> -> memref<128x128xf32, #tpu.memory_space<vmem>>
    %dma_start3A_43 = arith.constant 0 : i32
    %dma_start3A_44 = tpu.memref_slice %arg8[%dma_start3A_37, %dma_start3A_43] : memref<2x128xi32, #tpu.memory_space<vmem>> -> memref<1x128xi32, #tpu.memory_space<vmem>>
    %dma_start3A_45 = tpu.memref_squeeze %dma_start3A_44 : memref<1x128xi32, #tpu.memory_space<vmem>> -> memref<128xi32, #tpu.memory_space<vmem>>
    %dma_start3A_46 = arith.constant 0 : i32
    %dma_start3A_47 = arith.constant 0 : i32
    %dma_start3A_48 = tpu.memref_slice %arg2[%dma_start3A_46, %dma_start3A_47] : memref<10000x128xf32, #tpu.memory_space<hbm>> -> memref<10000x128xf32, #tpu.memory_space<hbm>>
    tpu.enqueue_indirect_dma source(%dma_start3A_48 : memref<10000x128xf32, #tpu.memory_space<hbm>>) target(%dma_start3A_42 : memref<128x128xf32, #tpu.memory_space<vmem>>) offsets(%dma_start3A_45 : memref<128xi32, #tpu.memory_space<vmem>>) semaphore(%arg12 : memref<!tpu.dma_semaphore, #tpu.memory_space<semaphore_mem>>)
    %jit3A_49 = arith.constant 2 : i32
    %div3A = arith.divsi %select_n3A, %jit3A_49 : i32
    %sign3A = arith.constant 0 : i32
    %sign3A_50 = arith.cmpi sgt, %select_n3A, %sign3A : i32
    %sign3A_51 = arith.extui %sign3A_50 : i1 to i32
    %sign3A_52 = arith.constant 0 : i32
    %sign3A_53 = arith.cmpi slt, %select_n3A, %sign3A_52 : i32
    %sign3A_54 = arith.extui %sign3A_53 : i1 to i32
    %sign3A_55 = arith.subi %sign3A_51, %sign3A_54 : i32
    %sign3A_56 = arith.constant 0 : i32
    %sign3A_57 = arith.cmpi sgt, %jit3A_49, %sign3A_56 : i32
    %sign3A_58 = arith.extui %sign3A_57 : i1 to i32
    %sign3A_59 = arith.constant 0 : i32
    %sign3A_60 = arith.cmpi slt, %jit3A_49, %sign3A_59 : i32
    %sign3A_61 = arith.extui %sign3A_60 : i1 to i32
    %sign3A_62 = arith.subi %sign3A_58, %sign3A_61 : i32
    %ne3A = arith.cmpi ne, %sign3A_55, %sign3A_62 : i32
    %rem3A = arith.remsi %select_n3A, %jit3A_49 : i32
    %ne3A_63 = arith.constant 0 : i32
    %ne3A_64 = arith.cmpi ne, %rem3A, %ne3A_63 : i32
    %and3A = arith.andi %ne3A, %ne3A_64 : i1
    %sub3A = arith.constant 1 : i32
    %sub3A_65 = arith.subi %div3A, %sub3A : i32
    %select_n3A_66 = arith.select %and3A, %sub3A_65, %div3A : i32
    %while3A = arith.constant 0 : i32
    %while3A_67 = arith.constant 0 : i32
    %while3A_68 = arith.subi %select_n3A_66, %while3A_67 : i32
    %while3A_69 = arith.addi %while3A_67, %while3A_68 : i32
    %while3A_70 = arith.constant 1 : i32
    %while3A_71 = arith.divsi %while3A_68, %while3A_70 : i32
    %while3A_72 = arith.muli %while3A_71, %while3A_70 : i32
    %while3A_73 = arith.addi %while3A_67, %while3A_72 : i32
    %while3A_74 = arith.constant 1 : i32
    scf.for %while3A_115 = %while3A_67 to %while3A_73 step %while3A_74  : i32 {
      %mul3A_116 = arith.constant 2 : i32
      %mul3A_117 = arith.muli %while3A_115, %mul3A_116 : i32
      %add3A_118 = arith.constant 0 : i32
      %add3A_119 = arith.addi %mul3A_117, %add3A_118 : i32
      %dma_wait3A_120 = arith.constant 0 : i32
      %dma_wait3A_121 = arith.constant 0 : i32
      %dma_wait3A_122 = arith.constant 0 : i32
      %dma_wait3A_123 = arith.constant 0 : i32
      %dma_wait3A_124 = tpu.memref_slice %arg10[%dma_wait3A_121, %dma_wait3A_122, %dma_wait3A_123] : memref<2x128x128xf32, #tpu.memory_space<vmem>> -> memref<1x128x128xf32, #tpu.memory_space<vmem>>
      %dma_wait3A_125 = tpu.memref_squeeze %dma_wait3A_124 : memref<1x128x128xf32, #tpu.memory_space<vmem>> -> memref<128x128xf32, #tpu.memory_space<vmem>>
      %dma_wait3A_126 = arith.constant 0 : i32
      %dma_wait3A_127 = tpu.memref_slice %arg8[%dma_wait3A_120, %dma_wait3A_126] : memref<2x128xi32, #tpu.memory_space<vmem>> -> memref<1x128xi32, #tpu.memory_space<vmem>>
      %dma_wait3A_128 = tpu.memref_squeeze %dma_wait3A_127 : memref<1x128xi32, #tpu.memory_space<vmem>> -> memref<128xi32, #tpu.memory_space<vmem>>
      %dma_wait3A_129 = arith.constant 0 : i32
      %dma_wait3A_130 = arith.constant 0 : i32
      %dma_wait3A_131 = tpu.memref_slice %arg2[%dma_wait3A_129, %dma_wait3A_130] : memref<10000x128xf32, #tpu.memory_space<hbm>> -> memref<10000x128xf32, #tpu.memory_space<hbm>>
      tpu.wait_indirect_dma semaphore(%arg11 : memref<!tpu.dma_semaphore, #tpu.memory_space<semaphore_mem>>) src(%dma_wait3A_131 : memref<10000x128xf32, #tpu.memory_space<hbm>>) dst(%dma_wait3A_125 : memref<128x128xf32, #tpu.memory_space<vmem>>)
      %dma_start3A_132 = arith.constant 0 : i32
      %dma_start3A_133 = arith.constant 0 : i32
      %dma_start3A_134 = arith.constant 0 : i32
      %dma_start3A_135 = tpu.memref_slice %arg10[%dma_start3A_132, %dma_start3A_133, %dma_start3A_134] : memref<2x128x128xf32, #tpu.memory_space<vmem>> -> memref<1x128x128xf32, #tpu.memory_space<vmem>>
      %dma_start3A_136 = tpu.memref_squeeze %dma_start3A_135 : memref<1x128x128xf32, #tpu.memory_space<vmem>> -> memref<128x128xf32, #tpu.memory_space<vmem>>
      %dma_start3A_137 = arith.constant 0 : i32
      %dma_start3A_138 = tpu.memref_slice %arg9[%add3A_119, %dma_start3A_137] : memref<80x128xi32, #tpu.memory_space<vmem>> -> memref<1x128xi32, #tpu.memory_space<vmem>>
      %dma_start3A_139 = tpu.memref_squeeze %dma_start3A_138 : memref<1x128xi32, #tpu.memory_space<vmem>> -> memref<128xi32, #tpu.memory_space<vmem>>
      %dma_start3A_140 = arith.constant 0 : i32
      %dma_start3A_141 = arith.constant 0 : i32
      %dma_start3A_142 = tpu.memref_slice %arg7[%dma_start3A_140, %dma_start3A_141] : memref<10000x128xf32, #tpu.memory_space<vmem_shared>> -> memref<10000x128xf32, #tpu.memory_space<vmem_shared>>
      tpu.enqueue_indirect_dma source(%dma_start3A_136 : memref<128x128xf32, #tpu.memory_space<vmem>>) target(%dma_start3A_142 : memref<10000x128xf32, #tpu.memory_space<vmem_shared>>) offsets(%dma_start3A_139 : memref<128xi32, #tpu.memory_space<vmem>>) semaphore(%arg13 : memref<!tpu.dma_semaphore, #tpu.memory_space<semaphore_mem>>) {add = true}
      %mul3A_143 = arith.constant 2 : i32
      %mul3A_144 = arith.muli %while3A_115, %mul3A_143 : i32
      %add3A_145 = arith.constant 1 : i32
      %add3A_146 = arith.addi %mul3A_144, %add3A_145 : i32
      %dma_wait3A_147 = arith.constant 1 : i32
      %dma_wait3A_148 = arith.constant 1 : i32
      %dma_wait3A_149 = arith.constant 0 : i32
      %dma_wait3A_150 = arith.constant 0 : i32
      %dma_wait3A_151 = tpu.memref_slice %arg10[%dma_wait3A_148, %dma_wait3A_149, %dma_wait3A_150] : memref<2x128x128xf32, #tpu.memory_space<vmem>> -> memref<1x128x128xf32, #tpu.memory_space<vmem>>
      %dma_wait3A_152 = tpu.memref_squeeze %dma_wait3A_151 : memref<1x128x128xf32, #tpu.memory_space<vmem>> -> memref<128x128xf32, #tpu.memory_space<vmem>>
      %dma_wait3A_153 = arith.constant 0 : i32
      %dma_wait3A_154 = tpu.memref_slice %arg8[%dma_wait3A_147, %dma_wait3A_153] : memref<2x128xi32, #tpu.memory_space<vmem>> -> memref<1x128xi32, #tpu.memory_space<vmem>>
      %dma_wait3A_155 = tpu.memref_squeeze %dma_wait3A_154 : memref<1x128xi32, #tpu.memory_space<vmem>> -> memref<128xi32, #tpu.memory_space<vmem>>
      %dma_wait3A_156 = arith.constant 0 : i32
      %dma_wait3A_157 = arith.constant 0 : i32
      %dma_wait3A_158 = tpu.memref_slice %arg2[%dma_wait3A_156, %dma_wait3A_157] : memref<10000x128xf32, #tpu.memory_space<hbm>> -> memref<10000x128xf32, #tpu.memory_space<hbm>>
      tpu.wait_indirect_dma semaphore(%arg12 : memref<!tpu.dma_semaphore, #tpu.memory_space<semaphore_mem>>) src(%dma_wait3A_158 : memref<10000x128xf32, #tpu.memory_space<hbm>>) dst(%dma_wait3A_152 : memref<128x128xf32, #tpu.memory_space<vmem>>)
      %dma_start3A_159 = arith.constant 1 : i32
      %dma_start3A_160 = arith.constant 0 : i32
      %dma_start3A_161 = arith.constant 0 : i32
      %dma_start3A_162 = tpu.memref_slice %arg10[%dma_start3A_159, %dma_start3A_160, %dma_start3A_161] : memref<2x128x128xf32, #tpu.memory_space<vmem>> -> memref<1x128x128xf32, #tpu.memory_space<vmem>>
      %dma_start3A_163 = tpu.memref_squeeze %dma_start3A_162 : memref<1x128x128xf32, #tpu.memory_space<vmem>> -> memref<128x128xf32, #tpu.memory_space<vmem>>
      %dma_start3A_164 = arith.constant 0 : i32
      %dma_start3A_165 = tpu.memref_slice %arg9[%add3A_146, %dma_start3A_164] : memref<80x128xi32, #tpu.memory_space<vmem>> -> memref<1x128xi32, #tpu.memory_space<vmem>>
      %dma_start3A_166 = tpu.memref_squeeze %dma_start3A_165 : memref<1x128xi32, #tpu.memory_space<vmem>> -> memref<128xi32, #tpu.memory_space<vmem>>
      %dma_start3A_167 = arith.constant 0 : i32
      %dma_start3A_168 = arith.constant 0 : i32
      %dma_start3A_169 = tpu.memref_slice %arg7[%dma_start3A_167, %dma_start3A_168] : memref<10000x128xf32, #tpu.memory_space<vmem_shared>> -> memref<10000x128xf32, #tpu.memory_space<vmem_shared>>
      tpu.enqueue_indirect_dma source(%dma_start3A_163 : memref<128x128xf32, #tpu.memory_space<vmem>>) target(%dma_start3A_169 : memref<10000x128xf32, #tpu.memory_space<vmem_shared>>) offsets(%dma_start3A_166 : memref<128xi32, #tpu.memory_space<vmem>>) semaphore(%arg14 : memref<!tpu.dma_semaphore, #tpu.memory_space<semaphore_mem>>) {add = true}
      %mul3A_170 = arith.constant 2 : i32
      %mul3A_171 = arith.muli %while3A_115, %mul3A_170 : i32
      %add3A_172 = arith.constant 0 : i32
      %add3A_173 = arith.addi %mul3A_171, %add3A_172 : i32
      %add3A_174 = arith.constant 2 : i32
      %add3A_175 = arith.addi %add3A_173, %add3A_174 : i32
      %lt3A = arith.cmpi slt, %add3A_175, %select_n3A : i32
      %convert_element_type3A_176 = arith.extui %lt3A : i1 to i32
      %cond3A_177 = arith.constant 0 : i32
      %cond3A_178 = arith.cmpi ne, %convert_element_type3A_176, %cond3A_177 : i32
      scf.if %cond3A_178 {
        %sub3A_189 = arith.constant 2 : i32
        %sub3A_190 = arith.subi %add3A_175, %sub3A_189 : i32
        %dma_wait3A_191 = arith.constant 0 : i32
        %dma_wait3A_192 = arith.constant 0 : i32
        %dma_wait3A_193 = arith.constant 0 : i32
        %dma_wait3A_194 = tpu.memref_slice %arg10[%dma_wait3A_191, %dma_wait3A_192, %dma_wait3A_193] : memref<2x128x128xf32, #tpu.memory_space<vmem>> -> memref<1x128x128xf32, #tpu.memory_space<vmem>>
        %dma_wait3A_195 = tpu.memref_squeeze %dma_wait3A_194 : memref<1x128x128xf32, #tpu.memory_space<vmem>> -> memref<128x128xf32, #tpu.memory_space<vmem>>
        %dma_wait3A_196 = arith.constant 0 : i32
        %dma_wait3A_197 = tpu.memref_slice %arg9[%sub3A_190, %dma_wait3A_196] : memref<80x128xi32, #tpu.memory_space<vmem>> -> memref<1x128xi32, #tpu.memory_space<vmem>>
        %dma_wait3A_198 = tpu.memref_squeeze %dma_wait3A_197 : memref<1x128xi32, #tpu.memory_space<vmem>> -> memref<128xi32, #tpu.memory_space<vmem>>
        %dma_wait3A_199 = arith.constant 0 : i32
        %dma_wait3A_200 = arith.constant 0 : i32
        %dma_wait3A_201 = tpu.memref_slice %arg7[%dma_wait3A_199, %dma_wait3A_200] : memref<10000x128xf32, #tpu.memory_space<vmem_shared>> -> memref<10000x128xf32, #tpu.memory_space<vmem_shared>>
        tpu.wait_indirect_dma semaphore(%arg13 : memref<!tpu.dma_semaphore, #tpu.memory_space<semaphore_mem>>) src(%dma_wait3A_195 : memref<128x128xf32, #tpu.memory_space<vmem>>) dst(%dma_wait3A_201 : memref<10000x128xf32, #tpu.memory_space<vmem_shared>>)
        %mul3A_202 = arith.constant 128 : i32
        %mul3A_203 = arith.muli %add3A_175, %mul3A_202 : i32
        %add3A_204 = arith.addi %mul3A_20, %mul3A_203 : i32
        %run_scoped3A_205 = arith.constant 0 : i32
        "tpu.region"() ({
          %run_scoped3A_218 = tpu.sem_alloc : memref<!tpu.dma_semaphore, #tpu.memory_space<semaphore_mem>>
          %dma_start3A_219 = arith.constant 0 : i32
          %dma_start3A_220 = tpu.memref_slice %arg8[%run_scoped3A_205, %dma_start3A_219] : memref<2x128xi32, #tpu.memory_space<vmem>> -> memref<1x128xi32, #tpu.memory_space<vmem>>
          %dma_start3A_221 = tpu.memref_squeeze %dma_start3A_220 : memref<1x128xi32, #tpu.memory_space<vmem>> -> memref<128xi32, #tpu.memory_space<vmem>>
          %dma_start3A_222 = tpu.memref_slice %arg3[%add3A_204] : memref<320000xi32, #tpu.memory_space<hbm>> -> memref<128xi32, #tpu.memory_space<hbm>>
          %dma_start3A_223 = arith.constant 0 : i32
          %dma_start3A_224 = tpu.memref_slice %arg8[%run_scoped3A_205, %dma_start3A_223] : memref<2x128xi32, #tpu.memory_space<vmem>> -> memref<1x128xi32, #tpu.memory_space<vmem>>
          %dma_start3A_225 = tpu.memref_squeeze %dma_start3A_224 : memref<1x128xi32, #tpu.memory_space<vmem>> -> memref<128xi32, #tpu.memory_space<vmem>>
          %dma_start3A_226 = tpu.memref_slice %arg3[%add3A_204] : memref<320000xi32, #tpu.memory_space<hbm>> -> memref<128xi32, #tpu.memory_space<hbm>>
          tpu.enqueue_dma source(%dma_start3A_226 : memref<128xi32, #tpu.memory_space<hbm>>) target(%dma_start3A_225 : memref<128xi32, #tpu.memory_space<vmem>>) target_semaphore(%run_scoped3A_218 : memref<!tpu.dma_semaphore, #tpu.memory_space<semaphore_mem>>)
          %dma_wait3A_227 = arith.constant 0 : i32
          %dma_wait3A_228 = tpu.memref_slice %arg8[%run_scoped3A_205, %dma_wait3A_227] : memref<2x128xi32, #tpu.memory_space<vmem>> -> memref<1x128xi32, #tpu.memory_space<vmem>>
          %dma_wait3A_229 = tpu.memref_squeeze %dma_wait3A_228 : memref<1x128xi32, #tpu.memory_space<vmem>> -> memref<128xi32, #tpu.memory_space<vmem>>
          %dma_wait3A_230 = tpu.memref_slice %arg3[%add3A_204] : memref<320000xi32, #tpu.memory_space<hbm>> -> memref<128xi32, #tpu.memory_space<hbm>>
          %dma_wait3A_231 = arith.constant 0 : i32
          %dma_wait3A_232 = tpu.memref_slice %arg8[%run_scoped3A_205, %dma_wait3A_231] : memref<2x128xi32, #tpu.memory_space<vmem>> -> memref<1x128xi32, #tpu.memory_space<vmem>>
          %dma_wait3A_233 = tpu.memref_squeeze %dma_wait3A_232 : memref<1x128xi32, #tpu.memory_space<vmem>> -> memref<128xi32, #tpu.memory_space<vmem>>
          %dma_wait3A_234 = tpu.memref_slice %arg3[%add3A_204] : memref<320000xi32, #tpu.memory_space<hbm>> -> memref<128xi32, #tpu.memory_space<hbm>>
          tpu.wait_dma2 semaphore(%run_scoped3A_218 : memref<!tpu.dma_semaphore, #tpu.memory_space<semaphore_mem>>) src(%dma_wait3A_234 : memref<128xi32, #tpu.memory_space<hbm>>) dst(%dma_wait3A_233 : memref<128xi32, #tpu.memory_space<vmem>>)
          tpu.yield
        }) : () -> ()
        %dma_start3A_206 = arith.constant 0 : i32
        %dma_start3A_207 = arith.constant 0 : i32
        %dma_start3A_208 = arith.constant 0 : i32
        %dma_start3A_209 = arith.constant 0 : i32
        %dma_start3A_210 = tpu.memref_slice %arg10[%dma_start3A_207, %dma_start3A_208, %dma_start3A_209] : memref<2x128x128xf32, #tpu.memory_space<vmem>> -> memref<1x128x128xf32, #tpu.memory_space<vmem>>
        %dma_start3A_211 = tpu.memref_squeeze %dma_start3A_210 : memref<1x128x128xf32, #tpu.memory_space<vmem>> -> memref<128x128xf32, #tpu.memory_space<vmem>>
        %dma_start3A_212 = arith.constant 0 : i32
        %dma_start3A_213 = tpu.memref_slice %arg8[%dma_start3A_206, %dma_start3A_212] : memref<2x128xi32, #tpu.memory_space<vmem>> -> memref<1x128xi32, #tpu.memory_space<vmem>>
        %dma_start3A_214 = tpu.memref_squeeze %dma_start3A_213 : memref<1x128xi32, #tpu.memory_space<vmem>> -> memref<128xi32, #tpu.memory_space<vmem>>
        %dma_start3A_215 = arith.constant 0 : i32
        %dma_start3A_216 = arith.constant 0 : i32
        %dma_start3A_217 = tpu.memref_slice %arg2[%dma_start3A_215, %dma_start3A_216] : memref<10000x128xf32, #tpu.memory_space<hbm>> -> memref<10000x128xf32, #tpu.memory_space<hbm>>
        tpu.enqueue_indirect_dma source(%dma_start3A_217 : memref<10000x128xf32, #tpu.memory_space<hbm>>) target(%dma_start3A_211 : memref<128x128xf32, #tpu.memory_space<vmem>>) offsets(%dma_start3A_214 : memref<128xi32, #tpu.memory_space<vmem>>) semaphore(%arg11 : memref<!tpu.dma_semaphore, #tpu.memory_space<semaphore_mem>>)
      } else {
      }
      %mul3A_179 = arith.constant 2 : i32
      %mul3A_180 = arith.muli %while3A_115, %mul3A_179 : i32
      %add3A_181 = arith.constant 1 : i32
      %add3A_182 = arith.addi %mul3A_180, %add3A_181 : i32
      %add3A_183 = arith.constant 2 : i32
      %add3A_184 = arith.addi %add3A_182, %add3A_183 : i32
      %lt3A_185 = arith.cmpi slt, %add3A_184, %select_n3A : i32
      %convert_element_type3A_186 = arith.extui %lt3A_185 : i1 to i32
      %cond3A_187 = arith.constant 0 : i32
      %cond3A_188 = arith.cmpi ne, %convert_element_type3A_186, %cond3A_187 : i32
      scf.if %cond3A_188 {
        %sub3A_189 = arith.constant 2 : i32
        %sub3A_190 = arith.subi %add3A_184, %sub3A_189 : i32
        %dma_wait3A_191 = arith.constant 1 : i32
        %dma_wait3A_192 = arith.constant 0 : i32
        %dma_wait3A_193 = arith.constant 0 : i32
        %dma_wait3A_194 = tpu.memref_slice %arg10[%dma_wait3A_191, %dma_wait3A_192, %dma_wait3A_193] : memref<2x128x128xf32, #tpu.memory_space<vmem>> -> memref<1x128x128xf32, #tpu.memory_space<vmem>>
        %dma_wait3A_195 = tpu.memref_squeeze %dma_wait3A_194 : memref<1x128x128xf32, #tpu.memory_space<vmem>> -> memref<128x128xf32, #tpu.memory_space<vmem>>
        %dma_wait3A_196 = arith.constant 0 : i32
        %dma_wait3A_197 = tpu.memref_slice %arg9[%sub3A_190, %dma_wait3A_196] : memref<80x128xi32, #tpu.memory_space<vmem>> -> memref<1x128xi32, #tpu.memory_space<vmem>>
        %dma_wait3A_198 = tpu.memref_squeeze %dma_wait3A_197 : memref<1x128xi32, #tpu.memory_space<vmem>> -> memref<128xi32, #tpu.memory_space<vmem>>
        %dma_wait3A_199 = arith.constant 0 : i32
        %dma_wait3A_200 = arith.constant 0 : i32
        %dma_wait3A_201 = tpu.memref_slice %arg7[%dma_wait3A_199, %dma_wait3A_200] : memref<10000x128xf32, #tpu.memory_space<vmem_shared>> -> memref<10000x128xf32, #tpu.memory_space<vmem_shared>>
        tpu.wait_indirect_dma semaphore(%arg14 : memref<!tpu.dma_semaphore, #tpu.memory_space<semaphore_mem>>) src(%dma_wait3A_195 : memref<128x128xf32, #tpu.memory_space<vmem>>) dst(%dma_wait3A_201 : memref<10000x128xf32, #tpu.memory_space<vmem_shared>>)
        %mul3A_202 = arith.constant 128 : i32
        %mul3A_203 = arith.muli %add3A_184, %mul3A_202 : i32
        %add3A_204 = arith.addi %mul3A_20, %mul3A_203 : i32
        %run_scoped3A_205 = arith.constant 1 : i32
        "tpu.region"() ({
          %run_scoped3A_218 = tpu.sem_alloc : memref<!tpu.dma_semaphore, #tpu.memory_space<semaphore_mem>>
          %dma_start3A_219 = arith.constant 0 : i32
          %dma_start3A_220 = tpu.memref_slice %arg8[%run_scoped3A_205, %dma_start3A_219] : memref<2x128xi32, #tpu.memory_space<vmem>> -> memref<1x128xi32, #tpu.memory_space<vmem>>
          %dma_start3A_221 = tpu.memref_squeeze %dma_start3A_220 : memref<1x128xi32, #tpu.memory_space<vmem>> -> memref<128xi32, #tpu.memory_space<vmem>>
          %dma_start3A_222 = tpu.memref_slice %arg3[%add3A_204] : memref<320000xi32, #tpu.memory_space<hbm>> -> memref<128xi32, #tpu.memory_space<hbm>>
          %dma_start3A_223 = arith.constant 0 : i32
          %dma_start3A_224 = tpu.memref_slice %arg8[%run_scoped3A_205, %dma_start3A_223] : memref<2x128xi32, #tpu.memory_space<vmem>> -> memref<1x128xi32, #tpu.memory_space<vmem>>
          %dma_start3A_225 = tpu.memref_squeeze %dma_start3A_224 : memref<1x128xi32, #tpu.memory_space<vmem>> -> memref<128xi32, #tpu.memory_space<vmem>>
          %dma_start3A_226 = tpu.memref_slice %arg3[%add3A_204] : memref<320000xi32, #tpu.memory_space<hbm>> -> memref<128xi32, #tpu.memory_space<hbm>>
          tpu.enqueue_dma source(%dma_start3A_226 : memref<128xi32, #tpu.memory_space<hbm>>) target(%dma_start3A_225 : memref<128xi32, #tpu.memory_space<vmem>>) target_semaphore(%run_scoped3A_218 : memref<!tpu.dma_semaphore, #tpu.memory_space<semaphore_mem>>)
          %dma_wait3A_227 = arith.constant 0 : i32
          %dma_wait3A_228 = tpu.memref_slice %arg8[%run_scoped3A_205, %dma_wait3A_227] : memref<2x128xi32, #tpu.memory_space<vmem>> -> memref<1x128xi32, #tpu.memory_space<vmem>>
          %dma_wait3A_229 = tpu.memref_squeeze %dma_wait3A_228 : memref<1x128xi32, #tpu.memory_space<vmem>> -> memref<128xi32, #tpu.memory_space<vmem>>
          %dma_wait3A_230 = tpu.memref_slice %arg3[%add3A_204] : memref<320000xi32, #tpu.memory_space<hbm>> -> memref<128xi32, #tpu.memory_space<hbm>>
          %dma_wait3A_231 = arith.constant 0 : i32
          %dma_wait3A_232 = tpu.memref_slice %arg8[%run_scoped3A_205, %dma_wait3A_231] : memref<2x128xi32, #tpu.memory_space<vmem>> -> memref<1x128xi32, #tpu.memory_space<vmem>>
          %dma_wait3A_233 = tpu.memref_squeeze %dma_wait3A_232 : memref<1x128xi32, #tpu.memory_space<vmem>> -> memref<128xi32, #tpu.memory_space<vmem>>
          %dma_wait3A_234 = tpu.memref_slice %arg3[%add3A_204] : memref<320000xi32, #tpu.memory_space<hbm>> -> memref<128xi32, #tpu.memory_space<hbm>>
          tpu.wait_dma2 semaphore(%run_scoped3A_218 : memref<!tpu.dma_semaphore, #tpu.memory_space<semaphore_mem>>) src(%dma_wait3A_234 : memref<128xi32, #tpu.memory_space<hbm>>) dst(%dma_wait3A_233 : memref<128xi32, #tpu.memory_space<vmem>>)
          tpu.yield
        }) : () -> ()
        %dma_start3A_206 = arith.constant 1 : i32
        %dma_start3A_207 = arith.constant 1 : i32
        %dma_start3A_208 = arith.constant 0 : i32
        %dma_start3A_209 = arith.constant 0 : i32
        %dma_start3A_210 = tpu.memref_slice %arg10[%dma_start3A_207, %dma_start3A_208, %dma_start3A_209] : memref<2x128x128xf32, #tpu.memory_space<vmem>> -> memref<1x128x128xf32, #tpu.memory_space<vmem>>
        %dma_start3A_211 = tpu.memref_squeeze %dma_start3A_210 : memref<1x128x128xf32, #tpu.memory_space<vmem>> -> memref<128x128xf32, #tpu.memory_space<vmem>>
        %dma_start3A_212 = arith.constant 0 : i32
        %dma_start3A_213 = tpu.memref_slice %arg8[%dma_start3A_206, %dma_start3A_212] : memref<2x128xi32, #tpu.memory_space<vmem>> -> memref<1x128xi32, #tpu.memory_space<vmem>>
        %dma_start3A_214 = tpu.memref_squeeze %dma_start3A_213 : memref<1x128xi32, #tpu.memory_space<vmem>> -> memref<128xi32, #tpu.memory_space<vmem>>
        %dma_start3A_215 = arith.constant 0 : i32
        %dma_start3A_216 = arith.constant 0 : i32
        %dma_start3A_217 = tpu.memref_slice %arg2[%dma_start3A_215, %dma_start3A_216] : memref<10000x128xf32, #tpu.memory_space<hbm>> -> memref<10000x128xf32, #tpu.memory_space<hbm>>
        tpu.enqueue_indirect_dma source(%dma_start3A_217 : memref<10000x128xf32, #tpu.memory_space<hbm>>) target(%dma_start3A_211 : memref<128x128xf32, #tpu.memory_space<vmem>>) offsets(%dma_start3A_214 : memref<128xi32, #tpu.memory_space<vmem>>) semaphore(%arg12 : memref<!tpu.dma_semaphore, #tpu.memory_space<semaphore_mem>>)
      } else {
      }
    }
    %while3A_75 = arith.constant 1 : i32
    scf.for %while3A_115 = %while3A_73 to %while3A_69 step %while3A_75  : i32 {
      %mul3A_116 = arith.constant 2 : i32
      %mul3A_117 = arith.muli %while3A_115, %mul3A_116 : i32
      %add3A_118 = arith.constant 0 : i32
      %add3A_119 = arith.addi %mul3A_117, %add3A_118 : i32
      %dma_wait3A_120 = arith.constant 0 : i32
      %dma_wait3A_121 = arith.constant 0 : i32
      %dma_wait3A_122 = arith.constant 0 : i32
      %dma_wait3A_123 = arith.constant 0 : i32
      %dma_wait3A_124 = tpu.memref_slice %arg10[%dma_wait3A_121, %dma_wait3A_122, %dma_wait3A_123] : memref<2x128x128xf32, #tpu.memory_space<vmem>> -> memref<1x128x128xf32, #tpu.memory_space<vmem>>
      %dma_wait3A_125 = tpu.memref_squeeze %dma_wait3A_124 : memref<1x128x128xf32, #tpu.memory_space<vmem>> -> memref<128x128xf32, #tpu.memory_space<vmem>>
      %dma_wait3A_126 = arith.constant 0 : i32
      %dma_wait3A_127 = tpu.memref_slice %arg8[%dma_wait3A_120, %dma_wait3A_126] : memref<2x128xi32, #tpu.memory_space<vmem>> -> memref<1x128xi32, #tpu.memory_space<vmem>>
      %dma_wait3A_128 = tpu.memref_squeeze %dma_wait3A_127 : memref<1x128xi32, #tpu.memory_space<vmem>> -> memref<128xi32, #tpu.memory_space<vmem>>
      %dma_wait3A_129 = arith.constant 0 : i32
      %dma_wait3A_130 = arith.constant 0 : i32
      %dma_wait3A_131 = tpu.memref_slice %arg2[%dma_wait3A_129, %dma_wait3A_130] : memref<10000x128xf32, #tpu.memory_space<hbm>> -> memref<10000x128xf32, #tpu.memory_space<hbm>>
      tpu.wait_indirect_dma semaphore(%arg11 : memref<!tpu.dma_semaphore, #tpu.memory_space<semaphore_mem>>) src(%dma_wait3A_131 : memref<10000x128xf32, #tpu.memory_space<hbm>>) dst(%dma_wait3A_125 : memref<128x128xf32, #tpu.memory_space<vmem>>)
      %dma_start3A_132 = arith.constant 0 : i32
      %dma_start3A_133 = arith.constant 0 : i32
      %dma_start3A_134 = arith.constant 0 : i32
      %dma_start3A_135 = tpu.memref_slice %arg10[%dma_start3A_132, %dma_start3A_133, %dma_start3A_134] : memref<2x128x128xf32, #tpu.memory_space<vmem>> -> memref<1x128x128xf32, #tpu.memory_space<vmem>>
      %dma_start3A_136 = tpu.memref_squeeze %dma_start3A_135 : memref<1x128x128xf32, #tpu.memory_space<vmem>> -> memref<128x128xf32, #tpu.memory_space<vmem>>
      %dma_start3A_137 = arith.constant 0 : i32
      %dma_start3A_138 = tpu.memref_slice %arg9[%add3A_119, %dma_start3A_137] : memref<80x128xi32, #tpu.memory_space<vmem>> -> memref<1x128xi32, #tpu.memory_space<vmem>>
      %dma_start3A_139 = tpu.memref_squeeze %dma_start3A_138 : memref<1x128xi32, #tpu.memory_space<vmem>> -> memref<128xi32, #tpu.memory_space<vmem>>
      %dma_start3A_140 = arith.constant 0 : i32
      %dma_start3A_141 = arith.constant 0 : i32
      %dma_start3A_142 = tpu.memref_slice %arg7[%dma_start3A_140, %dma_start3A_141] : memref<10000x128xf32, #tpu.memory_space<vmem_shared>> -> memref<10000x128xf32, #tpu.memory_space<vmem_shared>>
      tpu.enqueue_indirect_dma source(%dma_start3A_136 : memref<128x128xf32, #tpu.memory_space<vmem>>) target(%dma_start3A_142 : memref<10000x128xf32, #tpu.memory_space<vmem_shared>>) offsets(%dma_start3A_139 : memref<128xi32, #tpu.memory_space<vmem>>) semaphore(%arg13 : memref<!tpu.dma_semaphore, #tpu.memory_space<semaphore_mem>>) {add = true}
      %mul3A_143 = arith.constant 2 : i32
      %mul3A_144 = arith.muli %while3A_115, %mul3A_143 : i32
      %add3A_145 = arith.constant 1 : i32
      %add3A_146 = arith.addi %mul3A_144, %add3A_145 : i32
      %dma_wait3A_147 = arith.constant 1 : i32
      %dma_wait3A_148 = arith.constant 1 : i32
      %dma_wait3A_149 = arith.constant 0 : i32
      %dma_wait3A_150 = arith.constant 0 : i32
      %dma_wait3A_151 = tpu.memref_slice %arg10[%dma_wait3A_148, %dma_wait3A_149, %dma_wait3A_150] : memref<2x128x128xf32, #tpu.memory_space<vmem>> -> memref<1x128x128xf32, #tpu.memory_space<vmem>>
      %dma_wait3A_152 = tpu.memref_squeeze %dma_wait3A_151 : memref<1x128x128xf32, #tpu.memory_space<vmem>> -> memref<128x128xf32, #tpu.memory_space<vmem>>
      %dma_wait3A_153 = arith.constant 0 : i32
      %dma_wait3A_154 = tpu.memref_slice %arg8[%dma_wait3A_147, %dma_wait3A_153] : memref<2x128xi32, #tpu.memory_space<vmem>> -> memref<1x128xi32, #tpu.memory_space<vmem>>
      %dma_wait3A_155 = tpu.memref_squeeze %dma_wait3A_154 : memref<1x128xi32, #tpu.memory_space<vmem>> -> memref<128xi32, #tpu.memory_space<vmem>>
      %dma_wait3A_156 = arith.constant 0 : i32
      %dma_wait3A_157 = arith.constant 0 : i32
      %dma_wait3A_158 = tpu.memref_slice %arg2[%dma_wait3A_156, %dma_wait3A_157] : memref<10000x128xf32, #tpu.memory_space<hbm>> -> memref<10000x128xf32, #tpu.memory_space<hbm>>
      tpu.wait_indirect_dma semaphore(%arg12 : memref<!tpu.dma_semaphore, #tpu.memory_space<semaphore_mem>>) src(%dma_wait3A_158 : memref<10000x128xf32, #tpu.memory_space<hbm>>) dst(%dma_wait3A_152 : memref<128x128xf32, #tpu.memory_space<vmem>>)
      %dma_start3A_159 = arith.constant 1 : i32
      %dma_start3A_160 = arith.constant 0 : i32
      %dma_start3A_161 = arith.constant 0 : i32
      %dma_start3A_162 = tpu.memref_slice %arg10[%dma_start3A_159, %dma_start3A_160, %dma_start3A_161] : memref<2x128x128xf32, #tpu.memory_space<vmem>> -> memref<1x128x128xf32, #tpu.memory_space<vmem>>
      %dma_start3A_163 = tpu.memref_squeeze %dma_start3A_162 : memref<1x128x128xf32, #tpu.memory_space<vmem>> -> memref<128x128xf32, #tpu.memory_space<vmem>>
      %dma_start3A_164 = arith.constant 0 : i32
      %dma_start3A_165 = tpu.memref_slice %arg9[%add3A_146, %dma_start3A_164] : memref<80x128xi32, #tpu.memory_space<vmem>> -> memref<1x128xi32, #tpu.memory_space<vmem>>
      %dma_start3A_166 = tpu.memref_squeeze %dma_start3A_165 : memref<1x128xi32, #tpu.memory_space<vmem>> -> memref<128xi32, #tpu.memory_space<vmem>>
      %dma_start3A_167 = arith.constant 0 : i32
      %dma_start3A_168 = arith.constant 0 : i32
      %dma_start3A_169 = tpu.memref_slice %arg7[%dma_start3A_167, %dma_start3A_168] : memref<10000x128xf32, #tpu.memory_space<vmem_shared>> -> memref<10000x128xf32, #tpu.memory_space<vmem_shared>>
      tpu.enqueue_indirect_dma source(%dma_start3A_163 : memref<128x128xf32, #tpu.memory_space<vmem>>) target(%dma_start3A_169 : memref<10000x128xf32, #tpu.memory_space<vmem_shared>>) offsets(%dma_start3A_166 : memref<128xi32, #tpu.memory_space<vmem>>) semaphore(%arg14 : memref<!tpu.dma_semaphore, #tpu.memory_space<semaphore_mem>>) {add = true}
      %mul3A_170 = arith.constant 2 : i32
      %mul3A_171 = arith.muli %while3A_115, %mul3A_170 : i32
      %add3A_172 = arith.constant 0 : i32
      %add3A_173 = arith.addi %mul3A_171, %add3A_172 : i32
      %add3A_174 = arith.constant 2 : i32
      %add3A_175 = arith.addi %add3A_173, %add3A_174 : i32
      %lt3A = arith.cmpi slt, %add3A_175, %select_n3A : i32
      %convert_element_type3A_176 = arith.extui %lt3A : i1 to i32
      %cond3A_177 = arith.constant 0 : i32
      %cond3A_178 = arith.cmpi ne, %convert_element_type3A_176, %cond3A_177 : i32
      scf.if %cond3A_178 {
        %sub3A_189 = arith.constant 2 : i32
        %sub3A_190 = arith.subi %add3A_175, %sub3A_189 : i32
        %dma_wait3A_191 = arith.constant 0 : i32
        %dma_wait3A_192 = arith.constant 0 : i32
        %dma_wait3A_193 = arith.constant 0 : i32
        %dma_wait3A_194 = tpu.memref_slice %arg10[%dma_wait3A_191, %dma_wait3A_192, %dma_wait3A_193] : memref<2x128x128xf32, #tpu.memory_space<vmem>> -> memref<1x128x128xf32, #tpu.memory_space<vmem>>
        %dma_wait3A_195 = tpu.memref_squeeze %dma_wait3A_194 : memref<1x128x128xf32, #tpu.memory_space<vmem>> -> memref<128x128xf32, #tpu.memory_space<vmem>>
        %dma_wait3A_196 = arith.constant 0 : i32
        %dma_wait3A_197 = tpu.memref_slice %arg9[%sub3A_190, %dma_wait3A_196] : memref<80x128xi32, #tpu.memory_space<vmem>> -> memref<1x128xi32, #tpu.memory_space<vmem>>
        %dma_wait3A_198 = tpu.memref_squeeze %dma_wait3A_197 : memref<1x128xi32, #tpu.memory_space<vmem>> -> memref<128xi32, #tpu.memory_space<vmem>>
        %dma_wait3A_199 = arith.constant 0 : i32
        %dma_wait3A_200 = arith.constant 0 : i32
        %dma_wait3A_201 = tpu.memref_slice %arg7[%dma_wait3A_199, %dma_wait3A_200] : memref<10000x128xf32, #tpu.memory_space<vmem_shared>> -> memref<10000x128xf32, #tpu.memory_space<vmem_shared>>
        tpu.wait_indirect_dma semaphore(%arg13 : memref<!tpu.dma_semaphore, #tpu.memory_space<semaphore_mem>>) src(%dma_wait3A_195 : memref<128x128xf32, #tpu.memory_space<vmem>>) dst(%dma_wait3A_201 : memref<10000x128xf32, #tpu.memory_space<vmem_shared>>)
        %mul3A_202 = arith.constant 128 : i32
        %mul3A_203 = arith.muli %add3A_175, %mul3A_202 : i32
        %add3A_204 = arith.addi %mul3A_20, %mul3A_203 : i32
        %run_scoped3A_205 = arith.constant 0 : i32
        "tpu.region"() ({
          %run_scoped3A_218 = tpu.sem_alloc : memref<!tpu.dma_semaphore, #tpu.memory_space<semaphore_mem>>
          %dma_start3A_219 = arith.constant 0 : i32
          %dma_start3A_220 = tpu.memref_slice %arg8[%run_scoped3A_205, %dma_start3A_219] : memref<2x128xi32, #tpu.memory_space<vmem>> -> memref<1x128xi32, #tpu.memory_space<vmem>>
          %dma_start3A_221 = tpu.memref_squeeze %dma_start3A_220 : memref<1x128xi32, #tpu.memory_space<vmem>> -> memref<128xi32, #tpu.memory_space<vmem>>
          %dma_start3A_222 = tpu.memref_slice %arg3[%add3A_204] : memref<320000xi32, #tpu.memory_space<hbm>> -> memref<128xi32, #tpu.memory_space<hbm>>
          %dma_start3A_223 = arith.constant 0 : i32
          %dma_start3A_224 = tpu.memref_slice %arg8[%run_scoped3A_205, %dma_start3A_223] : memref<2x128xi32, #tpu.memory_space<vmem>> -> memref<1x128xi32, #tpu.memory_space<vmem>>
          %dma_start3A_225 = tpu.memref_squeeze %dma_start3A_224 : memref<1x128xi32, #tpu.memory_space<vmem>> -> memref<128xi32, #tpu.memory_space<vmem>>
          %dma_start3A_226 = tpu.memref_slice %arg3[%add3A_204] : memref<320000xi32, #tpu.memory_space<hbm>> -> memref<128xi32, #tpu.memory_space<hbm>>
          tpu.enqueue_dma source(%dma_start3A_226 : memref<128xi32, #tpu.memory_space<hbm>>) target(%dma_start3A_225 : memref<128xi32, #tpu.memory_space<vmem>>) target_semaphore(%run_scoped3A_218 : memref<!tpu.dma_semaphore, #tpu.memory_space<semaphore_mem>>)
          %dma_wait3A_227 = arith.constant 0 : i32
          %dma_wait3A_228 = tpu.memref_slice %arg8[%run_scoped3A_205, %dma_wait3A_227] : memref<2x128xi32, #tpu.memory_space<vmem>> -> memref<1x128xi32, #tpu.memory_space<vmem>>
          %dma_wait3A_229 = tpu.memref_squeeze %dma_wait3A_228 : memref<1x128xi32, #tpu.memory_space<vmem>> -> memref<128xi32, #tpu.memory_space<vmem>>
          %dma_wait3A_230 = tpu.memref_slice %arg3[%add3A_204] : memref<320000xi32, #tpu.memory_space<hbm>> -> memref<128xi32, #tpu.memory_space<hbm>>
          %dma_wait3A_231 = arith.constant 0 : i32
          %dma_wait3A_232 = tpu.memref_slice %arg8[%run_scoped3A_205, %dma_wait3A_231] : memref<2x128xi32, #tpu.memory_space<vmem>> -> memref<1x128xi32, #tpu.memory_space<vmem>>
          %dma_wait3A_233 = tpu.memref_squeeze %dma_wait3A_232 : memref<1x128xi32, #tpu.memory_space<vmem>> -> memref<128xi32, #tpu.memory_space<vmem>>
          %dma_wait3A_234 = tpu.memref_slice %arg3[%add3A_204] : memref<320000xi32, #tpu.memory_space<hbm>> -> memref<128xi32, #tpu.memory_space<hbm>>
          tpu.wait_dma2 semaphore(%run_scoped3A_218 : memref<!tpu.dma_semaphore, #tpu.memory_space<semaphore_mem>>) src(%dma_wait3A_234 : memref<128xi32, #tpu.memory_space<hbm>>) dst(%dma_wait3A_233 : memref<128xi32, #tpu.memory_space<vmem>>)
          tpu.yield
        }) : () -> ()
        %dma_start3A_206 = arith.constant 0 : i32
        %dma_start3A_207 = arith.constant 0 : i32
        %dma_start3A_208 = arith.constant 0 : i32
        %dma_start3A_209 = arith.constant 0 : i32
        %dma_start3A_210 = tpu.memref_slice %arg10[%dma_start3A_207, %dma_start3A_208, %dma_start3A_209] : memref<2x128x128xf32, #tpu.memory_space<vmem>> -> memref<1x128x128xf32, #tpu.memory_space<vmem>>
        %dma_start3A_211 = tpu.memref_squeeze %dma_start3A_210 : memref<1x128x128xf32, #tpu.memory_space<vmem>> -> memref<128x128xf32, #tpu.memory_space<vmem>>
        %dma_start3A_212 = arith.constant 0 : i32
        %dma_start3A_213 = tpu.memref_slice %arg8[%dma_start3A_206, %dma_start3A_212] : memref<2x128xi32, #tpu.memory_space<vmem>> -> memref<1x128xi32, #tpu.memory_space<vmem>>
        %dma_start3A_214 = tpu.memref_squeeze %dma_start3A_213 : memref<1x128xi32, #tpu.memory_space<vmem>> -> memref<128xi32, #tpu.memory_space<vmem>>
        %dma_start3A_215 = arith.constant 0 : i32
        %dma_start3A_216 = arith.constant 0 : i32
        %dma_start3A_217 = tpu.memref_slice %arg2[%dma_start3A_215, %dma_start3A_216] : memref<10000x128xf32, #tpu.memory_space<hbm>> -> memref<10000x128xf32, #tpu.memory_space<hbm>>
        tpu.enqueue_indirect_dma source(%dma_start3A_217 : memref<10000x128xf32, #tpu.memory_space<hbm>>) target(%dma_start3A_211 : memref<128x128xf32, #tpu.memory_space<vmem>>) offsets(%dma_start3A_214 : memref<128xi32, #tpu.memory_space<vmem>>) semaphore(%arg11 : memref<!tpu.dma_semaphore, #tpu.memory_space<semaphore_mem>>)
      } else {
      }
      %mul3A_179 = arith.constant 2 : i32
      %mul3A_180 = arith.muli %while3A_115, %mul3A_179 : i32
      %add3A_181 = arith.constant 1 : i32
      %add3A_182 = arith.addi %mul3A_180, %add3A_181 : i32
      %add3A_183 = arith.constant 2 : i32
      %add3A_184 = arith.addi %add3A_182, %add3A_183 : i32
      %lt3A_185 = arith.cmpi slt, %add3A_184, %select_n3A : i32
      %convert_element_type3A_186 = arith.extui %lt3A_185 : i1 to i32
      %cond3A_187 = arith.constant 0 : i32
      %cond3A_188 = arith.cmpi ne, %convert_element_type3A_186, %cond3A_187 : i32
      scf.if %cond3A_188 {
        %sub3A_189 = arith.constant 2 : i32
        %sub3A_190 = arith.subi %add3A_184, %sub3A_189 : i32
        %dma_wait3A_191 = arith.constant 1 : i32
        %dma_wait3A_192 = arith.constant 0 : i32
        %dma_wait3A_193 = arith.constant 0 : i32
        %dma_wait3A_194 = tpu.memref_slice %arg10[%dma_wait3A_191, %dma_wait3A_192, %dma_wait3A_193] : memref<2x128x128xf32, #tpu.memory_space<vmem>> -> memref<1x128x128xf32, #tpu.memory_space<vmem>>
        %dma_wait3A_195 = tpu.memref_squeeze %dma_wait3A_194 : memref<1x128x128xf32, #tpu.memory_space<vmem>> -> memref<128x128xf32, #tpu.memory_space<vmem>>
        %dma_wait3A_196 = arith.constant 0 : i32
        %dma_wait3A_197 = tpu.memref_slice %arg9[%sub3A_190, %dma_wait3A_196] : memref<80x128xi32, #tpu.memory_space<vmem>> -> memref<1x128xi32, #tpu.memory_space<vmem>>
        %dma_wait3A_198 = tpu.memref_squeeze %dma_wait3A_197 : memref<1x128xi32, #tpu.memory_space<vmem>> -> memref<128xi32, #tpu.memory_space<vmem>>
        %dma_wait3A_199 = arith.constant 0 : i32
        %dma_wait3A_200 = arith.constant 0 : i32
        %dma_wait3A_201 = tpu.memref_slice %arg7[%dma_wait3A_199, %dma_wait3A_200] : memref<10000x128xf32, #tpu.memory_space<vmem_shared>> -> memref<10000x128xf32, #tpu.memory_space<vmem_shared>>
        tpu.wait_indirect_dma semaphore(%arg14 : memref<!tpu.dma_semaphore, #tpu.memory_space<semaphore_mem>>) src(%dma_wait3A_195 : memref<128x128xf32, #tpu.memory_space<vmem>>) dst(%dma_wait3A_201 : memref<10000x128xf32, #tpu.memory_space<vmem_shared>>)
        %mul3A_202 = arith.constant 128 : i32
        %mul3A_203 = arith.muli %add3A_184, %mul3A_202 : i32
        %add3A_204 = arith.addi %mul3A_20, %mul3A_203 : i32
        %run_scoped3A_205 = arith.constant 1 : i32
        "tpu.region"() ({
          %run_scoped3A_218 = tpu.sem_alloc : memref<!tpu.dma_semaphore, #tpu.memory_space<semaphore_mem>>
          %dma_start3A_219 = arith.constant 0 : i32
          %dma_start3A_220 = tpu.memref_slice %arg8[%run_scoped3A_205, %dma_start3A_219] : memref<2x128xi32, #tpu.memory_space<vmem>> -> memref<1x128xi32, #tpu.memory_space<vmem>>
          %dma_start3A_221 = tpu.memref_squeeze %dma_start3A_220 : memref<1x128xi32, #tpu.memory_space<vmem>> -> memref<128xi32, #tpu.memory_space<vmem>>
          %dma_start3A_222 = tpu.memref_slice %arg3[%add3A_204] : memref<320000xi32, #tpu.memory_space<hbm>> -> memref<128xi32, #tpu.memory_space<hbm>>
          %dma_start3A_223 = arith.constant 0 : i32
          %dma_start3A_224 = tpu.memref_slice %arg8[%run_scoped3A_205, %dma_start3A_223] : memref<2x128xi32, #tpu.memory_space<vmem>> -> memref<1x128xi32, #tpu.memory_space<vmem>>
          %dma_start3A_225 = tpu.memref_squeeze %dma_start3A_224 : memref<1x128xi32, #tpu.memory_space<vmem>> -> memref<128xi32, #tpu.memory_space<vmem>>
          %dma_start3A_226 = tpu.memref_slice %arg3[%add3A_204] : memref<320000xi32, #tpu.memory_space<hbm>> -> memref<128xi32, #tpu.memory_space<hbm>>
          tpu.enqueue_dma source(%dma_start3A_226 : memref<128xi32, #tpu.memory_space<hbm>>) target(%dma_start3A_225 : memref<128xi32, #tpu.memory_space<vmem>>) target_semaphore(%run_scoped3A_218 : memref<!tpu.dma_semaphore, #tpu.memory_space<semaphore_mem>>)
          %dma_wait3A_227 = arith.constant 0 : i32
          %dma_wait3A_228 = tpu.memref_slice %arg8[%run_scoped3A_205, %dma_wait3A_227] : memref<2x128xi32, #tpu.memory_space<vmem>> -> memref<1x128xi32, #tpu.memory_space<vmem>>
          %dma_wait3A_229 = tpu.memref_squeeze %dma_wait3A_228 : memref<1x128xi32, #tpu.memory_space<vmem>> -> memref<128xi32, #tpu.memory_space<vmem>>
          %dma_wait3A_230 = tpu.memref_slice %arg3[%add3A_204] : memref<320000xi32, #tpu.memory_space<hbm>> -> memref<128xi32, #tpu.memory_space<hbm>>
          %dma_wait3A_231 = arith.constant 0 : i32
          %dma_wait3A_232 = tpu.memref_slice %arg8[%run_scoped3A_205, %dma_wait3A_231] : memref<2x128xi32, #tpu.memory_space<vmem>> -> memref<1x128xi32, #tpu.memory_space<vmem>>
          %dma_wait3A_233 = tpu.memref_squeeze %dma_wait3A_232 : memref<1x128xi32, #tpu.memory_space<vmem>> -> memref<128xi32, #tpu.memory_space<vmem>>
          %dma_wait3A_234 = tpu.memref_slice %arg3[%add3A_204] : memref<320000xi32, #tpu.memory_space<hbm>> -> memref<128xi32, #tpu.memory_space<hbm>>
          tpu.wait_dma2 semaphore(%run_scoped3A_218 : memref<!tpu.dma_semaphore, #tpu.memory_space<semaphore_mem>>) src(%dma_wait3A_234 : memref<128xi32, #tpu.memory_space<hbm>>) dst(%dma_wait3A_233 : memref<128xi32, #tpu.memory_space<vmem>>)
          tpu.yield
        }) : () -> ()
        %dma_start3A_206 = arith.constant 1 : i32
        %dma_start3A_207 = arith.constant 1 : i32
        %dma_start3A_208 = arith.constant 0 : i32
        %dma_start3A_209 = arith.constant 0 : i32
        %dma_start3A_210 = tpu.memref_slice %arg10[%dma_start3A_207, %dma_start3A_208, %dma_start3A_209] : memref<2x128x128xf32, #tpu.memory_space<vmem>> -> memref<1x128x128xf32, #tpu.memory_space<vmem>>
        %dma_start3A_211 = tpu.memref_squeeze %dma_start3A_210 : memref<1x128x128xf32, #tpu.memory_space<vmem>> -> memref<128x128xf32, #tpu.memory_space<vmem>>
        %dma_start3A_212 = arith.constant 0 : i32
        %dma_start3A_213 = tpu.memref_slice %arg8[%dma_start3A_206, %dma_start3A_212] : memref<2x128xi32, #tpu.memory_space<vmem>> -> memref<1x128xi32, #tpu.memory_space<vmem>>
        %dma_start3A_214 = tpu.memref_squeeze %dma_start3A_213 : memref<1x128xi32, #tpu.memory_space<vmem>> -> memref<128xi32, #tpu.memory_space<vmem>>
        %dma_start3A_215 = arith.constant 0 : i32
        %dma_start3A_216 = arith.constant 0 : i32
        %dma_start3A_217 = tpu.memref_slice %arg2[%dma_start3A_215, %dma_start3A_216] : memref<10000x128xf32, #tpu.memory_space<hbm>> -> memref<10000x128xf32, #tpu.memory_space<hbm>>
        tpu.enqueue_indirect_dma source(%dma_start3A_217 : memref<10000x128xf32, #tpu.memory_space<hbm>>) target(%dma_start3A_211 : memref<128x128xf32, #tpu.memory_space<vmem>>) offsets(%dma_start3A_214 : memref<128xi32, #tpu.memory_space<vmem>>) semaphore(%arg12 : memref<!tpu.dma_semaphore, #tpu.memory_space<semaphore_mem>>)
      } else {
      }
    }
    %sub3A_76 = arith.constant 2 : i32
    %sub3A_77 = arith.subi %select_n3A, %sub3A_76 : i32
    %add3A_78 = arith.constant 0 : i32
    %add3A_79 = arith.addi %sub3A_77, %add3A_78 : i32
    %dma_wait3A = arith.constant 0 : i32
    %dma_wait3A_80 = arith.constant 0 : i32
    %dma_wait3A_81 = arith.constant 0 : i32
    %dma_wait3A_82 = tpu.memref_slice %arg10[%dma_wait3A, %dma_wait3A_80, %dma_wait3A_81] : memref<2x128x128xf32, #tpu.memory_space<vmem>> -> memref<1x128x128xf32, #tpu.memory_space<vmem>>
    %dma_wait3A_83 = tpu.memref_squeeze %dma_wait3A_82 : memref<1x128x128xf32, #tpu.memory_space<vmem>> -> memref<128x128xf32, #tpu.memory_space<vmem>>
    %dma_wait3A_84 = arith.constant 0 : i32
    %dma_wait3A_85 = tpu.memref_slice %arg9[%add3A_79, %dma_wait3A_84] : memref<80x128xi32, #tpu.memory_space<vmem>> -> memref<1x128xi32, #tpu.memory_space<vmem>>
    %dma_wait3A_86 = tpu.memref_squeeze %dma_wait3A_85 : memref<1x128xi32, #tpu.memory_space<vmem>> -> memref<128xi32, #tpu.memory_space<vmem>>
    %dma_wait3A_87 = arith.constant 0 : i32
    %dma_wait3A_88 = arith.constant 0 : i32
    %dma_wait3A_89 = tpu.memref_slice %arg7[%dma_wait3A_87, %dma_wait3A_88] : memref<10000x128xf32, #tpu.memory_space<vmem_shared>> -> memref<10000x128xf32, #tpu.memory_space<vmem_shared>>
    tpu.wait_indirect_dma semaphore(%arg13 : memref<!tpu.dma_semaphore, #tpu.memory_space<semaphore_mem>>) src(%dma_wait3A_83 : memref<128x128xf32, #tpu.memory_space<vmem>>) dst(%dma_wait3A_89 : memref<10000x128xf32, #tpu.memory_space<vmem_shared>>)
    %sub3A_90 = arith.constant 2 : i32
    %sub3A_91 = arith.subi %select_n3A, %sub3A_90 : i32
    %add3A_92 = arith.constant 1 : i32
    %add3A_93 = arith.addi %sub3A_91, %add3A_92 : i32
    %dma_wait3A_94 = arith.constant 1 : i32
    %dma_wait3A_95 = arith.constant 0 : i32
    %dma_wait3A_96 = arith.constant 0 : i32
    %dma_wait3A_97 = tpu.memref_slice %arg10[%dma_wait3A_94, %dma_wait3A_95, %dma_wait3A_96] : memref<2x128x128xf32, #tpu.memory_space<vmem>> -> memref<1x128x128xf32, #tpu.memory_space<vmem>>
    %dma_wait3A_98 = tpu.memref_squeeze %dma_wait3A_97 : memref<1x128x128xf32, #tpu.memory_space<vmem>> -> memref<128x128xf32, #tpu.memory_space<vmem>>
    %dma_wait3A_99 = arith.constant 0 : i32
    %dma_wait3A_100 = tpu.memref_slice %arg9[%add3A_93, %dma_wait3A_99] : memref<80x128xi32, #tpu.memory_space<vmem>> -> memref<1x128xi32, #tpu.memory_space<vmem>>
    %dma_wait3A_101 = tpu.memref_squeeze %dma_wait3A_100 : memref<1x128xi32, #tpu.memory_space<vmem>> -> memref<128xi32, #tpu.memory_space<vmem>>
    %dma_wait3A_102 = arith.constant 0 : i32
    %dma_wait3A_103 = arith.constant 0 : i32
    %dma_wait3A_104 = tpu.memref_slice %arg7[%dma_wait3A_102, %dma_wait3A_103] : memref<10000x128xf32, #tpu.memory_space<vmem_shared>> -> memref<10000x128xf32, #tpu.memory_space<vmem_shared>>
    tpu.wait_indirect_dma semaphore(%arg14 : memref<!tpu.dma_semaphore, #tpu.memory_space<semaphore_mem>>) src(%dma_wait3A_98 : memref<128x128xf32, #tpu.memory_space<vmem>>) dst(%dma_wait3A_104 : memref<10000x128xf32, #tpu.memory_space<vmem_shared>>)
    %barrier3A_105 = arith.constant 0 : index
    tpu.barrier barrier_id(%barrier3A_105)
    %mul3A_106 = arith.constant 624 : i32
    %mul3A_107 = arith.muli %arg1, %mul3A_106 : i32
    %mul3A_108 = arith.constant 624 : i32
    %mul3A_109 = arith.muli %arg1, %mul3A_108 : i32
    "tpu.region"() ({
      %run_scoped3A_115 = tpu.sem_alloc : memref<!tpu.dma_semaphore, #tpu.memory_space<semaphore_mem>>
      %dma_start3A_116 = arith.constant 0 : i32
      %dma_start3A_117 = tpu.memref_slice %arg6[%arg0, %mul3A_109, %dma_start3A_116] : memref<2x10000x128xf32, #tpu.memory_space<hbm>> -> memref<1x624x128xf32, #tpu.memory_space<hbm>>
      %dma_start3A_118 = tpu.memref_squeeze %dma_start3A_117 : memref<1x624x128xf32, #tpu.memory_space<hbm>> -> memref<624x128xf32, #tpu.memory_space<hbm>>
      %dma_start3A_119 = arith.constant 0 : i32
      %dma_start3A_120 = tpu.memref_slice %arg7[%mul3A_107, %dma_start3A_119] : memref<10000x128xf32, #tpu.memory_space<vmem_shared>> -> memref<624x128xf32, #tpu.memory_space<vmem_shared>>
      tpu.enqueue_dma source(%dma_start3A_120 : memref<624x128xf32, #tpu.memory_space<vmem_shared>>) target(%dma_start3A_118 : memref<624x128xf32, #tpu.memory_space<hbm>>) target_semaphore(%run_scoped3A_115 : memref<!tpu.dma_semaphore, #tpu.memory_space<semaphore_mem>>)
      %dma_wait3A_121 = arith.constant 0 : i32
      %dma_wait3A_122 = tpu.memref_slice %arg6[%arg0, %mul3A_109, %dma_wait3A_121] : memref<2x10000x128xf32, #tpu.memory_space<hbm>> -> memref<1x624x128xf32, #tpu.memory_space<hbm>>
      %dma_wait3A_123 = tpu.memref_squeeze %dma_wait3A_122 : memref<1x624x128xf32, #tpu.memory_space<hbm>> -> memref<624x128xf32, #tpu.memory_space<hbm>>
      %dma_wait3A_124 = arith.constant 0 : i32
      %dma_wait3A_125 = tpu.memref_slice %arg7[%mul3A_107, %dma_wait3A_124] : memref<10000x128xf32, #tpu.memory_space<vmem_shared>> -> memref<624x128xf32, #tpu.memory_space<vmem_shared>>
      tpu.wait_dma2 semaphore(%run_scoped3A_115 : memref<!tpu.dma_semaphore, #tpu.memory_space<semaphore_mem>>) src(%dma_wait3A_125 : memref<624x128xf32, #tpu.memory_space<vmem_shared>>) dst(%dma_wait3A_123 : memref<624x128xf32, #tpu.memory_space<hbm>>)
      tpu.yield
    }) : () -> ()
    %eq3A_110 = arith.constant 15 : i32
    %eq3A_111 = arith.cmpi eq, %arg1, %eq3A_110 : i32
    %convert_element_type3A_112 = arith.extui %eq3A_111 : i1 to i32
    %cond3A_113 = arith.constant 0 : i32
    %cond3A_114 = arith.cmpi ne, %convert_element_type3A_112, %cond3A_113 : i32
    scf.if %cond3A_114 {
      "tpu.region"() ({
        %run_scoped3A_115 = tpu.sem_alloc : memref<!tpu.dma_semaphore, #tpu.memory_space<semaphore_mem>>
        %dma_start3A_116 = arith.constant 9984 : i32
        %dma_start3A_117 = arith.constant 0 : i32
        %dma_start3A_118 = tpu.memref_slice %arg6[%arg0, %dma_start3A_116, %dma_start3A_117] : memref<2x10000x128xf32, #tpu.memory_space<hbm>> -> memref<1x16x128xf32, #tpu.memory_space<hbm>>
        %dma_start3A_119 = tpu.memref_squeeze %dma_start3A_118 : memref<1x16x128xf32, #tpu.memory_space<hbm>> -> memref<16x128xf32, #tpu.memory_space<hbm>>
        %dma_start3A_120 = arith.constant 9984 : i32
        %dma_start3A_121 = arith.constant 0 : i32
        %dma_start3A_122 = tpu.memref_slice %arg7[%dma_start3A_120, %dma_start3A_121] : memref<10000x128xf32, #tpu.memory_space<vmem_shared>> -> memref<16x128xf32, #tpu.memory_space<vmem_shared>>
        tpu.enqueue_dma source(%dma_start3A_122 : memref<16x128xf32, #tpu.memory_space<vmem_shared>>) target(%dma_start3A_119 : memref<16x128xf32, #tpu.memory_space<hbm>>) target_semaphore(%run_scoped3A_115 : memref<!tpu.dma_semaphore, #tpu.memory_space<semaphore_mem>>)
        %dma_wait3A_123 = arith.constant 9984 : i32
        %dma_wait3A_124 = arith.constant 0 : i32
        %dma_wait3A_125 = tpu.memref_slice %arg6[%arg0, %dma_wait3A_123, %dma_wait3A_124] : memref<2x10000x128xf32, #tpu.memory_space<hbm>> -> memref<1x16x128xf32, #tpu.memory_space<hbm>>
        %dma_wait3A_126 = tpu.memref_squeeze %dma_wait3A_125 : memref<1x16x128xf32, #tpu.memory_space<hbm>> -> memref<16x128xf32, #tpu.memory_space<hbm>>
        %dma_wait3A_127 = arith.constant 9984 : i32
        %dma_wait3A_128 = arith.constant 0 : i32
        %dma_wait3A_129 = tpu.memref_slice %arg7[%dma_wait3A_127, %dma_wait3A_128] : memref<10000x128xf32, #tpu.memory_space<vmem_shared>> -> memref<16x128xf32, #tpu.memory_space<vmem_shared>>
        tpu.wait_dma2 semaphore(%run_scoped3A_115 : memref<!tpu.dma_semaphore, #tpu.memory_space<semaphore_mem>>) src(%dma_wait3A_129 : memref<16x128xf32, #tpu.memory_space<vmem_shared>>) dst(%dma_wait3A_126 : memref<16x128xf32, #tpu.memory_space<hbm>>)
        tpu.yield
      }) : () -> ()
    } else {
    }
    return
  }
}

#map = affine_map<(d0, d1) -> (0, 0)>
#map1 = affine_map<(d0, d1) -> (0)>
#map2 = affine_map<(d0, d1) -> (0, 0, 0)>
module attributes {stable_mosaic.version = 14 : i64} {
  func.func @k(%arg0: i32, %arg1: i32, %arg2: memref<10000x128xf32, #tpu.memory_space<hbm>>, %arg3: memref<320000xi32, #tpu.memory_space<hbm>>, %arg4: memref<2500x128xi32, #tpu.memory_space<hbm>>, %arg5: memref<10000x128xf32, #tpu.memory_space<hbm>>, %arg6: memref<2x10000x128xf32, #tpu.memory_space<hbm>>, %arg7: memref<10000x128xf32, #tpu.memory_space<vmem_shared>>, %arg8: memref<2x128xi32, #tpu.memory_space<vmem>>, %arg9: memref<80x128xi32, #tpu.memory_space<vmem>>, %arg10: memref<2x128x128xf32, #tpu.memory_space<vmem>>, %arg11: memref<!tpu.dma_semaphore, #tpu.memory_space<semaphore_mem>>, %arg12: memref<!tpu.dma_semaphore, #tpu.memory_space<semaphore_mem>>, %arg13: memref<!tpu.dma_semaphore, #tpu.memory_space<semaphore_mem>>, %arg14: memref<!tpu.dma_semaphore, #tpu.memory_space<semaphore_mem>>) attributes {dimension_semantics = [#tpu.dimension_semantics<core_parallel>, #tpu.dimension_semantics<subcore_parallel>], iteration_bounds = array<i64: 2, 16>, scalar_prefetch = 0 : i64, scratch_operands = 8 : i64, tpu.core_type = #tpu.core_type<sc_vector_subcore>, window_params = [{transform_indices = #map}, {transform_indices = #map1}, {transform_indices = #map}, {transform_indices = #map}, {transform_indices = #map2}]} {
    %mul3A = arith.constant 16 : i32
    %mul3A_0 = arith.muli %arg0, %mul3A : i32
    %add3A = arith.addi %mul3A_0, %arg1 : i32
    %eq3A = arith.constant 31 : i32
    %eq3A_1 = arith.cmpi eq, %add3A, %eq3A : i32
    %jit3A = arith.constant 20 : i32
    %jit3A_2 = arith.constant 80 : i32
    %select_n3A = arith.select %eq3A_1, %jit3A, %jit3A_2 : i32
    %mul3A_3 = arith.constant 624 : i32
    %mul3A_4 = arith.muli %arg1, %mul3A_3 : i32
    %mul3A_5 = arith.constant 624 : i32
    %mul3A_6 = arith.muli %arg1, %mul3A_5 : i32
    "tpu.region"() ({
      %run_scoped3A_115 = tpu.sem_alloc : memref<!tpu.dma_semaphore, #tpu.memory_space<semaphore_mem>>
      %dma_start3A_116 = arith.constant 0 : i32
      %dma_start3A_117 = tpu.memref_slice %arg7[%mul3A_6, %dma_start3A_116] : memref<10000x128xf32, #tpu.memory_space<vmem_shared>> -> memref<624x128xf32, #tpu.memory_space<vmem_shared>>
      %dma_start3A_118 = arith.constant 0 : i32
      %dma_start3A_119 = tpu.memref_slice %arg5[%mul3A_4, %dma_start3A_118] : memref<10000x128xf32, #tpu.memory_space<hbm>> -> memref<624x128xf32, #tpu.memory_space<hbm>>
      tpu.enqueue_dma source(%dma_start3A_119 : memref<624x128xf32, #tpu.memory_space<hbm>>) target(%dma_start3A_117 : memref<624x128xf32, #tpu.memory_space<vmem_shared>>) target_semaphore(%run_scoped3A_115 : memref<!tpu.dma_semaphore, #tpu.memory_space<semaphore_mem>>)
      %dma_wait3A_120 = arith.constant 0 : i32
      %dma_wait3A_121 = tpu.memref_slice %arg7[%mul3A_6, %dma_wait3A_120] : memref<10000x128xf32, #tpu.memory_space<vmem_shared>> -> memref<624x128xf32, #tpu.memory_space<vmem_shared>>
      %dma_wait3A_122 = arith.constant 0 : i32
      %dma_wait3A_123 = tpu.memref_slice %arg5[%mul3A_4, %dma_wait3A_122] : memref<10000x128xf32, #tpu.memory_space<hbm>> -> memref<624x128xf32, #tpu.memory_space<hbm>>
      tpu.wait_dma2 semaphore(%run_scoped3A_115 : memref<!tpu.dma_semaphore, #tpu.memory_space<semaphore_mem>>) src(%dma_wait3A_123 : memref<624x128xf32, #tpu.memory_space<hbm>>) dst(%dma_wait3A_121 : memref<624x128xf32, #tpu.memory_space<vmem_shared>>)
      tpu.yield
    }) : () -> ()
    %eq3A_7 = arith.constant 15 : i32
    %eq3A_8 = arith.cmpi eq, %arg1, %eq3A_7 : i32
    %convert_element_type3A = arith.extui %eq3A_8 : i1 to i32
    %cond3A = arith.constant 0 : i32
    %cond3A_9 = arith.cmpi ne, %convert_element_type3A, %cond3A : i32
    scf.if %cond3A_9 {
      "tpu.region"() ({
        %run_scoped3A_115 = tpu.sem_alloc : memref<!tpu.dma_semaphore, #tpu.memory_space<semaphore_mem>>
        %dma_start3A_116 = arith.constant 9984 : i32
        %dma_start3A_117 = arith.constant 0 : i32
        %dma_start3A_118 = tpu.memref_slice %arg7[%dma_start3A_116, %dma_start3A_117] : memref<10000x128xf32, #tpu.memory_space<vmem_shared>> -> memref<16x128xf32, #tpu.memory_space<vmem_shared>>
        %dma_start3A_119 = arith.constant 9984 : i32
        %dma_start3A_120 = arith.constant 0 : i32
        %dma_start3A_121 = tpu.memref_slice %arg5[%dma_start3A_119, %dma_start3A_120] : memref<10000x128xf32, #tpu.memory_space<hbm>> -> memref<16x128xf32, #tpu.memory_space<hbm>>
        tpu.enqueue_dma source(%dma_start3A_121 : memref<16x128xf32, #tpu.memory_space<hbm>>) target(%dma_start3A_118 : memref<16x128xf32, #tpu.memory_space<vmem_shared>>) target_semaphore(%run_scoped3A_115 : memref<!tpu.dma_semaphore, #tpu.memory_space<semaphore_mem>>)
        %dma_wait3A_122 = arith.constant 9984 : i32
        %dma_wait3A_123 = arith.constant 0 : i32
        %dma_wait3A_124 = tpu.memref_slice %arg7[%dma_wait3A_122, %dma_wait3A_123] : memref<10000x128xf32, #tpu.memory_space<vmem_shared>> -> memref<16x128xf32, #tpu.memory_space<vmem_shared>>
        %dma_wait3A_125 = arith.constant 9984 : i32
        %dma_wait3A_126 = arith.constant 0 : i32
        %dma_wait3A_127 = tpu.memref_slice %arg5[%dma_wait3A_125, %dma_wait3A_126] : memref<10000x128xf32, #tpu.memory_space<hbm>> -> memref<16x128xf32, #tpu.memory_space<hbm>>
        tpu.wait_dma2 semaphore(%run_scoped3A_115 : memref<!tpu.dma_semaphore, #tpu.memory_space<semaphore_mem>>) src(%dma_wait3A_127 : memref<16x128xf32, #tpu.memory_space<hbm>>) dst(%dma_wait3A_124 : memref<16x128xf32, #tpu.memory_space<vmem_shared>>)
        tpu.yield
      }) : () -> ()
    } else {
    }
    %not3A = arith.constant true
    %not3A_10 = arith.xori %eq3A_1, %not3A : i1
    %convert_element_type3A_11 = arith.extui %not3A_10 : i1 to i32
    %cond3A_12 = arith.constant 0 : i32
    %cond3A_13 = arith.cmpi ne, %convert_element_type3A_11, %cond3A_12 : i32
    scf.if %cond3A_13 {
      %mul3A_115 = arith.constant 80 : i32
      %mul3A_116 = arith.muli %add3A, %mul3A_115 : i32
      "tpu.region"() ({
        %run_scoped3A_117 = tpu.sem_alloc : memref<!tpu.dma_semaphore, #tpu.memory_space<semaphore_mem>>
        %dma_start3A_118 = arith.constant 0 : i32
        %dma_start3A_119 = tpu.memref_slice %arg4[%mul3A_116, %dma_start3A_118] : memref<2500x128xi32, #tpu.memory_space<hbm>> -> memref<80x128xi32, #tpu.memory_space<hbm>>
        %dma_start3A_120 = arith.constant 0 : i32
        %dma_start3A_121 = tpu.memref_slice %arg4[%mul3A_116, %dma_start3A_120] : memref<2500x128xi32, #tpu.memory_space<hbm>> -> memref<80x128xi32, #tpu.memory_space<hbm>>
        tpu.enqueue_dma source(%dma_start3A_121 : memref<80x128xi32, #tpu.memory_space<hbm>>) target(%arg9 : memref<80x128xi32, #tpu.memory_space<vmem>>) target_semaphore(%run_scoped3A_117 : memref<!tpu.dma_semaphore, #tpu.memory_space<semaphore_mem>>)
        %dma_wait3A_122 = arith.constant 0 : i32
        %dma_wait3A_123 = tpu.memref_slice %arg4[%mul3A_116, %dma_wait3A_122] : memref<2500x128xi32, #tpu.memory_space<hbm>> -> memref<80x128xi32, #tpu.memory_space<hbm>>
        %dma_wait3A_124 = arith.constant 0 : i32
        %dma_wait3A_125 = tpu.memref_slice %arg4[%mul3A_116, %dma_wait3A_124] : memref<2500x128xi32, #tpu.memory_space<hbm>> -> memref<80x128xi32, #tpu.memory_space<hbm>>
        tpu.wait_dma2 semaphore(%run_scoped3A_117 : memref<!tpu.dma_semaphore, #tpu.memory_space<semaphore_mem>>) src(%dma_wait3A_125 : memref<80x128xi32, #tpu.memory_space<hbm>>) dst(%arg9 : memref<80x128xi32, #tpu.memory_space<vmem>>)
        tpu.yield
      }) : () -> ()
    } else {
    }
    %convert_element_type3A_14 = arith.extui %eq3A_1 : i1 to i32
    %cond3A_15 = arith.constant 0 : i32
    %cond3A_16 = arith.cmpi ne, %convert_element_type3A_14, %cond3A_15 : i32
    scf.if %cond3A_16 {
      "tpu.region"() ({
        %run_scoped3A_115 = tpu.sem_alloc : memref<!tpu.dma_semaphore, #tpu.memory_space<semaphore_mem>>
        %dma_start3A_116 = arith.constant 0 : i32
        %dma_start3A_117 = arith.constant 0 : i32
        %dma_start3A_118 = tpu.memref_slice %arg9[%dma_start3A_116, %dma_start3A_117] : memref<80x128xi32, #tpu.memory_space<vmem>> -> memref<20x128xi32, #tpu.memory_space<vmem>>
        %dma_start3A_119 = arith.constant 2480 : i32
        %dma_start3A_120 = arith.constant 0 : i32
        %dma_start3A_121 = tpu.memref_slice %arg4[%dma_start3A_119, %dma_start3A_120] : memref<2500x128xi32, #tpu.memory_space<hbm>> -> memref<20x128xi32, #tpu.memory_space<hbm>>
        %dma_start3A_122 = arith.constant 0 : i32
        %dma_start3A_123 = arith.constant 0 : i32
        %dma_start3A_124 = tpu.memref_slice %arg9[%dma_start3A_122, %dma_start3A_123] : memref<80x128xi32, #tpu.memory_space<vmem>> -> memref<20x128xi32, #tpu.memory_space<vmem>>
        %dma_start3A_125 = arith.constant 2480 : i32
        %dma_start3A_126 = arith.constant 0 : i32
        %dma_start3A_127 = tpu.memref_slice %arg4[%dma_start3A_125, %dma_start3A_126] : memref<2500x128xi32, #tpu.memory_space<hbm>> -> memref<20x128xi32, #tpu.memory_space<hbm>>
        tpu.enqueue_dma source(%dma_start3A_127 : memref<20x128xi32, #tpu.memory_space<hbm>>) target(%dma_start3A_124 : memref<20x128xi32, #tpu.memory_space<vmem>>) target_semaphore(%run_scoped3A_115 : memref<!tpu.dma_semaphore, #tpu.memory_space<semaphore_mem>>)
        %dma_wait3A_128 = arith.constant 0 : i32
        %dma_wait3A_129 = arith.constant 0 : i32
        %dma_wait3A_130 = tpu.memref_slice %arg9[%dma_wait3A_128, %dma_wait3A_129] : memref<80x128xi32, #tpu.memory_space<vmem>> -> memref<20x128xi32, #tpu.memory_space<vmem>>
        %dma_wait3A_131 = arith.constant 2480 : i32
        %dma_wait3A_132 = arith.constant 0 : i32
        %dma_wait3A_133 = tpu.memref_slice %arg4[%dma_wait3A_131, %dma_wait3A_132] : memref<2500x128xi32, #tpu.memory_space<hbm>> -> memref<20x128xi32, #tpu.memory_space<hbm>>
        %dma_wait3A_134 = arith.constant 0 : i32
        %dma_wait3A_135 = arith.constant 0 : i32
        %dma_wait3A_136 = tpu.memref_slice %arg9[%dma_wait3A_134, %dma_wait3A_135] : memref<80x128xi32, #tpu.memory_space<vmem>> -> memref<20x128xi32, #tpu.memory_space<vmem>>
        %dma_wait3A_137 = arith.constant 2480 : i32
        %dma_wait3A_138 = arith.constant 0 : i32
        %dma_wait3A_139 = tpu.memref_slice %arg4[%dma_wait3A_137, %dma_wait3A_138] : memref<2500x128xi32, #tpu.memory_space<hbm>> -> memref<20x128xi32, #tpu.memory_space<hbm>>
        tpu.wait_dma2 semaphore(%run_scoped3A_115 : memref<!tpu.dma_semaphore, #tpu.memory_space<semaphore_mem>>) src(%dma_wait3A_139 : memref<20x128xi32, #tpu.memory_space<hbm>>) dst(%dma_wait3A_136 : memref<20x128xi32, #tpu.memory_space<vmem>>)
        tpu.yield
      }) : () -> ()
    } else {
    }
    %mul3A_17 = arith.constant 80 : i32
    %mul3A_18 = arith.muli %add3A, %mul3A_17 : i32
    %mul3A_19 = arith.constant 128 : i32
    %mul3A_20 = arith.muli %mul3A_18, %mul3A_19 : i32
    %barrier3A = arith.constant 0 : index
    tpu.barrier barrier_id(%barrier3A)
    %add3A_21 = arith.constant 0 : i32
    %add3A_22 = arith.addi %mul3A_20, %add3A_21 : i32
    %run_scoped3A = arith.constant 0 : i32
    "tpu.region"() ({
      %run_scoped3A_115 = tpu.sem_alloc : memref<!tpu.dma_semaphore, #tpu.memory_space<semaphore_mem>>
      %dma_start3A_116 = arith.constant 0 : i32
      %dma_start3A_117 = tpu.memref_slice %arg8[%run_scoped3A, %dma_start3A_116] : memref<2x128xi32, #tpu.memory_space<vmem>> -> memref<1x128xi32, #tpu.memory_space<vmem>>
      %dma_start3A_118 = tpu.memref_squeeze %dma_start3A_117 : memref<1x128xi32, #tpu.memory_space<vmem>> -> memref<128xi32, #tpu.memory_space<vmem>>
      %dma_start3A_119 = tpu.memref_slice %arg3[%add3A_22] : memref<320000xi32, #tpu.memory_space<hbm>> -> memref<128xi32, #tpu.memory_space<hbm>>
      %dma_start3A_120 = arith.constant 0 : i32
      %dma_start3A_121 = tpu.memref_slice %arg8[%run_scoped3A, %dma_start3A_120] : memref<2x128xi32, #tpu.memory_space<vmem>> -> memref<1x128xi32, #tpu.memory_space<vmem>>
      %dma_start3A_122 = tpu.memref_squeeze %dma_start3A_121 : memref<1x128xi32, #tpu.memory_space<vmem>> -> memref<128xi32, #tpu.memory_space<vmem>>
      %dma_start3A_123 = tpu.memref_slice %arg3[%add3A_22] : memref<320000xi32, #tpu.memory_space<hbm>> -> memref<128xi32, #tpu.memory_space<hbm>>
      tpu.enqueue_dma source(%dma_start3A_123 : memref<128xi32, #tpu.memory_space<hbm>>) target(%dma_start3A_122 : memref<128xi32, #tpu.memory_space<vmem>>) target_semaphore(%run_scoped3A_115 : memref<!tpu.dma_semaphore, #tpu.memory_space<semaphore_mem>>)
      %dma_wait3A_124 = arith.constant 0 : i32
      %dma_wait3A_125 = tpu.memref_slice %arg8[%run_scoped3A, %dma_wait3A_124] : memref<2x128xi32, #tpu.memory_space<vmem>> -> memref<1x128xi32, #tpu.memory_space<vmem>>
      %dma_wait3A_126 = tpu.memref_squeeze %dma_wait3A_125 : memref<1x128xi32, #tpu.memory_space<vmem>> -> memref<128xi32, #tpu.memory_space<vmem>>
      %dma_wait3A_127 = tpu.memref_slice %arg3[%add3A_22] : memref<320000xi32, #tpu.memory_space<hbm>> -> memref<128xi32, #tpu.memory_space<hbm>>
      %dma_wait3A_128 = arith.constant 0 : i32
      %dma_wait3A_129 = tpu.memref_slice %arg8[%run_scoped3A, %dma_wait3A_128] : memref<2x128xi32, #tpu.memory_space<vmem>> -> memref<1x128xi32, #tpu.memory_space<vmem>>
      %dma_wait3A_130 = tpu.memref_squeeze %dma_wait3A_129 : memref<1x128xi32, #tpu.memory_space<vmem>> -> memref<128xi32, #tpu.memory_space<vmem>>
      %dma_wait3A_131 = tpu.memref_slice %arg3[%add3A_22] : memref<320000xi32, #tpu.memory_space<hbm>> -> memref<128xi32, #tpu.memory_space<hbm>>
      tpu.wait_dma2 semaphore(%run_scoped3A_115 : memref<!tpu.dma_semaphore, #tpu.memory_space<semaphore_mem>>) src(%dma_wait3A_131 : memref<128xi32, #tpu.memory_space<hbm>>) dst(%dma_wait3A_130 : memref<128xi32, #tpu.memory_space<vmem>>)
      tpu.yield
    }) : () -> ()
    %dma_start3A = arith.constant 0 : i32
    %dma_start3A_23 = arith.constant 0 : i32
    %dma_start3A_24 = arith.constant 0 : i32
    %dma_start3A_25 = arith.constant 0 : i32
    %dma_start3A_26 = tpu.memref_slice %arg10[%dma_start3A_23, %dma_start3A_24, %dma_start3A_25] : memref<2x128x128xf32, #tpu.memory_space<vmem>> -> memref<1x128x128xf32, #tpu.memory_space<vmem>>
    %dma_start3A_27 = tpu.memref_squeeze %dma_start3A_26 : memref<1x128x128xf32, #tpu.memory_space<vmem>> -> memref<128x128xf32, #tpu.memory_space<vmem>>
    %dma_start3A_28 = arith.constant 0 : i32
    %dma_start3A_29 = tpu.memref_slice %arg8[%dma_start3A, %dma_start3A_28] : memref<2x128xi32, #tpu.memory_space<vmem>> -> memref<1x128xi32, #tpu.memory_space<vmem>>
    %dma_start3A_30 = tpu.memref_squeeze %dma_start3A_29 : memref<1x128xi32, #tpu.memory_space<vmem>> -> memref<128xi32, #tpu.memory_space<vmem>>
    %dma_start3A_31 = arith.constant 0 : i32
    %dma_start3A_32 = arith.constant 0 : i32
    %dma_start3A_33 = tpu.memref_slice %arg2[%dma_start3A_31, %dma_start3A_32] : memref<10000x128xf32, #tpu.memory_space<hbm>> -> memref<10000x128xf32, #tpu.memory_space<hbm>>
    tpu.enqueue_indirect_dma source(%dma_start3A_33 : memref<10000x128xf32, #tpu.memory_space<hbm>>) target(%dma_start3A_27 : memref<128x128xf32, #tpu.memory_space<vmem>>) offsets(%dma_start3A_30 : memref<128xi32, #tpu.memory_space<vmem>>) semaphore(%arg11 : memref<!tpu.dma_semaphore, #tpu.memory_space<semaphore_mem>>)
    %add3A_34 = arith.constant 128 : i32
    %add3A_35 = arith.addi %mul3A_20, %add3A_34 : i32
    %run_scoped3A_36 = arith.constant 1 : i32
    "tpu.region"() ({
      %run_scoped3A_115 = tpu.sem_alloc : memref<!tpu.dma_semaphore, #tpu.memory_space<semaphore_mem>>
      %dma_start3A_116 = arith.constant 0 : i32
      %dma_start3A_117 = tpu.memref_slice %arg8[%run_scoped3A_36, %dma_start3A_116] : memref<2x128xi32, #tpu.memory_space<vmem>> -> memref<1x128xi32, #tpu.memory_space<vmem>>
      %dma_start3A_118 = tpu.memref_squeeze %dma_start3A_117 : memref<1x128xi32, #tpu.memory_space<vmem>> -> memref<128xi32, #tpu.memory_space<vmem>>
      %dma_start3A_119 = tpu.memref_slice %arg3[%add3A_35] : memref<320000xi32, #tpu.memory_space<hbm>> -> memref<128xi32, #tpu.memory_space<hbm>>
      %dma_start3A_120 = arith.constant 0 : i32
      %dma_start3A_121 = tpu.memref_slice %arg8[%run_scoped3A_36, %dma_start3A_120] : memref<2x128xi32, #tpu.memory_space<vmem>> -> memref<1x128xi32, #tpu.memory_space<vmem>>
      %dma_start3A_122 = tpu.memref_squeeze %dma_start3A_121 : memref<1x128xi32, #tpu.memory_space<vmem>> -> memref<128xi32, #tpu.memory_space<vmem>>
      %dma_start3A_123 = tpu.memref_slice %arg3[%add3A_35] : memref<320000xi32, #tpu.memory_space<hbm>> -> memref<128xi32, #tpu.memory_space<hbm>>
      tpu.enqueue_dma source(%dma_start3A_123 : memref<128xi32, #tpu.memory_space<hbm>>) target(%dma_start3A_122 : memref<128xi32, #tpu.memory_space<vmem>>) target_semaphore(%run_scoped3A_115 : memref<!tpu.dma_semaphore, #tpu.memory_space<semaphore_mem>>)
      %dma_wait3A_124 = arith.constant 0 : i32
      %dma_wait3A_125 = tpu.memref_slice %arg8[%run_scoped3A_36, %dma_wait3A_124] : memref<2x128xi32, #tpu.memory_space<vmem>> -> memref<1x128xi32, #tpu.memory_space<vmem>>
      %dma_wait3A_126 = tpu.memref_squeeze %dma_wait3A_125 : memref<1x128xi32, #tpu.memory_space<vmem>> -> memref<128xi32, #tpu.memory_space<vmem>>
      %dma_wait3A_127 = tpu.memref_slice %arg3[%add3A_35] : memref<320000xi32, #tpu.memory_space<hbm>> -> memref<128xi32, #tpu.memory_space<hbm>>
      %dma_wait3A_128 = arith.constant 0 : i32
      %dma_wait3A_129 = tpu.memref_slice %arg8[%run_scoped3A_36, %dma_wait3A_128] : memref<2x128xi32, #tpu.memory_space<vmem>> -> memref<1x128xi32, #tpu.memory_space<vmem>>
      %dma_wait3A_130 = tpu.memref_squeeze %dma_wait3A_129 : memref<1x128xi32, #tpu.memory_space<vmem>> -> memref<128xi32, #tpu.memory_space<vmem>>
      %dma_wait3A_131 = tpu.memref_slice %arg3[%add3A_35] : memref<320000xi32, #tpu.memory_space<hbm>> -> memref<128xi32, #tpu.memory_space<hbm>>
      tpu.wait_dma2 semaphore(%run_scoped3A_115 : memref<!tpu.dma_semaphore, #tpu.memory_space<semaphore_mem>>) src(%dma_wait3A_131 : memref<128xi32, #tpu.memory_space<hbm>>) dst(%dma_wait3A_130 : memref<128xi32, #tpu.memory_space<vmem>>)
      tpu.yield
    }) : () -> ()
    %dma_start3A_37 = arith.constant 1 : i32
    %dma_start3A_38 = arith.constant 1 : i32
    %dma_start3A_39 = arith.constant 0 : i32
    %dma_start3A_40 = arith.constant 0 : i32
    %dma_start3A_41 = tpu.memref_slice %arg10[%dma_start3A_38, %dma_start3A_39, %dma_start3A_40] : memref<2x128x128xf32, #tpu.memory_space<vmem>> -> memref<1x128x128xf32, #tpu.memory_space<vmem>>
    %dma_start3A_42 = tpu.memref_squeeze %dma_start3A_41 : memref<1x128x128xf32, #tpu.memory_space<vmem>> -> memref<128x128xf32, #tpu.memory_space<vmem>>
    %dma_start3A_43 = arith.constant 0 : i32
    %dma_start3A_44 = tpu.memref_slice %arg8[%dma_start3A_37, %dma_start3A_43] : memref<2x128xi32, #tpu.memory_space<vmem>> -> memref<1x128xi32, #tpu.memory_space<vmem>>
    %dma_start3A_45 = tpu.memref_squeeze %dma_start3A_44 : memref<1x128xi32, #tpu.memory_space<vmem>> -> memref<128xi32, #tpu.memory_space<vmem>>
    %dma_start3A_46 = arith.constant 0 : i32
    %dma_start3A_47 = arith.constant 0 : i32
    %dma_start3A_48 = tpu.memref_slice %arg2[%dma_start3A_46, %dma_start3A_47] : memref<10000x128xf32, #tpu.memory_space<hbm>> -> memref<10000x128xf32, #tpu.memory_space<hbm>>
    tpu.enqueue_indirect_dma source(%dma_start3A_48 : memref<10000x128xf32, #tpu.memory_space<hbm>>) target(%dma_start3A_42 : memref<128x128xf32, #tpu.memory_space<vmem>>) offsets(%dma_start3A_45 : memref<128xi32, #tpu.memory_space<vmem>>) semaphore(%arg12 : memref<!tpu.dma_semaphore, #tpu.memory_space<semaphore_mem>>)
    %jit3A_49 = arith.constant 2 : i32
    %div3A = arith.divsi %select_n3A, %jit3A_49 : i32
    %sign3A = arith.constant 0 : i32
    %sign3A_50 = arith.cmpi sgt, %select_n3A, %sign3A : i32
    %sign3A_51 = arith.extui %sign3A_50 : i1 to i32
    %sign3A_52 = arith.constant 0 : i32
    %sign3A_53 = arith.cmpi slt, %select_n3A, %sign3A_52 : i32
    %sign3A_54 = arith.extui %sign3A_53 : i1 to i32
    %sign3A_55 = arith.subi %sign3A_51, %sign3A_54 : i32
    %sign3A_56 = arith.constant 0 : i32
    %sign3A_57 = arith.cmpi sgt, %jit3A_49, %sign3A_56 : i32
    %sign3A_58 = arith.extui %sign3A_57 : i1 to i32
    %sign3A_59 = arith.constant 0 : i32
    %sign3A_60 = arith.cmpi slt, %jit3A_49, %sign3A_59 : i32
    %sign3A_61 = arith.extui %sign3A_60 : i1 to i32
    %sign3A_62 = arith.subi %sign3A_58, %sign3A_61 : i32
    %ne3A = arith.cmpi ne, %sign3A_55, %sign3A_62 : i32
    %rem3A = arith.remsi %select_n3A, %jit3A_49 : i32
    %ne3A_63 = arith.constant 0 : i32
    %ne3A_64 = arith.cmpi ne, %rem3A, %ne3A_63 : i32
    %and3A = arith.andi %ne3A, %ne3A_64 : i1
    %sub3A = arith.constant 1 : i32
    %sub3A_65 = arith.subi %div3A, %sub3A : i32
    %select_n3A_66 = arith.select %and3A, %sub3A_65, %div3A : i32
    %while3A = arith.constant 0 : i32
    %while3A_67 = arith.constant 0 : i32
    %while3A_68 = arith.subi %select_n3A_66, %while3A_67 : i32
    %while3A_69 = arith.addi %while3A_67, %while3A_68 : i32
    %while3A_70 = arith.constant 1 : i32
    %while3A_71 = arith.divsi %while3A_68, %while3A_70 : i32
    %while3A_72 = arith.muli %while3A_71, %while3A_70 : i32
    %while3A_73 = arith.addi %while3A_67, %while3A_72 : i32
    %while3A_74 = arith.constant 1 : i32
    scf.for %while3A_115 = %while3A_67 to %while3A_73 step %while3A_74  : i32 {
      %mul3A_116 = arith.constant 2 : i32
      %mul3A_117 = arith.muli %while3A_115, %mul3A_116 : i32
      %add3A_118 = arith.constant 0 : i32
      %add3A_119 = arith.addi %mul3A_117, %add3A_118 : i32
      %dma_wait3A_120 = arith.constant 0 : i32
      %dma_wait3A_121 = arith.constant 0 : i32
      %dma_wait3A_122 = arith.constant 0 : i32
      %dma_wait3A_123 = arith.constant 0 : i32
      %dma_wait3A_124 = tpu.memref_slice %arg10[%dma_wait3A_121, %dma_wait3A_122, %dma_wait3A_123] : memref<2x128x128xf32, #tpu.memory_space<vmem>> -> memref<1x128x128xf32, #tpu.memory_space<vmem>>
      %dma_wait3A_125 = tpu.memref_squeeze %dma_wait3A_124 : memref<1x128x128xf32, #tpu.memory_space<vmem>> -> memref<128x128xf32, #tpu.memory_space<vmem>>
      %dma_wait3A_126 = arith.constant 0 : i32
      %dma_wait3A_127 = tpu.memref_slice %arg8[%dma_wait3A_120, %dma_wait3A_126] : memref<2x128xi32, #tpu.memory_space<vmem>> -> memref<1x128xi32, #tpu.memory_space<vmem>>
      %dma_wait3A_128 = tpu.memref_squeeze %dma_wait3A_127 : memref<1x128xi32, #tpu.memory_space<vmem>> -> memref<128xi32, #tpu.memory_space<vmem>>
      %dma_wait3A_129 = arith.constant 0 : i32
      %dma_wait3A_130 = arith.constant 0 : i32
      %dma_wait3A_131 = tpu.memref_slice %arg2[%dma_wait3A_129, %dma_wait3A_130] : memref<10000x128xf32, #tpu.memory_space<hbm>> -> memref<10000x128xf32, #tpu.memory_space<hbm>>
      tpu.wait_indirect_dma semaphore(%arg11 : memref<!tpu.dma_semaphore, #tpu.memory_space<semaphore_mem>>) src(%dma_wait3A_131 : memref<10000x128xf32, #tpu.memory_space<hbm>>) dst(%dma_wait3A_125 : memref<128x128xf32, #tpu.memory_space<vmem>>)
      %dma_start3A_132 = arith.constant 0 : i32
      %dma_start3A_133 = arith.constant 0 : i32
      %dma_start3A_134 = arith.constant 0 : i32
      %dma_start3A_135 = tpu.memref_slice %arg10[%dma_start3A_132, %dma_start3A_133, %dma_start3A_134] : memref<2x128x128xf32, #tpu.memory_space<vmem>> -> memref<1x128x128xf32, #tpu.memory_space<vmem>>
      %dma_start3A_136 = tpu.memref_squeeze %dma_start3A_135 : memref<1x128x128xf32, #tpu.memory_space<vmem>> -> memref<128x128xf32, #tpu.memory_space<vmem>>
      %dma_start3A_137 = arith.constant 0 : i32
      %dma_start3A_138 = tpu.memref_slice %arg9[%add3A_119, %dma_start3A_137] : memref<80x128xi32, #tpu.memory_space<vmem>> -> memref<1x128xi32, #tpu.memory_space<vmem>>
      %dma_start3A_139 = tpu.memref_squeeze %dma_start3A_138 : memref<1x128xi32, #tpu.memory_space<vmem>> -> memref<128xi32, #tpu.memory_space<vmem>>
      %dma_start3A_140 = arith.constant 0 : i32
      %dma_start3A_141 = arith.constant 0 : i32
      %dma_start3A_142 = tpu.memref_slice %arg7[%dma_start3A_140, %dma_start3A_141] : memref<10000x128xf32, #tpu.memory_space<vmem_shared>> -> memref<10000x128xf32, #tpu.memory_space<vmem_shared>>
      tpu.enqueue_indirect_dma source(%dma_start3A_136 : memref<128x128xf32, #tpu.memory_space<vmem>>) target(%dma_start3A_142 : memref<10000x128xf32, #tpu.memory_space<vmem_shared>>) offsets(%dma_start3A_139 : memref<128xi32, #tpu.memory_space<vmem>>) semaphore(%arg13 : memref<!tpu.dma_semaphore, #tpu.memory_space<semaphore_mem>>) {add = true}
      %mul3A_143 = arith.constant 2 : i32
      %mul3A_144 = arith.muli %while3A_115, %mul3A_143 : i32
      %add3A_145 = arith.constant 1 : i32
      %add3A_146 = arith.addi %mul3A_144, %add3A_145 : i32
      %dma_wait3A_147 = arith.constant 1 : i32
      %dma_wait3A_148 = arith.constant 1 : i32
      %dma_wait3A_149 = arith.constant 0 : i32
      %dma_wait3A_150 = arith.constant 0 : i32
      %dma_wait3A_151 = tpu.memref_slice %arg10[%dma_wait3A_148, %dma_wait3A_149, %dma_wait3A_150] : memref<2x128x128xf32, #tpu.memory_space<vmem>> -> memref<1x128x128xf32, #tpu.memory_space<vmem>>
      %dma_wait3A_152 = tpu.memref_squeeze %dma_wait3A_151 : memref<1x128x128xf32, #tpu.memory_space<vmem>> -> memref<128x128xf32, #tpu.memory_space<vmem>>
      %dma_wait3A_153 = arith.constant 0 : i32
      %dma_wait3A_154 = tpu.memref_slice %arg8[%dma_wait3A_147, %dma_wait3A_153] : memref<2x128xi32, #tpu.memory_space<vmem>> -> memref<1x128xi32, #tpu.memory_space<vmem>>
      %dma_wait3A_155 = tpu.memref_squeeze %dma_wait3A_154 : memref<1x128xi32, #tpu.memory_space<vmem>> -> memref<128xi32, #tpu.memory_space<vmem>>
      %dma_wait3A_156 = arith.constant 0 : i32
      %dma_wait3A_157 = arith.constant 0 : i32
      %dma_wait3A_158 = tpu.memref_slice %arg2[%dma_wait3A_156, %dma_wait3A_157] : memref<10000x128xf32, #tpu.memory_space<hbm>> -> memref<10000x128xf32, #tpu.memory_space<hbm>>
      tpu.wait_indirect_dma semaphore(%arg12 : memref<!tpu.dma_semaphore, #tpu.memory_space<semaphore_mem>>) src(%dma_wait3A_158 : memref<10000x128xf32, #tpu.memory_space<hbm>>) dst(%dma_wait3A_152 : memref<128x128xf32, #tpu.memory_space<vmem>>)
      %dma_start3A_159 = arith.constant 1 : i32
      %dma_start3A_160 = arith.constant 0 : i32
      %dma_start3A_161 = arith.constant 0 : i32
      %dma_start3A_162 = tpu.memref_slice %arg10[%dma_start3A_159, %dma_start3A_160, %dma_start3A_161] : memref<2x128x128xf32, #tpu.memory_space<vmem>> -> memref<1x128x128xf32, #tpu.memory_space<vmem>>
      %dma_start3A_163 = tpu.memref_squeeze %dma_start3A_162 : memref<1x128x128xf32, #tpu.memory_space<vmem>> -> memref<128x128xf32, #tpu.memory_space<vmem>>
      %dma_start3A_164 = arith.constant 0 : i32
      %dma_start3A_165 = tpu.memref_slice %arg9[%add3A_146, %dma_start3A_164] : memref<80x128xi32, #tpu.memory_space<vmem>> -> memref<1x128xi32, #tpu.memory_space<vmem>>
      %dma_start3A_166 = tpu.memref_squeeze %dma_start3A_165 : memref<1x128xi32, #tpu.memory_space<vmem>> -> memref<128xi32, #tpu.memory_space<vmem>>
      %dma_start3A_167 = arith.constant 0 : i32
      %dma_start3A_168 = arith.constant 0 : i32
      %dma_start3A_169 = tpu.memref_slice %arg7[%dma_start3A_167, %dma_start3A_168] : memref<10000x128xf32, #tpu.memory_space<vmem_shared>> -> memref<10000x128xf32, #tpu.memory_space<vmem_shared>>
      tpu.enqueue_indirect_dma source(%dma_start3A_163 : memref<128x128xf32, #tpu.memory_space<vmem>>) target(%dma_start3A_169 : memref<10000x128xf32, #tpu.memory_space<vmem_shared>>) offsets(%dma_start3A_166 : memref<128xi32, #tpu.memory_space<vmem>>) semaphore(%arg14 : memref<!tpu.dma_semaphore, #tpu.memory_space<semaphore_mem>>) {add = true}
      %mul3A_170 = arith.constant 2 : i32
      %mul3A_171 = arith.muli %while3A_115, %mul3A_170 : i32
      %add3A_172 = arith.constant 0 : i32
      %add3A_173 = arith.addi %mul3A_171, %add3A_172 : i32
      %add3A_174 = arith.constant 2 : i32
      %add3A_175 = arith.addi %add3A_173, %add3A_174 : i32
      %lt3A = arith.cmpi slt, %add3A_175, %select_n3A : i32
      %convert_element_type3A_176 = arith.extui %lt3A : i1 to i32
      %cond3A_177 = arith.constant 0 : i32
      %cond3A_178 = arith.cmpi ne, %convert_element_type3A_176, %cond3A_177 : i32
      scf.if %cond3A_178 {
        %sub3A_189 = arith.constant 2 : i32
        %sub3A_190 = arith.subi %add3A_175, %sub3A_189 : i32
        %dma_wait3A_191 = arith.constant 0 : i32
        %dma_wait3A_192 = arith.constant 0 : i32
        %dma_wait3A_193 = arith.constant 0 : i32
        %dma_wait3A_194 = tpu.memref_slice %arg10[%dma_wait3A_191, %dma_wait3A_192, %dma_wait3A_193] : memref<2x128x128xf32, #tpu.memory_space<vmem>> -> memref<1x128x128xf32, #tpu.memory_space<vmem>>
        %dma_wait3A_195 = tpu.memref_squeeze %dma_wait3A_194 : memref<1x128x128xf32, #tpu.memory_space<vmem>> -> memref<128x128xf32, #tpu.memory_space<vmem>>
        %dma_wait3A_196 = arith.constant 0 : i32
        %dma_wait3A_197 = tpu.memref_slice %arg9[%sub3A_190, %dma_wait3A_196] : memref<80x128xi32, #tpu.memory_space<vmem>> -> memref<1x128xi32, #tpu.memory_space<vmem>>
        %dma_wait3A_198 = tpu.memref_squeeze %dma_wait3A_197 : memref<1x128xi32, #tpu.memory_space<vmem>> -> memref<128xi32, #tpu.memory_space<vmem>>
        %dma_wait3A_199 = arith.constant 0 : i32
        %dma_wait3A_200 = arith.constant 0 : i32
        %dma_wait3A_201 = tpu.memref_slice %arg7[%dma_wait3A_199, %dma_wait3A_200] : memref<10000x128xf32, #tpu.memory_space<vmem_shared>> -> memref<10000x128xf32, #tpu.memory_space<vmem_shared>>
        tpu.wait_indirect_dma semaphore(%arg13 : memref<!tpu.dma_semaphore, #tpu.memory_space<semaphore_mem>>) src(%dma_wait3A_195 : memref<128x128xf32, #tpu.memory_space<vmem>>) dst(%dma_wait3A_201 : memref<10000x128xf32, #tpu.memory_space<vmem_shared>>)
        %mul3A_202 = arith.constant 128 : i32
        %mul3A_203 = arith.muli %add3A_175, %mul3A_202 : i32
        %add3A_204 = arith.addi %mul3A_20, %mul3A_203 : i32
        %run_scoped3A_205 = arith.constant 0 : i32
        "tpu.region"() ({
          %run_scoped3A_218 = tpu.sem_alloc : memref<!tpu.dma_semaphore, #tpu.memory_space<semaphore_mem>>
          %dma_start3A_219 = arith.constant 0 : i32
          %dma_start3A_220 = tpu.memref_slice %arg8[%run_scoped3A_205, %dma_start3A_219] : memref<2x128xi32, #tpu.memory_space<vmem>> -> memref<1x128xi32, #tpu.memory_space<vmem>>
          %dma_start3A_221 = tpu.memref_squeeze %dma_start3A_220 : memref<1x128xi32, #tpu.memory_space<vmem>> -> memref<128xi32, #tpu.memory_space<vmem>>
          %dma_start3A_222 = tpu.memref_slice %arg3[%add3A_204] : memref<320000xi32, #tpu.memory_space<hbm>> -> memref<128xi32, #tpu.memory_space<hbm>>
          %dma_start3A_223 = arith.constant 0 : i32
          %dma_start3A_224 = tpu.memref_slice %arg8[%run_scoped3A_205, %dma_start3A_223] : memref<2x128xi32, #tpu.memory_space<vmem>> -> memref<1x128xi32, #tpu.memory_space<vmem>>
          %dma_start3A_225 = tpu.memref_squeeze %dma_start3A_224 : memref<1x128xi32, #tpu.memory_space<vmem>> -> memref<128xi32, #tpu.memory_space<vmem>>
          %dma_start3A_226 = tpu.memref_slice %arg3[%add3A_204] : memref<320000xi32, #tpu.memory_space<hbm>> -> memref<128xi32, #tpu.memory_space<hbm>>
          tpu.enqueue_dma source(%dma_start3A_226 : memref<128xi32, #tpu.memory_space<hbm>>) target(%dma_start3A_225 : memref<128xi32, #tpu.memory_space<vmem>>) target_semaphore(%run_scoped3A_218 : memref<!tpu.dma_semaphore, #tpu.memory_space<semaphore_mem>>)
          %dma_wait3A_227 = arith.constant 0 : i32
          %dma_wait3A_228 = tpu.memref_slice %arg8[%run_scoped3A_205, %dma_wait3A_227] : memref<2x128xi32, #tpu.memory_space<vmem>> -> memref<1x128xi32, #tpu.memory_space<vmem>>
          %dma_wait3A_229 = tpu.memref_squeeze %dma_wait3A_228 : memref<1x128xi32, #tpu.memory_space<vmem>> -> memref<128xi32, #tpu.memory_space<vmem>>
          %dma_wait3A_230 = tpu.memref_slice %arg3[%add3A_204] : memref<320000xi32, #tpu.memory_space<hbm>> -> memref<128xi32, #tpu.memory_space<hbm>>
          %dma_wait3A_231 = arith.constant 0 : i32
          %dma_wait3A_232 = tpu.memref_slice %arg8[%run_scoped3A_205, %dma_wait3A_231] : memref<2x128xi32, #tpu.memory_space<vmem>> -> memref<1x128xi32, #tpu.memory_space<vmem>>
          %dma_wait3A_233 = tpu.memref_squeeze %dma_wait3A_232 : memref<1x128xi32, #tpu.memory_space<vmem>> -> memref<128xi32, #tpu.memory_space<vmem>>
          %dma_wait3A_234 = tpu.memref_slice %arg3[%add3A_204] : memref<320000xi32, #tpu.memory_space<hbm>> -> memref<128xi32, #tpu.memory_space<hbm>>
          tpu.wait_dma2 semaphore(%run_scoped3A_218 : memref<!tpu.dma_semaphore, #tpu.memory_space<semaphore_mem>>) src(%dma_wait3A_234 : memref<128xi32, #tpu.memory_space<hbm>>) dst(%dma_wait3A_233 : memref<128xi32, #tpu.memory_space<vmem>>)
          tpu.yield
        }) : () -> ()
        %dma_start3A_206 = arith.constant 0 : i32
        %dma_start3A_207 = arith.constant 0 : i32
        %dma_start3A_208 = arith.constant 0 : i32
        %dma_start3A_209 = arith.constant 0 : i32
        %dma_start3A_210 = tpu.memref_slice %arg10[%dma_start3A_207, %dma_start3A_208, %dma_start3A_209] : memref<2x128x128xf32, #tpu.memory_space<vmem>> -> memref<1x128x128xf32, #tpu.memory_space<vmem>>
        %dma_start3A_211 = tpu.memref_squeeze %dma_start3A_210 : memref<1x128x128xf32, #tpu.memory_space<vmem>> -> memref<128x128xf32, #tpu.memory_space<vmem>>
        %dma_start3A_212 = arith.constant 0 : i32
        %dma_start3A_213 = tpu.memref_slice %arg8[%dma_start3A_206, %dma_start3A_212] : memref<2x128xi32, #tpu.memory_space<vmem>> -> memref<1x128xi32, #tpu.memory_space<vmem>>
        %dma_start3A_214 = tpu.memref_squeeze %dma_start3A_213 : memref<1x128xi32, #tpu.memory_space<vmem>> -> memref<128xi32, #tpu.memory_space<vmem>>
        %dma_start3A_215 = arith.constant 0 : i32
        %dma_start3A_216 = arith.constant 0 : i32
        %dma_start3A_217 = tpu.memref_slice %arg2[%dma_start3A_215, %dma_start3A_216] : memref<10000x128xf32, #tpu.memory_space<hbm>> -> memref<10000x128xf32, #tpu.memory_space<hbm>>
        tpu.enqueue_indirect_dma source(%dma_start3A_217 : memref<10000x128xf32, #tpu.memory_space<hbm>>) target(%dma_start3A_211 : memref<128x128xf32, #tpu.memory_space<vmem>>) offsets(%dma_start3A_214 : memref<128xi32, #tpu.memory_space<vmem>>) semaphore(%arg11 : memref<!tpu.dma_semaphore, #tpu.memory_space<semaphore_mem>>)
      } else {
      }
      %mul3A_179 = arith.constant 2 : i32
      %mul3A_180 = arith.muli %while3A_115, %mul3A_179 : i32
      %add3A_181 = arith.constant 1 : i32
      %add3A_182 = arith.addi %mul3A_180, %add3A_181 : i32
      %add3A_183 = arith.constant 2 : i32
      %add3A_184 = arith.addi %add3A_182, %add3A_183 : i32
      %lt3A_185 = arith.cmpi slt, %add3A_184, %select_n3A : i32
      %convert_element_type3A_186 = arith.extui %lt3A_185 : i1 to i32
      %cond3A_187 = arith.constant 0 : i32
      %cond3A_188 = arith.cmpi ne, %convert_element_type3A_186, %cond3A_187 : i32
      scf.if %cond3A_188 {
        %sub3A_189 = arith.constant 2 : i32
        %sub3A_190 = arith.subi %add3A_184, %sub3A_189 : i32
        %dma_wait3A_191 = arith.constant 1 : i32
        %dma_wait3A_192 = arith.constant 0 : i32
        %dma_wait3A_193 = arith.constant 0 : i32
        %dma_wait3A_194 = tpu.memref_slice %arg10[%dma_wait3A_191, %dma_wait3A_192, %dma_wait3A_193] : memref<2x128x128xf32, #tpu.memory_space<vmem>> -> memref<1x128x128xf32, #tpu.memory_space<vmem>>
        %dma_wait3A_195 = tpu.memref_squeeze %dma_wait3A_194 : memref<1x128x128xf32, #tpu.memory_space<vmem>> -> memref<128x128xf32, #tpu.memory_space<vmem>>
        %dma_wait3A_196 = arith.constant 0 : i32
        %dma_wait3A_197 = tpu.memref_slice %arg9[%sub3A_190, %dma_wait3A_196] : memref<80x128xi32, #tpu.memory_space<vmem>> -> memref<1x128xi32, #tpu.memory_space<vmem>>
        %dma_wait3A_198 = tpu.memref_squeeze %dma_wait3A_197 : memref<1x128xi32, #tpu.memory_space<vmem>> -> memref<128xi32, #tpu.memory_space<vmem>>
        %dma_wait3A_199 = arith.constant 0 : i32
        %dma_wait3A_200 = arith.constant 0 : i32
        %dma_wait3A_201 = tpu.memref_slice %arg7[%dma_wait3A_199, %dma_wait3A_200] : memref<10000x128xf32, #tpu.memory_space<vmem_shared>> -> memref<10000x128xf32, #tpu.memory_space<vmem_shared>>
        tpu.wait_indirect_dma semaphore(%arg14 : memref<!tpu.dma_semaphore, #tpu.memory_space<semaphore_mem>>) src(%dma_wait3A_195 : memref<128x128xf32, #tpu.memory_space<vmem>>) dst(%dma_wait3A_201 : memref<10000x128xf32, #tpu.memory_space<vmem_shared>>)
        %mul3A_202 = arith.constant 128 : i32
        %mul3A_203 = arith.muli %add3A_184, %mul3A_202 : i32
        %add3A_204 = arith.addi %mul3A_20, %mul3A_203 : i32
        %run_scoped3A_205 = arith.constant 1 : i32
        "tpu.region"() ({
          %run_scoped3A_218 = tpu.sem_alloc : memref<!tpu.dma_semaphore, #tpu.memory_space<semaphore_mem>>
          %dma_start3A_219 = arith.constant 0 : i32
          %dma_start3A_220 = tpu.memref_slice %arg8[%run_scoped3A_205, %dma_start3A_219] : memref<2x128xi32, #tpu.memory_space<vmem>> -> memref<1x128xi32, #tpu.memory_space<vmem>>
          %dma_start3A_221 = tpu.memref_squeeze %dma_start3A_220 : memref<1x128xi32, #tpu.memory_space<vmem>> -> memref<128xi32, #tpu.memory_space<vmem>>
          %dma_start3A_222 = tpu.memref_slice %arg3[%add3A_204] : memref<320000xi32, #tpu.memory_space<hbm>> -> memref<128xi32, #tpu.memory_space<hbm>>
          %dma_start3A_223 = arith.constant 0 : i32
          %dma_start3A_224 = tpu.memref_slice %arg8[%run_scoped3A_205, %dma_start3A_223] : memref<2x128xi32, #tpu.memory_space<vmem>> -> memref<1x128xi32, #tpu.memory_space<vmem>>
          %dma_start3A_225 = tpu.memref_squeeze %dma_start3A_224 : memref<1x128xi32, #tpu.memory_space<vmem>> -> memref<128xi32, #tpu.memory_space<vmem>>
          %dma_start3A_226 = tpu.memref_slice %arg3[%add3A_204] : memref<320000xi32, #tpu.memory_space<hbm>> -> memref<128xi32, #tpu.memory_space<hbm>>
          tpu.enqueue_dma source(%dma_start3A_226 : memref<128xi32, #tpu.memory_space<hbm>>) target(%dma_start3A_225 : memref<128xi32, #tpu.memory_space<vmem>>) target_semaphore(%run_scoped3A_218 : memref<!tpu.dma_semaphore, #tpu.memory_space<semaphore_mem>>)
          %dma_wait3A_227 = arith.constant 0 : i32
          %dma_wait3A_228 = tpu.memref_slice %arg8[%run_scoped3A_205, %dma_wait3A_227] : memref<2x128xi32, #tpu.memory_space<vmem>> -> memref<1x128xi32, #tpu.memory_space<vmem>>
          %dma_wait3A_229 = tpu.memref_squeeze %dma_wait3A_228 : memref<1x128xi32, #tpu.memory_space<vmem>> -> memref<128xi32, #tpu.memory_space<vmem>>
          %dma_wait3A_230 = tpu.memref_slice %arg3[%add3A_204] : memref<320000xi32, #tpu.memory_space<hbm>> -> memref<128xi32, #tpu.memory_space<hbm>>
          %dma_wait3A_231 = arith.constant 0 : i32
          %dma_wait3A_232 = tpu.memref_slice %arg8[%run_scoped3A_205, %dma_wait3A_231] : memref<2x128xi32, #tpu.memory_space<vmem>> -> memref<1x128xi32, #tpu.memory_space<vmem>>
          %dma_wait3A_233 = tpu.memref_squeeze %dma_wait3A_232 : memref<1x128xi32, #tpu.memory_space<vmem>> -> memref<128xi32, #tpu.memory_space<vmem>>
          %dma_wait3A_234 = tpu.memref_slice %arg3[%add3A_204] : memref<320000xi32, #tpu.memory_space<hbm>> -> memref<128xi32, #tpu.memory_space<hbm>>
          tpu.wait_dma2 semaphore(%run_scoped3A_218 : memref<!tpu.dma_semaphore, #tpu.memory_space<semaphore_mem>>) src(%dma_wait3A_234 : memref<128xi32, #tpu.memory_space<hbm>>) dst(%dma_wait3A_233 : memref<128xi32, #tpu.memory_space<vmem>>)
          tpu.yield
        }) : () -> ()
        %dma_start3A_206 = arith.constant 1 : i32
        %dma_start3A_207 = arith.constant 1 : i32
        %dma_start3A_208 = arith.constant 0 : i32
        %dma_start3A_209 = arith.constant 0 : i32
        %dma_start3A_210 = tpu.memref_slice %arg10[%dma_start3A_207, %dma_start3A_208, %dma_start3A_209] : memref<2x128x128xf32, #tpu.memory_space<vmem>> -> memref<1x128x128xf32, #tpu.memory_space<vmem>>
        %dma_start3A_211 = tpu.memref_squeeze %dma_start3A_210 : memref<1x128x128xf32, #tpu.memory_space<vmem>> -> memref<128x128xf32, #tpu.memory_space<vmem>>
        %dma_start3A_212 = arith.constant 0 : i32
        %dma_start3A_213 = tpu.memref_slice %arg8[%dma_start3A_206, %dma_start3A_212] : memref<2x128xi32, #tpu.memory_space<vmem>> -> memref<1x128xi32, #tpu.memory_space<vmem>>
        %dma_start3A_214 = tpu.memref_squeeze %dma_start3A_213 : memref<1x128xi32, #tpu.memory_space<vmem>> -> memref<128xi32, #tpu.memory_space<vmem>>
        %dma_start3A_215 = arith.constant 0 : i32
        %dma_start3A_216 = arith.constant 0 : i32
        %dma_start3A_217 = tpu.memref_slice %arg2[%dma_start3A_215, %dma_start3A_216] : memref<10000x128xf32, #tpu.memory_space<hbm>> -> memref<10000x128xf32, #tpu.memory_space<hbm>>
        tpu.enqueue_indirect_dma source(%dma_start3A_217 : memref<10000x128xf32, #tpu.memory_space<hbm>>) target(%dma_start3A_211 : memref<128x128xf32, #tpu.memory_space<vmem>>) offsets(%dma_start3A_214 : memref<128xi32, #tpu.memory_space<vmem>>) semaphore(%arg12 : memref<!tpu.dma_semaphore, #tpu.memory_space<semaphore_mem>>)
      } else {
      }
    }
    %while3A_75 = arith.constant 1 : i32
    scf.for %while3A_115 = %while3A_73 to %while3A_69 step %while3A_75  : i32 {
      %mul3A_116 = arith.constant 2 : i32
      %mul3A_117 = arith.muli %while3A_115, %mul3A_116 : i32
      %add3A_118 = arith.constant 0 : i32
      %add3A_119 = arith.addi %mul3A_117, %add3A_118 : i32
      %dma_wait3A_120 = arith.constant 0 : i32
      %dma_wait3A_121 = arith.constant 0 : i32
      %dma_wait3A_122 = arith.constant 0 : i32
      %dma_wait3A_123 = arith.constant 0 : i32
      %dma_wait3A_124 = tpu.memref_slice %arg10[%dma_wait3A_121, %dma_wait3A_122, %dma_wait3A_123] : memref<2x128x128xf32, #tpu.memory_space<vmem>> -> memref<1x128x128xf32, #tpu.memory_space<vmem>>
      %dma_wait3A_125 = tpu.memref_squeeze %dma_wait3A_124 : memref<1x128x128xf32, #tpu.memory_space<vmem>> -> memref<128x128xf32, #tpu.memory_space<vmem>>
      %dma_wait3A_126 = arith.constant 0 : i32
      %dma_wait3A_127 = tpu.memref_slice %arg8[%dma_wait3A_120, %dma_wait3A_126] : memref<2x128xi32, #tpu.memory_space<vmem>> -> memref<1x128xi32, #tpu.memory_space<vmem>>
      %dma_wait3A_128 = tpu.memref_squeeze %dma_wait3A_127 : memref<1x128xi32, #tpu.memory_space<vmem>> -> memref<128xi32, #tpu.memory_space<vmem>>
      %dma_wait3A_129 = arith.constant 0 : i32
      %dma_wait3A_130 = arith.constant 0 : i32
      %dma_wait3A_131 = tpu.memref_slice %arg2[%dma_wait3A_129, %dma_wait3A_130] : memref<10000x128xf32, #tpu.memory_space<hbm>> -> memref<10000x128xf32, #tpu.memory_space<hbm>>
      tpu.wait_indirect_dma semaphore(%arg11 : memref<!tpu.dma_semaphore, #tpu.memory_space<semaphore_mem>>) src(%dma_wait3A_131 : memref<10000x128xf32, #tpu.memory_space<hbm>>) dst(%dma_wait3A_125 : memref<128x128xf32, #tpu.memory_space<vmem>>)
      %dma_start3A_132 = arith.constant 0 : i32
      %dma_start3A_133 = arith.constant 0 : i32
      %dma_start3A_134 = arith.constant 0 : i32
      %dma_start3A_135 = tpu.memref_slice %arg10[%dma_start3A_132, %dma_start3A_133, %dma_start3A_134] : memref<2x128x128xf32, #tpu.memory_space<vmem>> -> memref<1x128x128xf32, #tpu.memory_space<vmem>>
      %dma_start3A_136 = tpu.memref_squeeze %dma_start3A_135 : memref<1x128x128xf32, #tpu.memory_space<vmem>> -> memref<128x128xf32, #tpu.memory_space<vmem>>
      %dma_start3A_137 = arith.constant 0 : i32
      %dma_start3A_138 = tpu.memref_slice %arg9[%add3A_119, %dma_start3A_137] : memref<80x128xi32, #tpu.memory_space<vmem>> -> memref<1x128xi32, #tpu.memory_space<vmem>>
      %dma_start3A_139 = tpu.memref_squeeze %dma_start3A_138 : memref<1x128xi32, #tpu.memory_space<vmem>> -> memref<128xi32, #tpu.memory_space<vmem>>
      %dma_start3A_140 = arith.constant 0 : i32
      %dma_start3A_141 = arith.constant 0 : i32
      %dma_start3A_142 = tpu.memref_slice %arg7[%dma_start3A_140, %dma_start3A_141] : memref<10000x128xf32, #tpu.memory_space<vmem_shared>> -> memref<10000x128xf32, #tpu.memory_space<vmem_shared>>
      tpu.enqueue_indirect_dma source(%dma_start3A_136 : memref<128x128xf32, #tpu.memory_space<vmem>>) target(%dma_start3A_142 : memref<10000x128xf32, #tpu.memory_space<vmem_shared>>) offsets(%dma_start3A_139 : memref<128xi32, #tpu.memory_space<vmem>>) semaphore(%arg13 : memref<!tpu.dma_semaphore, #tpu.memory_space<semaphore_mem>>) {add = true}
      %mul3A_143 = arith.constant 2 : i32
      %mul3A_144 = arith.muli %while3A_115, %mul3A_143 : i32
      %add3A_145 = arith.constant 1 : i32
      %add3A_146 = arith.addi %mul3A_144, %add3A_145 : i32
      %dma_wait3A_147 = arith.constant 1 : i32
      %dma_wait3A_148 = arith.constant 1 : i32
      %dma_wait3A_149 = arith.constant 0 : i32
      %dma_wait3A_150 = arith.constant 0 : i32
      %dma_wait3A_151 = tpu.memref_slice %arg10[%dma_wait3A_148, %dma_wait3A_149, %dma_wait3A_150] : memref<2x128x128xf32, #tpu.memory_space<vmem>> -> memref<1x128x128xf32, #tpu.memory_space<vmem>>
      %dma_wait3A_152 = tpu.memref_squeeze %dma_wait3A_151 : memref<1x128x128xf32, #tpu.memory_space<vmem>> -> memref<128x128xf32, #tpu.memory_space<vmem>>
      %dma_wait3A_153 = arith.constant 0 : i32
      %dma_wait3A_154 = tpu.memref_slice %arg8[%dma_wait3A_147, %dma_wait3A_153] : memref<2x128xi32, #tpu.memory_space<vmem>> -> memref<1x128xi32, #tpu.memory_space<vmem>>
      %dma_wait3A_155 = tpu.memref_squeeze %dma_wait3A_154 : memref<1x128xi32, #tpu.memory_space<vmem>> -> memref<128xi32, #tpu.memory_space<vmem>>
      %dma_wait3A_156 = arith.constant 0 : i32
      %dma_wait3A_157 = arith.constant 0 : i32
      %dma_wait3A_158 = tpu.memref_slice %arg2[%dma_wait3A_156, %dma_wait3A_157] : memref<10000x128xf32, #tpu.memory_space<hbm>> -> memref<10000x128xf32, #tpu.memory_space<hbm>>
      tpu.wait_indirect_dma semaphore(%arg12 : memref<!tpu.dma_semaphore, #tpu.memory_space<semaphore_mem>>) src(%dma_wait3A_158 : memref<10000x128xf32, #tpu.memory_space<hbm>>) dst(%dma_wait3A_152 : memref<128x128xf32, #tpu.memory_space<vmem>>)
      %dma_start3A_159 = arith.constant 1 : i32
      %dma_start3A_160 = arith.constant 0 : i32
      %dma_start3A_161 = arith.constant 0 : i32
      %dma_start3A_162 = tpu.memref_slice %arg10[%dma_start3A_159, %dma_start3A_160, %dma_start3A_161] : memref<2x128x128xf32, #tpu.memory_space<vmem>> -> memref<1x128x128xf32, #tpu.memory_space<vmem>>
      %dma_start3A_163 = tpu.memref_squeeze %dma_start3A_162 : memref<1x128x128xf32, #tpu.memory_space<vmem>> -> memref<128x128xf32, #tpu.memory_space<vmem>>
      %dma_start3A_164 = arith.constant 0 : i32
      %dma_start3A_165 = tpu.memref_slice %arg9[%add3A_146, %dma_start3A_164] : memref<80x128xi32, #tpu.memory_space<vmem>> -> memref<1x128xi32, #tpu.memory_space<vmem>>
      %dma_start3A_166 = tpu.memref_squeeze %dma_start3A_165 : memref<1x128xi32, #tpu.memory_space<vmem>> -> memref<128xi32, #tpu.memory_space<vmem>>
      %dma_start3A_167 = arith.constant 0 : i32
      %dma_start3A_168 = arith.constant 0 : i32
      %dma_start3A_169 = tpu.memref_slice %arg7[%dma_start3A_167, %dma_start3A_168] : memref<10000x128xf32, #tpu.memory_space<vmem_shared>> -> memref<10000x128xf32, #tpu.memory_space<vmem_shared>>
      tpu.enqueue_indirect_dma source(%dma_start3A_163 : memref<128x128xf32, #tpu.memory_space<vmem>>) target(%dma_start3A_169 : memref<10000x128xf32, #tpu.memory_space<vmem_shared>>) offsets(%dma_start3A_166 : memref<128xi32, #tpu.memory_space<vmem>>) semaphore(%arg14 : memref<!tpu.dma_semaphore, #tpu.memory_space<semaphore_mem>>) {add = true}
      %mul3A_170 = arith.constant 2 : i32
      %mul3A_171 = arith.muli %while3A_115, %mul3A_170 : i32
      %add3A_172 = arith.constant 0 : i32
      %add3A_173 = arith.addi %mul3A_171, %add3A_172 : i32
      %add3A_174 = arith.constant 2 : i32
      %add3A_175 = arith.addi %add3A_173, %add3A_174 : i32
      %lt3A = arith.cmpi slt, %add3A_175, %select_n3A : i32
      %convert_element_type3A_176 = arith.extui %lt3A : i1 to i32
      %cond3A_177 = arith.constant 0 : i32
      %cond3A_178 = arith.cmpi ne, %convert_element_type3A_176, %cond3A_177 : i32
      scf.if %cond3A_178 {
        %sub3A_189 = arith.constant 2 : i32
        %sub3A_190 = arith.subi %add3A_175, %sub3A_189 : i32
        %dma_wait3A_191 = arith.constant 0 : i32
        %dma_wait3A_192 = arith.constant 0 : i32
        %dma_wait3A_193 = arith.constant 0 : i32
        %dma_wait3A_194 = tpu.memref_slice %arg10[%dma_wait3A_191, %dma_wait3A_192, %dma_wait3A_193] : memref<2x128x128xf32, #tpu.memory_space<vmem>> -> memref<1x128x128xf32, #tpu.memory_space<vmem>>
        %dma_wait3A_195 = tpu.memref_squeeze %dma_wait3A_194 : memref<1x128x128xf32, #tpu.memory_space<vmem>> -> memref<128x128xf32, #tpu.memory_space<vmem>>
        %dma_wait3A_196 = arith.constant 0 : i32
        %dma_wait3A_197 = tpu.memref_slice %arg9[%sub3A_190, %dma_wait3A_196] : memref<80x128xi32, #tpu.memory_space<vmem>> -> memref<1x128xi32, #tpu.memory_space<vmem>>
        %dma_wait3A_198 = tpu.memref_squeeze %dma_wait3A_197 : memref<1x128xi32, #tpu.memory_space<vmem>> -> memref<128xi32, #tpu.memory_space<vmem>>
        %dma_wait3A_199 = arith.constant 0 : i32
        %dma_wait3A_200 = arith.constant 0 : i32
        %dma_wait3A_201 = tpu.memref_slice %arg7[%dma_wait3A_199, %dma_wait3A_200] : memref<10000x128xf32, #tpu.memory_space<vmem_shared>> -> memref<10000x128xf32, #tpu.memory_space<vmem_shared>>
        tpu.wait_indirect_dma semaphore(%arg13 : memref<!tpu.dma_semaphore, #tpu.memory_space<semaphore_mem>>) src(%dma_wait3A_195 : memref<128x128xf32, #tpu.memory_space<vmem>>) dst(%dma_wait3A_201 : memref<10000x128xf32, #tpu.memory_space<vmem_shared>>)
        %mul3A_202 = arith.constant 128 : i32
        %mul3A_203 = arith.muli %add3A_175, %mul3A_202 : i32
        %add3A_204 = arith.addi %mul3A_20, %mul3A_203 : i32
        %run_scoped3A_205 = arith.constant 0 : i32
        "tpu.region"() ({
          %run_scoped3A_218 = tpu.sem_alloc : memref<!tpu.dma_semaphore, #tpu.memory_space<semaphore_mem>>
          %dma_start3A_219 = arith.constant 0 : i32
          %dma_start3A_220 = tpu.memref_slice %arg8[%run_scoped3A_205, %dma_start3A_219] : memref<2x128xi32, #tpu.memory_space<vmem>> -> memref<1x128xi32, #tpu.memory_space<vmem>>
          %dma_start3A_221 = tpu.memref_squeeze %dma_start3A_220 : memref<1x128xi32, #tpu.memory_space<vmem>> -> memref<128xi32, #tpu.memory_space<vmem>>
          %dma_start3A_222 = tpu.memref_slice %arg3[%add3A_204] : memref<320000xi32, #tpu.memory_space<hbm>> -> memref<128xi32, #tpu.memory_space<hbm>>
          %dma_start3A_223 = arith.constant 0 : i32
          %dma_start3A_224 = tpu.memref_slice %arg8[%run_scoped3A_205, %dma_start3A_223] : memref<2x128xi32, #tpu.memory_space<vmem>> -> memref<1x128xi32, #tpu.memory_space<vmem>>
          %dma_start3A_225 = tpu.memref_squeeze %dma_start3A_224 : memref<1x128xi32, #tpu.memory_space<vmem>> -> memref<128xi32, #tpu.memory_space<vmem>>
          %dma_start3A_226 = tpu.memref_slice %arg3[%add3A_204] : memref<320000xi32, #tpu.memory_space<hbm>> -> memref<128xi32, #tpu.memory_space<hbm>>
          tpu.enqueue_dma source(%dma_start3A_226 : memref<128xi32, #tpu.memory_space<hbm>>) target(%dma_start3A_225 : memref<128xi32, #tpu.memory_space<vmem>>) target_semaphore(%run_scoped3A_218 : memref<!tpu.dma_semaphore, #tpu.memory_space<semaphore_mem>>)
          %dma_wait3A_227 = arith.constant 0 : i32
          %dma_wait3A_228 = tpu.memref_slice %arg8[%run_scoped3A_205, %dma_wait3A_227] : memref<2x128xi32, #tpu.memory_space<vmem>> -> memref<1x128xi32, #tpu.memory_space<vmem>>
          %dma_wait3A_229 = tpu.memref_squeeze %dma_wait3A_228 : memref<1x128xi32, #tpu.memory_space<vmem>> -> memref<128xi32, #tpu.memory_space<vmem>>
          %dma_wait3A_230 = tpu.memref_slice %arg3[%add3A_204] : memref<320000xi32, #tpu.memory_space<hbm>> -> memref<128xi32, #tpu.memory_space<hbm>>
          %dma_wait3A_231 = arith.constant 0 : i32
          %dma_wait3A_232 = tpu.memref_slice %arg8[%run_scoped3A_205, %dma_wait3A_231] : memref<2x128xi32, #tpu.memory_space<vmem>> -> memref<1x128xi32, #tpu.memory_space<vmem>>
          %dma_wait3A_233 = tpu.memref_squeeze %dma_wait3A_232 : memref<1x128xi32, #tpu.memory_space<vmem>> -> memref<128xi32, #tpu.memory_space<vmem>>
          %dma_wait3A_234 = tpu.memref_slice %arg3[%add3A_204] : memref<320000xi32, #tpu.memory_space<hbm>> -> memref<128xi32, #tpu.memory_space<hbm>>
          tpu.wait_dma2 semaphore(%run_scoped3A_218 : memref<!tpu.dma_semaphore, #tpu.memory_space<semaphore_mem>>) src(%dma_wait3A_234 : memref<128xi32, #tpu.memory_space<hbm>>) dst(%dma_wait3A_233 : memref<128xi32, #tpu.memory_space<vmem>>)
          tpu.yield
        }) : () -> ()
        %dma_start3A_206 = arith.constant 0 : i32
        %dma_start3A_207 = arith.constant 0 : i32
        %dma_start3A_208 = arith.constant 0 : i32
        %dma_start3A_209 = arith.constant 0 : i32
        %dma_start3A_210 = tpu.memref_slice %arg10[%dma_start3A_207, %dma_start3A_208, %dma_start3A_209] : memref<2x128x128xf32, #tpu.memory_space<vmem>> -> memref<1x128x128xf32, #tpu.memory_space<vmem>>
        %dma_start3A_211 = tpu.memref_squeeze %dma_start3A_210 : memref<1x128x128xf32, #tpu.memory_space<vmem>> -> memref<128x128xf32, #tpu.memory_space<vmem>>
        %dma_start3A_212 = arith.constant 0 : i32
        %dma_start3A_213 = tpu.memref_slice %arg8[%dma_start3A_206, %dma_start3A_212] : memref<2x128xi32, #tpu.memory_space<vmem>> -> memref<1x128xi32, #tpu.memory_space<vmem>>
        %dma_start3A_214 = tpu.memref_squeeze %dma_start3A_213 : memref<1x128xi32, #tpu.memory_space<vmem>> -> memref<128xi32, #tpu.memory_space<vmem>>
        %dma_start3A_215 = arith.constant 0 : i32
        %dma_start3A_216 = arith.constant 0 : i32
        %dma_start3A_217 = tpu.memref_slice %arg2[%dma_start3A_215, %dma_start3A_216] : memref<10000x128xf32, #tpu.memory_space<hbm>> -> memref<10000x128xf32, #tpu.memory_space<hbm>>
        tpu.enqueue_indirect_dma source(%dma_start3A_217 : memref<10000x128xf32, #tpu.memory_space<hbm>>) target(%dma_start3A_211 : memref<128x128xf32, #tpu.memory_space<vmem>>) offsets(%dma_start3A_214 : memref<128xi32, #tpu.memory_space<vmem>>) semaphore(%arg11 : memref<!tpu.dma_semaphore, #tpu.memory_space<semaphore_mem>>)
      } else {
      }
      %mul3A_179 = arith.constant 2 : i32
      %mul3A_180 = arith.muli %while3A_115, %mul3A_179 : i32
      %add3A_181 = arith.constant 1 : i32
      %add3A_182 = arith.addi %mul3A_180, %add3A_181 : i32
      %add3A_183 = arith.constant 2 : i32
      %add3A_184 = arith.addi %add3A_182, %add3A_183 : i32
      %lt3A_185 = arith.cmpi slt, %add3A_184, %select_n3A : i32
      %convert_element_type3A_186 = arith.extui %lt3A_185 : i1 to i32
      %cond3A_187 = arith.constant 0 : i32
      %cond3A_188 = arith.cmpi ne, %convert_element_type3A_186, %cond3A_187 : i32
      scf.if %cond3A_188 {
        %sub3A_189 = arith.constant 2 : i32
        %sub3A_190 = arith.subi %add3A_184, %sub3A_189 : i32
        %dma_wait3A_191 = arith.constant 1 : i32
        %dma_wait3A_192 = arith.constant 0 : i32
        %dma_wait3A_193 = arith.constant 0 : i32
        %dma_wait3A_194 = tpu.memref_slice %arg10[%dma_wait3A_191, %dma_wait3A_192, %dma_wait3A_193] : memref<2x128x128xf32, #tpu.memory_space<vmem>> -> memref<1x128x128xf32, #tpu.memory_space<vmem>>
        %dma_wait3A_195 = tpu.memref_squeeze %dma_wait3A_194 : memref<1x128x128xf32, #tpu.memory_space<vmem>> -> memref<128x128xf32, #tpu.memory_space<vmem>>
        %dma_wait3A_196 = arith.constant 0 : i32
        %dma_wait3A_197 = tpu.memref_slice %arg9[%sub3A_190, %dma_wait3A_196] : memref<80x128xi32, #tpu.memory_space<vmem>> -> memref<1x128xi32, #tpu.memory_space<vmem>>
        %dma_wait3A_198 = tpu.memref_squeeze %dma_wait3A_197 : memref<1x128xi32, #tpu.memory_space<vmem>> -> memref<128xi32, #tpu.memory_space<vmem>>
        %dma_wait3A_199 = arith.constant 0 : i32
        %dma_wait3A_200 = arith.constant 0 : i32
        %dma_wait3A_201 = tpu.memref_slice %arg7[%dma_wait3A_199, %dma_wait3A_200] : memref<10000x128xf32, #tpu.memory_space<vmem_shared>> -> memref<10000x128xf32, #tpu.memory_space<vmem_shared>>
        tpu.wait_indirect_dma semaphore(%arg14 : memref<!tpu.dma_semaphore, #tpu.memory_space<semaphore_mem>>) src(%dma_wait3A_195 : memref<128x128xf32, #tpu.memory_space<vmem>>) dst(%dma_wait3A_201 : memref<10000x128xf32, #tpu.memory_space<vmem_shared>>)
        %mul3A_202 = arith.constant 128 : i32
        %mul3A_203 = arith.muli %add3A_184, %mul3A_202 : i32
        %add3A_204 = arith.addi %mul3A_20, %mul3A_203 : i32
        %run_scoped3A_205 = arith.constant 1 : i32
        "tpu.region"() ({
          %run_scoped3A_218 = tpu.sem_alloc : memref<!tpu.dma_semaphore, #tpu.memory_space<semaphore_mem>>
          %dma_start3A_219 = arith.constant 0 : i32
          %dma_start3A_220 = tpu.memref_slice %arg8[%run_scoped3A_205, %dma_start3A_219] : memref<2x128xi32, #tpu.memory_space<vmem>> -> memref<1x128xi32, #tpu.memory_space<vmem>>
          %dma_start3A_221 = tpu.memref_squeeze %dma_start3A_220 : memref<1x128xi32, #tpu.memory_space<vmem>> -> memref<128xi32, #tpu.memory_space<vmem>>
          %dma_start3A_222 = tpu.memref_slice %arg3[%add3A_204] : memref<320000xi32, #tpu.memory_space<hbm>> -> memref<128xi32, #tpu.memory_space<hbm>>
          %dma_start3A_223 = arith.constant 0 : i32
          %dma_start3A_224 = tpu.memref_slice %arg8[%run_scoped3A_205, %dma_start3A_223] : memref<2x128xi32, #tpu.memory_space<vmem>> -> memref<1x128xi32, #tpu.memory_space<vmem>>
          %dma_start3A_225 = tpu.memref_squeeze %dma_start3A_224 : memref<1x128xi32, #tpu.memory_space<vmem>> -> memref<128xi32, #tpu.memory_space<vmem>>
          %dma_start3A_226 = tpu.memref_slice %arg3[%add3A_204] : memref<320000xi32, #tpu.memory_space<hbm>> -> memref<128xi32, #tpu.memory_space<hbm>>
          tpu.enqueue_dma source(%dma_start3A_226 : memref<128xi32, #tpu.memory_space<hbm>>) target(%dma_start3A_225 : memref<128xi32, #tpu.memory_space<vmem>>) target_semaphore(%run_scoped3A_218 : memref<!tpu.dma_semaphore, #tpu.memory_space<semaphore_mem>>)
          %dma_wait3A_227 = arith.constant 0 : i32
          %dma_wait3A_228 = tpu.memref_slice %arg8[%run_scoped3A_205, %dma_wait3A_227] : memref<2x128xi32, #tpu.memory_space<vmem>> -> memref<1x128xi32, #tpu.memory_space<vmem>>
          %dma_wait3A_229 = tpu.memref_squeeze %dma_wait3A_228 : memref<1x128xi32, #tpu.memory_space<vmem>> -> memref<128xi32, #tpu.memory_space<vmem>>
          %dma_wait3A_230 = tpu.memref_slice %arg3[%add3A_204] : memref<320000xi32, #tpu.memory_space<hbm>> -> memref<128xi32, #tpu.memory_space<hbm>>
          %dma_wait3A_231 = arith.constant 0 : i32
          %dma_wait3A_232 = tpu.memref_slice %arg8[%run_scoped3A_205, %dma_wait3A_231] : memref<2x128xi32, #tpu.memory_space<vmem>> -> memref<1x128xi32, #tpu.memory_space<vmem>>
          %dma_wait3A_233 = tpu.memref_squeeze %dma_wait3A_232 : memref<1x128xi32, #tpu.memory_space<vmem>> -> memref<128xi32, #tpu.memory_space<vmem>>
          %dma_wait3A_234 = tpu.memref_slice %arg3[%add3A_204] : memref<320000xi32, #tpu.memory_space<hbm>> -> memref<128xi32, #tpu.memory_space<hbm>>
          tpu.wait_dma2 semaphore(%run_scoped3A_218 : memref<!tpu.dma_semaphore, #tpu.memory_space<semaphore_mem>>) src(%dma_wait3A_234 : memref<128xi32, #tpu.memory_space<hbm>>) dst(%dma_wait3A_233 : memref<128xi32, #tpu.memory_space<vmem>>)
          tpu.yield
        }) : () -> ()
        %dma_start3A_206 = arith.constant 1 : i32
        %dma_start3A_207 = arith.constant 1 : i32
        %dma_start3A_208 = arith.constant 0 : i32
        %dma_start3A_209 = arith.constant 0 : i32
        %dma_start3A_210 = tpu.memref_slice %arg10[%dma_start3A_207, %dma_start3A_208, %dma_start3A_209] : memref<2x128x128xf32, #tpu.memory_space<vmem>> -> memref<1x128x128xf32, #tpu.memory_space<vmem>>
        %dma_start3A_211 = tpu.memref_squeeze %dma_start3A_210 : memref<1x128x128xf32, #tpu.memory_space<vmem>> -> memref<128x128xf32, #tpu.memory_space<vmem>>
        %dma_start3A_212 = arith.constant 0 : i32
        %dma_start3A_213 = tpu.memref_slice %arg8[%dma_start3A_206, %dma_start3A_212] : memref<2x128xi32, #tpu.memory_space<vmem>> -> memref<1x128xi32, #tpu.memory_space<vmem>>
        %dma_start3A_214 = tpu.memref_squeeze %dma_start3A_213 : memref<1x128xi32, #tpu.memory_space<vmem>> -> memref<128xi32, #tpu.memory_space<vmem>>
        %dma_start3A_215 = arith.constant 0 : i32
        %dma_start3A_216 = arith.constant 0 : i32
        %dma_start3A_217 = tpu.memref_slice %arg2[%dma_start3A_215, %dma_start3A_216] : memref<10000x128xf32, #tpu.memory_space<hbm>> -> memref<10000x128xf32, #tpu.memory_space<hbm>>
        tpu.enqueue_indirect_dma source(%dma_start3A_217 : memref<10000x128xf32, #tpu.memory_space<hbm>>) target(%dma_start3A_211 : memref<128x128xf32, #tpu.memory_space<vmem>>) offsets(%dma_start3A_214 : memref<128xi32, #tpu.memory_space<vmem>>) semaphore(%arg12 : memref<!tpu.dma_semaphore, #tpu.memory_space<semaphore_mem>>)
      } else {
      }
    }
    %sub3A_76 = arith.constant 2 : i32
    %sub3A_77 = arith.subi %select_n3A, %sub3A_76 : i32
    %add3A_78 = arith.constant 0 : i32
    %add3A_79 = arith.addi %sub3A_77, %add3A_78 : i32
    %dma_wait3A = arith.constant 0 : i32
    %dma_wait3A_80 = arith.constant 0 : i32
    %dma_wait3A_81 = arith.constant 0 : i32
    %dma_wait3A_82 = tpu.memref_slice %arg10[%dma_wait3A, %dma_wait3A_80, %dma_wait3A_81] : memref<2x128x128xf32, #tpu.memory_space<vmem>> -> memref<1x128x128xf32, #tpu.memory_space<vmem>>
    %dma_wait3A_83 = tpu.memref_squeeze %dma_wait3A_82 : memref<1x128x128xf32, #tpu.memory_space<vmem>> -> memref<128x128xf32, #tpu.memory_space<vmem>>
    %dma_wait3A_84 = arith.constant 0 : i32
    %dma_wait3A_85 = tpu.memref_slice %arg9[%add3A_79, %dma_wait3A_84] : memref<80x128xi32, #tpu.memory_space<vmem>> -> memref<1x128xi32, #tpu.memory_space<vmem>>
    %dma_wait3A_86 = tpu.memref_squeeze %dma_wait3A_85 : memref<1x128xi32, #tpu.memory_space<vmem>> -> memref<128xi32, #tpu.memory_space<vmem>>
    %dma_wait3A_87 = arith.constant 0 : i32
    %dma_wait3A_88 = arith.constant 0 : i32
    %dma_wait3A_89 = tpu.memref_slice %arg7[%dma_wait3A_87, %dma_wait3A_88] : memref<10000x128xf32, #tpu.memory_space<vmem_shared>> -> memref<10000x128xf32, #tpu.memory_space<vmem_shared>>
    tpu.wait_indirect_dma semaphore(%arg13 : memref<!tpu.dma_semaphore, #tpu.memory_space<semaphore_mem>>) src(%dma_wait3A_83 : memref<128x128xf32, #tpu.memory_space<vmem>>) dst(%dma_wait3A_89 : memref<10000x128xf32, #tpu.memory_space<vmem_shared>>)
    %sub3A_90 = arith.constant 2 : i32
    %sub3A_91 = arith.subi %select_n3A, %sub3A_90 : i32
    %add3A_92 = arith.constant 1 : i32
    %add3A_93 = arith.addi %sub3A_91, %add3A_92 : i32
    %dma_wait3A_94 = arith.constant 1 : i32
    %dma_wait3A_95 = arith.constant 0 : i32
    %dma_wait3A_96 = arith.constant 0 : i32
    %dma_wait3A_97 = tpu.memref_slice %arg10[%dma_wait3A_94, %dma_wait3A_95, %dma_wait3A_96] : memref<2x128x128xf32, #tpu.memory_space<vmem>> -> memref<1x128x128xf32, #tpu.memory_space<vmem>>
    %dma_wait3A_98 = tpu.memref_squeeze %dma_wait3A_97 : memref<1x128x128xf32, #tpu.memory_space<vmem>> -> memref<128x128xf32, #tpu.memory_space<vmem>>
    %dma_wait3A_99 = arith.constant 0 : i32
    %dma_wait3A_100 = tpu.memref_slice %arg9[%add3A_93, %dma_wait3A_99] : memref<80x128xi32, #tpu.memory_space<vmem>> -> memref<1x128xi32, #tpu.memory_space<vmem>>
    %dma_wait3A_101 = tpu.memref_squeeze %dma_wait3A_100 : memref<1x128xi32, #tpu.memory_space<vmem>> -> memref<128xi32, #tpu.memory_space<vmem>>
    %dma_wait3A_102 = arith.constant 0 : i32
    %dma_wait3A_103 = arith.constant 0 : i32
    %dma_wait3A_104 = tpu.memref_slice %arg7[%dma_wait3A_102, %dma_wait3A_103] : memref<10000x128xf32, #tpu.memory_space<vmem_shared>> -> memref<10000x128xf32, #tpu.memory_space<vmem_shared>>
    tpu.wait_indirect_dma semaphore(%arg14 : memref<!tpu.dma_semaphore, #tpu.memory_space<semaphore_mem>>) src(%dma_wait3A_98 : memref<128x128xf32, #tpu.memory_space<vmem>>) dst(%dma_wait3A_104 : memref<10000x128xf32, #tpu.memory_space<vmem_shared>>)
    %barrier3A_105 = arith.constant 0 : index
    tpu.barrier barrier_id(%barrier3A_105)
    %mul3A_106 = arith.constant 624 : i32
    %mul3A_107 = arith.muli %arg1, %mul3A_106 : i32
    %mul3A_108 = arith.constant 624 : i32
    %mul3A_109 = arith.muli %arg1, %mul3A_108 : i32
    "tpu.region"() ({
      %run_scoped3A_115 = tpu.sem_alloc : memref<!tpu.dma_semaphore, #tpu.memory_space<semaphore_mem>>
      %dma_start3A_116 = arith.constant 0 : i32
      %dma_start3A_117 = tpu.memref_slice %arg6[%arg0, %mul3A_109, %dma_start3A_116] : memref<2x10000x128xf32, #tpu.memory_space<hbm>> -> memref<1x624x128xf32, #tpu.memory_space<hbm>>
      %dma_start3A_118 = tpu.memref_squeeze %dma_start3A_117 : memref<1x624x128xf32, #tpu.memory_space<hbm>> -> memref<624x128xf32, #tpu.memory_space<hbm>>
      %dma_start3A_119 = arith.constant 0 : i32
      %dma_start3A_120 = tpu.memref_slice %arg7[%mul3A_107, %dma_start3A_119] : memref<10000x128xf32, #tpu.memory_space<vmem_shared>> -> memref<624x128xf32, #tpu.memory_space<vmem_shared>>
      tpu.enqueue_dma source(%dma_start3A_120 : memref<624x128xf32, #tpu.memory_space<vmem_shared>>) target(%dma_start3A_118 : memref<624x128xf32, #tpu.memory_space<hbm>>) target_semaphore(%run_scoped3A_115 : memref<!tpu.dma_semaphore, #tpu.memory_space<semaphore_mem>>)
      %dma_wait3A_121 = arith.constant 0 : i32
      %dma_wait3A_122 = tpu.memref_slice %arg6[%arg0, %mul3A_109, %dma_wait3A_121] : memref<2x10000x128xf32, #tpu.memory_space<hbm>> -> memref<1x624x128xf32, #tpu.memory_space<hbm>>
      %dma_wait3A_123 = tpu.memref_squeeze %dma_wait3A_122 : memref<1x624x128xf32, #tpu.memory_space<hbm>> -> memref<624x128xf32, #tpu.memory_space<hbm>>
      %dma_wait3A_124 = arith.constant 0 : i32
      %dma_wait3A_125 = tpu.memref_slice %arg7[%mul3A_107, %dma_wait3A_124] : memref<10000x128xf32, #tpu.memory_space<vmem_shared>> -> memref<624x128xf32, #tpu.memory_space<vmem_shared>>
      tpu.wait_dma2 semaphore(%run_scoped3A_115 : memref<!tpu.dma_semaphore, #tpu.memory_space<semaphore_mem>>) src(%dma_wait3A_125 : memref<624x128xf32, #tpu.memory_space<vmem_shared>>) dst(%dma_wait3A_123 : memref<624x128xf32, #tpu.memory_space<hbm>>)
      tpu.yield
    }) : () -> ()
    %eq3A_110 = arith.constant 15 : i32
    %eq3A_111 = arith.cmpi eq, %arg1, %eq3A_110 : i32
    %convert_element_type3A_112 = arith.extui %eq3A_111 : i1 to i32
    %cond3A_113 = arith.constant 0 : i32
    %cond3A_114 = arith.cmpi ne, %convert_element_type3A_112, %cond3A_113 : i32
    scf.if %cond3A_114 {
      "tpu.region"() ({
        %run_scoped3A_115 = tpu.sem_alloc : memref<!tpu.dma_semaphore, #tpu.memory_space<semaphore_mem>>
        %dma_start3A_116 = arith.constant 9984 : i32
        %dma_start3A_117 = arith.constant 0 : i32
        %dma_start3A_118 = tpu.memref_slice %arg6[%arg0, %dma_start3A_116, %dma_start3A_117] : memref<2x10000x128xf32, #tpu.memory_space<hbm>> -> memref<1x16x128xf32, #tpu.memory_space<hbm>>
        %dma_start3A_119 = tpu.memref_squeeze %dma_start3A_118 : memref<1x16x128xf32, #tpu.memory_space<hbm>> -> memref<16x128xf32, #tpu.memory_space<hbm>>
        %dma_start3A_120 = arith.constant 9984 : i32
        %dma_start3A_121 = arith.constant 0 : i32
        %dma_start3A_122 = tpu.memref_slice %arg7[%dma_start3A_120, %dma_start3A_121] : memref<10000x128xf32, #tpu.memory_space<vmem_shared>> -> memref<16x128xf32, #tpu.memory_space<vmem_shared>>
        tpu.enqueue_dma source(%dma_start3A_122 : memref<16x128xf32, #tpu.memory_space<vmem_shared>>) target(%dma_start3A_119 : memref<16x128xf32, #tpu.memory_space<hbm>>) target_semaphore(%run_scoped3A_115 : memref<!tpu.dma_semaphore, #tpu.memory_space<semaphore_mem>>)
        %dma_wait3A_123 = arith.constant 9984 : i32
        %dma_wait3A_124 = arith.constant 0 : i32
        %dma_wait3A_125 = tpu.memref_slice %arg6[%arg0, %dma_wait3A_123, %dma_wait3A_124] : memref<2x10000x128xf32, #tpu.memory_space<hbm>> -> memref<1x16x128xf32, #tpu.memory_space<hbm>>
        %dma_wait3A_126 = tpu.memref_squeeze %dma_wait3A_125 : memref<1x16x128xf32, #tpu.memory_space<hbm>> -> memref<16x128xf32, #tpu.memory_space<hbm>>
        %dma_wait3A_127 = arith.constant 9984 : i32
        %dma_wait3A_128 = arith.constant 0 : i32
        %dma_wait3A_129 = tpu.memref_slice %arg7[%dma_wait3A_127, %dma_wait3A_128] : memref<10000x128xf32, #tpu.memory_space<vmem_shared>> -> memref<16x128xf32, #tpu.memory_space<vmem_shared>>
        tpu.wait_dma2 semaphore(%run_scoped3A_115 : memref<!tpu.dma_semaphore, #tpu.memory_space<semaphore_mem>>) src(%dma_wait3A_129 : memref<16x128xf32, #tpu.memory_space<vmem_shared>>) dst(%dma_wait3A_126 : memref<16x128xf32, #tpu.memory_space<hbm>>)
        tpu.yield
      }) : () -> ()
    } else {
    }
    return
  }
}

module attributes {stable_mosaic.version = 14 : i64} {
  func.func @_ffn_body(%arg0: i32, %arg1: memref<1000x128xf32, #tpu.memory_space<vmem>>, %arg2: memref<2x1000x128xf32, #tpu.memory_space<vmem>>, %arg3: memref<128x128xf32, #tpu.memory_space<vmem>>, %arg4: memref<1x128xf32, #tpu.memory_space<vmem>>, %arg5: memref<128x128xf32, #tpu.memory_space<vmem>>, %arg6: memref<1x128xf32, #tpu.memory_space<vmem>>, %arg7: memref<1000x128xf32, #tpu.memory_space<vmem>>) attributes {dimension_semantics = [#tpu.dimension_semantics<arbitrary>], iteration_bounds = array<i64: 10>, scalar_prefetch = 0 : i64, scratch_operands = 0 : i64, tpu.core_type = #tpu.core_type<tc>, window_params = [{transform_indices = @transform_0, window_bounds = array<i64: 1000, 128>}, {transform_indices = @transform_1, window_bounds = array<i64: 2, 1000, 128>}, {pipeline_mode = #tpu.pipeline_mode<synchronous>, transform_indices = @transform_2, window_bounds = array<i64: 128, 128>}, {pipeline_mode = #tpu.pipeline_mode<synchronous>, transform_indices = @transform_3, window_bounds = array<i64: 1, 128>}, {pipeline_mode = #tpu.pipeline_mode<synchronous>, transform_indices = @transform_4, window_bounds = array<i64: 128, 128>}, {pipeline_mode = #tpu.pipeline_mode<synchronous>, transform_indices = @transform_5, window_bounds = array<i64: 1, 128>}, {transform_indices = @transform_6, window_bounds = array<i64: 1000, 128>}]} {
    %get3A = arith.constant 0 : index
    %get3A_0 = arith.constant 0 : index
    %get3A_1 = vector.load %arg1[%get3A, %get3A_0] : memref<1000x128xf32, #tpu.memory_space<vmem>>, vector<1000x128xf32>
    %get3A_2 = arith.constant 0 : index
    %get3A_3 = arith.constant 0 : index
    %get3A_4 = arith.constant 0 : index
    %get3A_5 = vector.load %arg2[%get3A_2, %get3A_3, %get3A_4] : memref<2x1000x128xf32, #tpu.memory_space<vmem>>, vector<1x1000x128xf32>
    %get3A_6 = vector.shape_cast %get3A_5 : vector<1x1000x128xf32> to vector<1000x128xf32>
    %add3A = arith.addf %get3A_1, %get3A_6 : vector<1000x128xf32>
    %get3A_7 = arith.constant 1 : index
    %get3A_8 = arith.constant 0 : index
    %get3A_9 = arith.constant 0 : index
    %get3A_10 = vector.load %arg2[%get3A_7, %get3A_8, %get3A_9] : memref<2x1000x128xf32, #tpu.memory_space<vmem>>, vector<1x1000x128xf32>
    %get3A_11 = vector.shape_cast %get3A_10 : vector<1x1000x128xf32> to vector<1000x128xf32>
    %add3A_12 = arith.addf %add3A, %get3A_11 : vector<1000x128xf32>
    %get3A_13 = arith.constant 0 : index
    %get3A_14 = arith.constant 0 : index
    %get3A_15 = vector.load %arg3[%get3A_13, %get3A_14] : memref<128x128xf32, #tpu.memory_space<vmem>>, vector<128x128xf32>
    %dot_general3A = arith.constant dense<0.000000e+00> : vector<1000x128xf32>
    %dot_general3A_16 = tpu.matmul %add3A_12, %get3A_15, %dot_general3A {dimension_numbers = #tpu.dot_dimension_numbers<[1], [0], [0], [1], [0, 0, 1, 1], [], []>, transpose_lhs_hint = false} : vector<1000x128xf32>, vector<128x128xf32>, vector<1000x128xf32> -> vector<1000x128xf32>
    %get3A_17 = arith.constant 0 : index
    %get3A_18 = arith.constant 0 : index
    %get3A_19 = vector.load %arg4[%get3A_17, %get3A_18] : memref<1x128xf32, #tpu.memory_space<vmem>>, vector<1x128xf32>
    %add3A_20 = vector.broadcast %get3A_19 : vector<1x128xf32> to vector<1000x128xf32>
    %add3A_21 = arith.addf %dot_general3A_16, %add3A_20 : vector<1000x128xf32>
    %mul3A = arith.constant 0.00999999977 : f32
    %mul3A_22 = vector.broadcast %mul3A : f32 to vector<1000x128xf32>
    %mul3A_23 = arith.mulf %mul3A_22, %add3A_21 : vector<1000x128xf32>
    %max3A = arith.maximumf %add3A_21, %mul3A_23 : vector<1000x128xf32>
    %get3A_24 = arith.constant 0 : index
    %get3A_25 = arith.constant 0 : index
    %get3A_26 = vector.load %arg5[%get3A_24, %get3A_25] : memref<128x128xf32, #tpu.memory_space<vmem>>, vector<128x128xf32>
    %dot_general3A_27 = arith.constant dense<0.000000e+00> : vector<1000x128xf32>
    %dot_general3A_28 = tpu.matmul %max3A, %get3A_26, %dot_general3A_27 {dimension_numbers = #tpu.dot_dimension_numbers<[1], [0], [0], [1], [0, 0, 1, 1], [], []>, transpose_lhs_hint = false} : vector<1000x128xf32>, vector<128x128xf32>, vector<1000x128xf32> -> vector<1000x128xf32>
    %get3A_29 = arith.constant 0 : index
    %get3A_30 = arith.constant 0 : index
    %get3A_31 = vector.load %arg6[%get3A_29, %get3A_30] : memref<1x128xf32, #tpu.memory_space<vmem>>, vector<1x128xf32>
    %add3A_32 = vector.broadcast %get3A_31 : vector<1x128xf32> to vector<1000x128xf32>
    %add3A_33 = arith.addf %dot_general3A_28, %add3A_32 : vector<1000x128xf32>
    %swap3A = arith.constant 0 : index
    %swap3A_34 = arith.constant 0 : index
    %swap3A_35 = vector.load %arg7[%swap3A, %swap3A_34] : memref<1000x128xf32, #tpu.memory_space<vmem>>, vector<1000x128xf32>
    tpu.vector_store %arg7[%swap3A, %swap3A_34], %add3A_33 {strides = array<i32>} : memref<1000x128xf32, #tpu.memory_space<vmem>>, vector<1000x128xf32>,
    return
  }
  func.func @transform_0(%arg0: i32) -> (i32, i32) {
    %c0_i32 = arith.constant 0 : i32
    %c0_i32_0 = arith.constant 0 : i32
    return %arg0, %c0_i32 : i32, i32
  }
  func.func @transform_1(%arg0: i32) -> (i32, i32, i32) {
    %c0_i32 = arith.constant 0 : i32
    %c0_i32_0 = arith.constant 0 : i32
    %c0_i32_1 = arith.constant 0 : i32
    return %c0_i32, %arg0, %c0_i32_0 : i32, i32, i32
  }
  func.func @transform_2(%arg0: i32) -> (i32, i32) {
    %c0_i32 = arith.constant 0 : i32
    %c0_i32_0 = arith.constant 0 : i32
    %c0_i32_1 = arith.constant 0 : i32
    return %c0_i32, %c0_i32_0 : i32, i32
  }
  func.func @transform_3(%arg0: i32) -> (i32, i32) {
    %c0_i32 = arith.constant 0 : i32
    %c0_i32_0 = arith.constant 0 : i32
    %c0_i32_1 = arith.constant 0 : i32
    return %c0_i32, %c0_i32_0 : i32, i32
  }
  func.func @transform_4(%arg0: i32) -> (i32, i32) {
    %c0_i32 = arith.constant 0 : i32
    %c0_i32_0 = arith.constant 0 : i32
    %c0_i32_1 = arith.constant 0 : i32
    return %c0_i32, %c0_i32_0 : i32, i32
  }
  func.func @transform_5(%arg0: i32) -> (i32, i32) {
    %c0_i32 = arith.constant 0 : i32
    %c0_i32_0 = arith.constant 0 : i32
    %c0_i32_1 = arith.constant 0 : i32
    return %c0_i32, %c0_i32_0 : i32, i32
  }
  func.func @transform_6(%arg0: i32) -> (i32, i32) {
    %c0_i32 = arith.constant 0 : i32
    %c0_i32_0 = arith.constant 0 : i32
    return %arg0, %c0_i32 : i32, i32
  }
}

module attributes {stable_mosaic.version = 14 : i64} {
  func.func @_ffn_skip_body(%arg0: i32, %arg1: memref<1000x128xf32, #tpu.memory_space<vmem>>, %arg2: memref<2x1000x128xf32, #tpu.memory_space<vmem>>, %arg3: memref<128x128xf32, #tpu.memory_space<vmem>>, %arg4: memref<1x128xf32, #tpu.memory_space<vmem>>, %arg5: memref<128x128xf32, #tpu.memory_space<vmem>>, %arg6: memref<1x128xf32, #tpu.memory_space<vmem>>, %arg7: memref<1000x128xf32, #tpu.memory_space<vmem>>, %arg8: memref<1000x128xf32, #tpu.memory_space<vmem>>) attributes {dimension_semantics = [#tpu.dimension_semantics<arbitrary>], iteration_bounds = array<i64: 10>, scalar_prefetch = 0 : i64, scratch_operands = 0 : i64, tpu.core_type = #tpu.core_type<tc>, window_params = [{transform_indices = @transform_0, window_bounds = array<i64: 1000, 128>}, {transform_indices = @transform_1, window_bounds = array<i64: 2, 1000, 128>}, {pipeline_mode = #tpu.pipeline_mode<synchronous>, transform_indices = @transform_2, window_bounds = array<i64: 128, 128>}, {pipeline_mode = #tpu.pipeline_mode<synchronous>, transform_indices = @transform_3, window_bounds = array<i64: 1, 128>}, {pipeline_mode = #tpu.pipeline_mode<synchronous>, transform_indices = @transform_4, window_bounds = array<i64: 128, 128>}, {pipeline_mode = #tpu.pipeline_mode<synchronous>, transform_indices = @transform_5, window_bounds = array<i64: 1, 128>}, {transform_indices = @transform_6, window_bounds = array<i64: 1000, 128>}, {transform_indices = @transform_7, window_bounds = array<i64: 1000, 128>}]} {
    %get3A = arith.constant 0 : index
    %get3A_0 = arith.constant 0 : index
    %get3A_1 = vector.load %arg1[%get3A, %get3A_0] : memref<1000x128xf32, #tpu.memory_space<vmem>>, vector<1000x128xf32>
    %get3A_2 = arith.constant 0 : index
    %get3A_3 = arith.constant 0 : index
    %get3A_4 = arith.constant 0 : index
    %get3A_5 = vector.load %arg2[%get3A_2, %get3A_3, %get3A_4] : memref<2x1000x128xf32, #tpu.memory_space<vmem>>, vector<1x1000x128xf32>
    %get3A_6 = vector.shape_cast %get3A_5 : vector<1x1000x128xf32> to vector<1000x128xf32>
    %add3A = arith.addf %get3A_1, %get3A_6 : vector<1000x128xf32>
    %get3A_7 = arith.constant 1 : index
    %get3A_8 = arith.constant 0 : index
    %get3A_9 = arith.constant 0 : index
    %get3A_10 = vector.load %arg2[%get3A_7, %get3A_8, %get3A_9] : memref<2x1000x128xf32, #tpu.memory_space<vmem>>, vector<1x1000x128xf32>
    %get3A_11 = vector.shape_cast %get3A_10 : vector<1x1000x128xf32> to vector<1000x128xf32>
    %add3A_12 = arith.addf %add3A, %get3A_11 : vector<1000x128xf32>
    %get3A_13 = arith.constant 0 : index
    %get3A_14 = arith.constant 0 : index
    %get3A_15 = vector.load %arg3[%get3A_13, %get3A_14] : memref<128x128xf32, #tpu.memory_space<vmem>>, vector<128x128xf32>
    %dot_general3A = arith.constant dense<0.000000e+00> : vector<1000x128xf32>
    %dot_general3A_16 = tpu.matmul %add3A_12, %get3A_15, %dot_general3A {dimension_numbers = #tpu.dot_dimension_numbers<[1], [0], [0], [1], [0, 0, 1, 1], [], []>, transpose_lhs_hint = false} : vector<1000x128xf32>, vector<128x128xf32>, vector<1000x128xf32> -> vector<1000x128xf32>
    %get3A_17 = arith.constant 0 : index
    %get3A_18 = arith.constant 0 : index
    %get3A_19 = vector.load %arg4[%get3A_17, %get3A_18] : memref<1x128xf32, #tpu.memory_space<vmem>>, vector<1x128xf32>
    %add3A_20 = vector.broadcast %get3A_19 : vector<1x128xf32> to vector<1000x128xf32>
    %add3A_21 = arith.addf %dot_general3A_16, %add3A_20 : vector<1000x128xf32>
    %mul3A = arith.constant 0.00999999977 : f32
    %mul3A_22 = vector.broadcast %mul3A : f32 to vector<1000x128xf32>
    %mul3A_23 = arith.mulf %mul3A_22, %add3A_21 : vector<1000x128xf32>
    %max3A = arith.maximumf %add3A_21, %mul3A_23 : vector<1000x128xf32>
    %get3A_24 = arith.constant 0 : index
    %get3A_25 = arith.constant 0 : index
    %get3A_26 = vector.load %arg5[%get3A_24, %get3A_25] : memref<128x128xf32, #tpu.memory_space<vmem>>, vector<128x128xf32>
    %dot_general3A_27 = arith.constant dense<0.000000e+00> : vector<1000x128xf32>
    %dot_general3A_28 = tpu.matmul %max3A, %get3A_26, %dot_general3A_27 {dimension_numbers = #tpu.dot_dimension_numbers<[1], [0], [0], [1], [0, 0, 1, 1], [], []>, transpose_lhs_hint = false} : vector<1000x128xf32>, vector<128x128xf32>, vector<1000x128xf32> -> vector<1000x128xf32>
    %get3A_29 = arith.constant 0 : index
    %get3A_30 = arith.constant 0 : index
    %get3A_31 = vector.load %arg6[%get3A_29, %get3A_30] : memref<1x128xf32, #tpu.memory_space<vmem>>, vector<1x128xf32>
    %add3A_32 = vector.broadcast %get3A_31 : vector<1x128xf32> to vector<1000x128xf32>
    %add3A_33 = arith.addf %dot_general3A_28, %add3A_32 : vector<1000x128xf32>
    %get3A_34 = arith.constant 0 : index
    %get3A_35 = arith.constant 0 : index
    %get3A_36 = vector.load %arg7[%get3A_34, %get3A_35] : memref<1000x128xf32, #tpu.memory_space<vmem>>, vector<1000x128xf32>
    %add3A_37 = arith.addf %add3A_33, %get3A_36 : vector<1000x128xf32>
    %swap3A = arith.constant 0 : index
    %swap3A_38 = arith.constant 0 : index
    %swap3A_39 = vector.load %arg8[%swap3A, %swap3A_38] : memref<1000x128xf32, #tpu.memory_space<vmem>>, vector<1000x128xf32>
    tpu.vector_store %arg8[%swap3A, %swap3A_38], %add3A_37 {strides = array<i32>} : memref<1000x128xf32, #tpu.memory_space<vmem>>, vector<1000x128xf32>,
    return
  }
  func.func @transform_0(%arg0: i32) -> (i32, i32) {
    %c0_i32 = arith.constant 0 : i32
    %c0_i32_0 = arith.constant 0 : i32
    return %arg0, %c0_i32 : i32, i32
  }
  func.func @transform_1(%arg0: i32) -> (i32, i32, i32) {
    %c0_i32 = arith.constant 0 : i32
    %c0_i32_0 = arith.constant 0 : i32
    %c0_i32_1 = arith.constant 0 : i32
    return %c0_i32, %arg0, %c0_i32_0 : i32, i32, i32
  }
  func.func @transform_2(%arg0: i32) -> (i32, i32) {
    %c0_i32 = arith.constant 0 : i32
    %c0_i32_0 = arith.constant 0 : i32
    %c0_i32_1 = arith.constant 0 : i32
    return %c0_i32, %c0_i32_0 : i32, i32
  }
  func.func @transform_3(%arg0: i32) -> (i32, i32) {
    %c0_i32 = arith.constant 0 : i32
    %c0_i32_0 = arith.constant 0 : i32
    %c0_i32_1 = arith.constant 0 : i32
    return %c0_i32, %c0_i32_0 : i32, i32
  }
  func.func @transform_4(%arg0: i32) -> (i32, i32) {
    %c0_i32 = arith.constant 0 : i32
    %c0_i32_0 = arith.constant 0 : i32
    %c0_i32_1 = arith.constant 0 : i32
    return %c0_i32, %c0_i32_0 : i32, i32
  }
  func.func @transform_5(%arg0: i32) -> (i32, i32) {
    %c0_i32 = arith.constant 0 : i32
    %c0_i32_0 = arith.constant 0 : i32
    %c0_i32_1 = arith.constant 0 : i32
    return %c0_i32, %c0_i32_0 : i32, i32
  }
  func.func @transform_6(%arg0: i32) -> (i32, i32) {
    %c0_i32 = arith.constant 0 : i32
    %c0_i32_0 = arith.constant 0 : i32
    return %arg0, %c0_i32 : i32, i32
  }
  func.func @transform_7(%arg0: i32) -> (i32, i32) {
    %c0_i32 = arith.constant 0 : i32
    %c0_i32_0 = arith.constant 0 : i32
    return %arg0, %c0_i32 : i32, i32
  }
}

</mosaic_0001>

<sc_bundles>
// kernel: kernel.6.cloned.1.call-start
scs
__scs_entry_jumppad:
0x0: {  	(pc) =	sbr.rel $0x88, $3  }
0x1: {  	(tag) =	ssettag $0x0;
	lr =	simm.s32 $0x1  }
0x2: {  	[smem:$0x3F97] =	sst lr;
	_ =	strace $0xD0000000  }
0x3: {  	_ = 	snop  }
0x4: {  	_ = 	snop  }
0x5: {  	_ = 	snop  }
0x6: {  	_ = 	snop  }
0x7: {  	_ = 	snop  }
__scs_overlays_trampoline_lowered:
0x8: {  	[smem:$0x3FA6] =	sst s0  }
0x9: {  	[smem:$0x3FA7] =	sst s1  }
0xa: {  	[smem:$0x3FA8] =	sst s2  }
0xb: {  	[smem:$0x3FA9] =	sst s3  }
0xc: {  	[smem:$0x3FAA] =	sst s4  }
0xd: {  	[smem:$0x3FAB] =	sst s5  }
0xe: {  	[smem:$0x3FAC] =	sst s6  }
0xf: {  	[smem:$0x3FAD] =	sst s7  }
0x10: {  	[smem:$0x3FAE] =	sst s8  }
0x11: {  	[smem:$0x3FAF] =	sst s9;
	s0 =	simm.s32 @!p0 $0x0  }
0x12: {  	s1 =	sld [smem:$0x3F95];
	s0 =	simm.s32 @p0 $0x1  }
0x13: {  	[smem:$0x3FB0] =	sst s0;
	s0 =	simm.s32 @!p1 $0x0  }
0x14: {  	s2 =	sld [smem:$0x3F94];
	s0 =	simm.s32 @p1 $0x1  }
0x15: {  	[smem:$0x3FB1] =	sst s0;
	s0 =	simm.s32 @!p2 $0x0  }
0x16: {  	s3 =	sld [smem:$0x3FDB];
	s0 =	simm.s32 @p2 $0x1  }
0x17: {  	s4 =	simm.s32 $0x1BF5;
	[smem:$0x3FB3] =	sst s0  }
0x18: {  	s0 =	sld [smem:$0x3F96];
	_ =	swait.ge [sflag:s4], $0x0  }
0x19: {  	s7 =	sld [smem:$0x3F97]  }
0x1a: {  	s8 =	sadd.s32 $0xFFFFE003, lr  }
0x1b: {  	s9 =	sadd.s32 $0xFFFFFEF7, lr;
	s5 =	simm.s32 $0xFFFFFFFF;
	p2 =	slt.u32 s8, $0xFFFFF086  }
0x1c: {  	p1 =	slt.u32 s9, $0xF7A;
	s5 =	simm.s32 @!p2 $0x0  }
0x1d: {  	s5 =	simm.s32 @p1 $0x1;
	p0 =	seq.s32 s7, s2  }
0x1e: {  	s7 =	smul.u32 @!p0 $0xF7A, s2;
	p2 =	seq.s32 @!p0 s5, $0x0  }
0x1f: {  	s9 =	smul.u32 $0xF7A, s1;
	s8 =	simm.s32 @!p0 $0x1BF5;
	p2 =	por !p2, p0  }
0x20: {  	[sflag:s8] =	ssyncset.s32 @!p0 $0xFFFFF086;
	s6 =	sadd.s32 @!p0 s3, s7;
	s7 =	simm.s32 @!p0 $0x108  }
0x21: {  	s3 =	sadd.s32 s3, s9;
	s6 =	sadd.s32 @!p0 $0x88, s6;
	s7 =	simm.s32 @p2 $0x1082  }
0x22: {  	[simem:s7], [sflag:s8] =	dma.local @!p0 [hbm:s6], $0xF7A  }
0x23: {  	s9 =	sor.u32 $0xD0000000, s2;
	s6 =	simm.s32 $0x108;
	_ =	swait.ge @!p0 [sflag:s8], $0x0  }
0x24: {  	s3 =	sadd.s32 $0x88, s3;
	s6 =	simm.s32 @!p1 $0x1082;
	[sflag:s4] =	ssyncset.s32 $0xFFFFF086  }
0x25: {  	[simem:s6], [sflag:s4] =	dma.local [hbm:s3], $0xF7A  }
0x26: {  	[smem:$0x3F97] =	sst s1;
	(tag) =	ssettag s2;
	_ =	strace s9  }
0x27: {  	s1 =	sld [smem:$0x3FA7]  }
0x28: {  	s2 =	sld [smem:$0x3FA8]  }
0x29: {  	s4 =	sld [smem:$0x3FAA]  }
0x2a: {  	p0 =	seq.s32 s5, $0x0;
	s5 =	sld [smem:$0x3FAB]  }
0x2b: {  	s6 =	sld [smem:$0x3FAC]  }
0x2c: {  	s7 =	sld [smem:$0x3FAD]  }
0x2d: {  	s3 =	simm.s32 $0x108;
	s8 =	sld [smem:$0x3FAE]  }
0x2e: {  	s3 =	simm.s32 @!p0 $0x1082;
	s9 =	sld [smem:$0x3FAF]  }
0x2f: {  	lr =	sadd.s32 s0, s3;
	s0 =	sld [smem:$0x3FA6]  }
0x30: {  	s3 =	sld [smem:$0x3FA9]  }
0x31: {  	[smem:$0x3FB2] =	sst s10  }
0x32: {  	s10 =	sld [smem:$0x3FB0];
	_ =	sdelay $0x3  }
0x33: {  	p0 =	seq.s32 s10, $0x1;
	s10 =	sld [smem:$0x3FB2];
	_ =	sdelay $0x3  }
0x34: {  	[smem:$0x3FB2] =	sst s10  }
0x35: {  	s10 =	sld [smem:$0x3FB1];
	_ =	sdelay $0x3  }
0x36: {  	p1 =	seq.s32 s10, $0x1;
	s10 =	sld [smem:$0x3FB2];
	_ =	sdelay $0x3  }
0x37: {  	[smem:$0x3FB2] =	sst s10  }
0x38: {  	s10 =	sld [smem:$0x3FB3]  }
0x39: {  	_ = 	snop;
	(pc) =	sbr.ind lr, $3  }
0x3a: {  	_ = 	snop  }
0x3b: {  	_ = 	snop  }
0x3c: {  	p2 =	seq.s32 s10, $0x1;
	s10 =	sld [smem:$0x3FB2]  }
0x3d: {  	_ =	shalt  }
0x3e: {  	_ =	shalt  }
0x3f: {  	_ =	shalt  }
0x40: {  	_ =	shalt  }
0x41: {  	_ =	shalt  }
0x42: {  	_ =	shalt  }
0x43: {  	_ =	shalt  }
0x44: {  	_ =	shalt  }
0x45: {  	_ =	shalt  }
0x46: {  	_ =	shalt  }
0x47: {  	_ =	shalt  }
0x48: {  	_ =	shalt  }
0x49: {  	_ =	shalt  }
0x4a: {  	_ =	shalt  }
0x4b: {  	_ =	shalt  }
0x4c: {  	_ =	shalt  }
0x4d: {  	_ =	shalt  }
0x4e: {  	_ =	shalt  }
0x4f: {  	_ =	shalt  }
0x50: {  	_ =	shalt  }
0x51: {  	_ =	shalt  }
0x52: {  	_ =	shalt  }
0x53: {  	_ =	shalt  }
0x54: {  	_ =	shalt  }
0x55: {  	_ =	shalt  }
0x56: {  	_ =	shalt  }
0x57: {  	_ =	shalt  }
0x58: {  	_ =	shalt  }
0x59: {  	_ =	shalt  }
0x5a: {  	_ =	shalt  }
0x5b: {  	_ =	shalt  }
0x5c: {  	_ =	shalt  }
0x5d: {  	_ =	shalt  }
0x5e: {  	_ =	shalt  }
0x5f: {  	_ =	shalt  }
0x60: {  	_ =	shalt  }
0x61: {  	_ =	shalt  }
0x62: {  	_ =	shalt  }
0x63: {  	_ =	shalt  }
0x64: {  	_ =	shalt  }
0x65: {  	_ =	shalt  }
0x66: {  	_ =	shalt  }
0x67: {  	_ =	shalt  }
0x68: {  	_ =	shalt  }
0x69: {  	_ =	shalt  }
0x6a: {  	_ =	shalt  }
0x6b: {  	_ =	shalt  }
0x6c: {  	_ =	shalt  }
0x6d: {  	_ =	shalt  }
0x6e: {  	_ =	shalt  }
0x6f: {  	_ =	shalt  }
0x70: {  	_ =	shalt  }
0x71: {  	_ =	shalt  }
0x72: {  	_ =	shalt  }
0x73: {  	_ =	shalt  }
0x74: {  	_ =	shalt  }
0x75: {  	_ =	shalt  }
0x76: {  	_ =	shalt  }
0x77: {  	_ =	shalt  }
0x78: {  	_ =	shalt  }
0x79: {  	_ =	shalt  }
0x7a: {  	_ =	shalt  }
0x7b: {  	_ =	shalt  }
0x7c: {  	_ =	shalt  }
0x7d: {  	_ =	shalt  }
0x7e: {  	_ =	shalt  }
0x7f: {  	_ =	shalt  }
0x80: {  	_ =	shalt  }
0x81: {  	_ =	shalt  }
0x82: {  	_ =	shalt  }
0x83: {  	_ =	shalt  }
0x84: {  	_ =	shalt  }
0x85: {  	_ =	shalt  }
0x86: {  	_ =	shalt  }
0x87: {  	_ =	shalt  }
.Lfunc_end0:
.L_simem_size_0:
called_computation_lowered:
.L_overlay_start_0:
0x88: {  	s2 =	sld [smem:$0x3FD9]  }
0x89: {  	s3 =	sld [smem:$0x3FFE];
	_ =	sdelay $0x1  }
0x8a: {  	s1 =	srdreg.scid  }
0x8b: {  	s0 =	sand.u32 $0x1, s1  }
0x8c: {  	s17 =	sshll.u32 s0, $0xA;
	s2 =	sadd.s32 s3, s2  }
0x8d: {  	s2 =	sadd.s32 s2, s17  }
0x8e: {  	[smem:$0x3FBE] =	sst s2  }
0x8f: {  	_ = 	snop  }
0x90: {  	s2 =	sld [smem:$0x3FC9]  }
0x91: {  	s18 =	sld [smem:$0x3FD0];
	(tm) =	ssettm $0x1  }
0x92: {  	s4 =	sld [smem:$0x3FFB];
	_ =	sdelay $0x3  }
0x93: {  	_ =	strace s4  }
0x94: {  	s4 =	sld [smem:$0x3FFC];
	_ =	sdelay $0x3  }
0x95: {  	_ =	strace s4  }
0x96: {  	s4 =	sld [smem:$0x3FFD];
	_ =	sdelay $0x3  }
0x97: {  	_ =	strace s4  }
0x98: {  	_ =	strace $0x8FFFFFFF  }
0x99: {  	s19 =	sld [smem:$0x3FDB];
	_ =	sdelay $0x1  }
0x9a: {  	s5 =	simm.s32 $_scs_section_size  }
0x9b: {  	s6 =	simm.s32 $_size__tile_overlayer_lowered;
	s7 =	simm.s32 $_tile_overlayer_lowered  }
0x9c: {  	s22 =	simm.s32 $0x1BFF;
	s21 =	sshll.u32 s7, $0x1;
	s4 =	sadd.s32 s5, s19  }
0x9d: {  	s8 =	simm.s32 $0x0;
	s20 =	sshll.u32 s6, $0x1;
	s6 =	sadd.s32 s21, s4  }
0x9e: {  	[timem:s8], [sflag:s22] =	dma.local [hbm:s6], s20  }
0x9f: {  	_ =	swait.ge [sflag:s22], s20  }
0xa0: {  	s5 =	ssub.s32 $0x0, s20;
	[sflag:s22] =	ssyncset.done $0x0  }
0xa1: {  	[sflag:s22] =	ssyncadd.s32 s5;
	_ =	sdelay $0x1  }
0xa2: {  	s23 =	simm.s32 $0x1B8B  }
0xa3: {  	_ =	swait.ge [sflag:s23], $0x1  }
0xa4: {  	[sflag:s23] =	ssyncset.done $0x0  }
0xa5: {  	s25 =	simm.s32 $0x1B8E;
	s24 =	sld [smem:$0x3FFE];
	[sflag:s23] =	ssyncadd.s32 $0xFFFFFFFF  }
0xa6: {  	s26 =	simm.s32 $execute0_lowered;
	[smem:$0x3FD2] =	sst s25  }
0xa7: {  	s6 =	sshll.u32 s26, $0x1;
	_ =	strace $0x80000046;
	[dreg:$0x1] =	wrdreg $0xFFFFFFFF  }
0xa8: {  	s28 =	simm.s32 $_size_execute0_lowered;
	s4 =	sadd.s32 s4, s6;
	[dreg:$0x0] =	wrdreg $0x0  }
0xa9: {  	s6 =	sshll.u32 s28, $0x1;
	[dreg:$0x2] =	wrdreg s4  }
0xaa: {  	[dreg:$0x3] =	wrdreg s6  }
0xab: {  	[dreg:$0x4] =	wrdreg $0xC0  }
0xac: {  	_ =	task [dreg:s8], $0x5FFFF  }
0xad: {  	[dreg:$0x1] =	wrdreg $0xFFFFFFFF  }
0xae: {  	[dreg:$0x0] =	wrdreg $0x60  }
0xaf: {  	[dreg:$0x2] =	wrdreg s2  }
0xb0: {  	[dreg:$0x3] =	wrdreg s24  }
0xb1: {  	[dreg:$0x4] =	wrdreg s18  }
0xb2: {  	[dreg:$0x5] =	wrdreg $0x0  }
0xb3: {  	[dreg:$0x6] =	wrdreg $0x9  }
0xb4: {  	_ =	task.clear_ibuf [dreg:s8], $0x7FFFF;
	_ =	strace $0x90000046  }
0xb5: {  	s29 =	simm.s32 $0x9;
	_ =	strace $0x80000048  }
0xb6: {  	_ =	swait.ge [sflag:s29], $0x1  }
0xb7: {  	[sflag:s29] =	ssyncadd.s32 $0xFFFFFFFF  }
0xb8: {  	_ =	strace $0x90000048  }
0xb9: {  	_ =	sfence  }
0xba: {  	s30 =	sld [smem:$0x0];
	_ =	sdelay $0x2  }
0xbb: {  	s31 =	sshll.u32 s1, $0xD;
	s1 =	sshrl.u32 s1, $0x2  }
0xbc: {  	s3 =	sand.u32 $0x4000, s31;
	s1 =	sadd.s32 s1, s30  }
0xbd: {  	s0 =	sor.u32 s3, s0;
	s1 =	sshll.u32 s1, $0x11  }
0xbe: {  	s0 =	sor.u32 s1, s0  }
0xbf: {  	s0 =	sadd.s32 $0x8F2B, s0  }
0xc0: {  	[sflag:s0] =	ssyncadd.remote.s32 $0x1  }
0xc1: {  	_ =	sfence.sel $0xFFFF  }
0xc2: {  	[dreg:$0x0] =	wrdreg $0xFFFFFFFF;
	(pc) =	sbr.abs _section_cstart, $3  }
0xc3: {  	[dreg:$0x1] =	wrdreg $0xFFFFFFFF  }
0xc4: {  	_ =	task.clear_ibuf [dreg:s8], $0x2FFFF;
	_ =	strace $0x9FFFFFFF  }
0xc5: {  	(tm) =	ssettm $0x7FFFFFFF  }
tec
execute0_lowered:
.L_overlay_start_1:
0x0: {  	(tag) =	ssettag $0x1  }
0x1: {  	s0 =	rddreg [dreg:$0x0]  }
0x2: {  	s1 =	rddreg [dreg:$0x1]  }
0x3: {  	s2 =	srdreg.scid;
	s4 =	rddreg [dreg:$0x2]  }
0x4: {  	s3 =	rddreg [dreg:$0x3];
	s14 =	stileid.u32  }
0x5: {  	s7 =	simm.s32 $0x0;
	s28 =	simm.s32 $0x13900;
	s29 =	simm.s32 $0x1A180  }
0x6: {  	s30 =	simm.s32 $0x1;
	s31 =	simm.s32 $0x2;
	s2 =	sand.u32 $0x1, s2  }
0x7: {  	[smem:$0x7FF] =	sst s7;
	s7 =	sadd.s32 $0xBE00, s1;
	s10 =	smul.u32 $0x4E000, s14  }
0x8: {  	s11 =	sadd.s32 $0x15C00, s1;
	s13 =	smul.u32 $0x13800, s14;
	s25 =	sshll.u32 s14, $0x6  }
0x9: {  	s15 =	sadd.s32 $0x138000, s3;
	p1 =	sne.s32 s14, $0xF;
	s26 =	smul.u32 $0x138800, s2  }
0xa: {  	s5 =	sshll.u32 s2, $0x4;
	s8 =	ssub.s32 $0x2, s2;
	s2 =	smul.u32 $0x28000, s2  }
0xb: {  	_ =	strace $0x80000047;
	[dreg:$0x7] =	wrdreg s15;
	s15 =	smul.u32 $0x2800, s14  }
0xc: {  	s6 =	sor.u32 s14, s5;
	s12 =	sshrl.u32 s8, $0x1;
	s10 =	sshrl.u32 s10, $0x2  }
0xd: {  	s24 =	sshrl.u32 s13, $0x3;
	s5 =	smul.u32 $0x500, s6;
	p0 =	seq.s32 s6, $0x1F  }
0xe: {  	s12 =	ssub.s32 s8, s12;
	s23 =	sadd.s32 s10, s3;
	s6 =	smul.u32 $0x2800, s6  }
0xf: {  	s8 =	sadd.s32 s4, s24;
	s4 =	sadd.s32 $0x27000, s4;
	[dreg:$0x5] =	wrdreg s23  }
0x10: {  	s17 =	sadd.s32 s13, s26;
	s18 =	sshrl.u32 s26, $0x3;
	[dreg:$0x6] =	wrdreg s8  }
0x11: {  	s2 =	sadd.s32 s15, s2;
	s8 =	sor.u32 $0x1C05, s25;
	[dreg:$0x8] =	wrdreg s4  }
0x12: {  	s19 =	sadd.s32 s11, s18;
	s20 =	sor.u32 $0x280, s2;
	s23 =	smax.u32 s12, $0x1  }
0x13: {  	s25 =	sor.u32 $0x200, s2;
	s26 =	sor.u32 $0x100, s2;
	s2 =	sor.u32 $0x180, s2  }
0x14: {  	s9 =	sadd.s32 s5, s1;
	s5 =	simm.s32 $0x14;
	s6 =	sshrl.u32 s6, $0x3  }
0x15: {  	s1 =	sadd.s32 $0xBB00, s1;
	s21 =	sadd.s32 $0x27000, s19;
	s22 =	sshrl.u32 s20, $0x3  }
0x16: {  	[dreg:$0xf] =	wrdreg s23;
	s4 =	sshrl.u32 s26, $0x3;
	s2 =	sshrl.u32 s2, $0x3  }
0x17: {  	s23 =	simm.s32 $0x5;
	s26 =	simm.s32 $0x16180;
	[dreg:$0xb] =	wrdreg s1  }
0x18: {  	s5 =	simm.s32 @!p0 $0x50;
	s9 =	sadd.s32 $0x2000, s9;
	[dreg:$0xe] =	wrdreg s21  }
0x19: {  	s6 =	sadd.s32 s7, s6;
	s1 =	sshrl.u32 s17, $0x3;
	[dreg:$0xa] =	wrdreg s9  }
0x1a: {  	s21 =	sadd.s32 s4, s7;
	[dreg:$0x9] =	wrdreg s6;
	s1 =	sadd.s32 s11, s1  }
0x1b: {  	s16 =	sadd.s32 $0x10, s6;
	[dreg:$0xd] =	wrdreg s1;
	s1 =	sadd.s32 s22, s7  }
0x1c: {  	s4 =	simm.s32 $0x0;
	[dreg:$0xc] =	wrdreg s16;
	s1 =	sadd.s32 $0xFFFFFFE0, s1  }
0x1d: {  	s24 =	sshll.u32 s5, $0x4;
	[dreg:$0x10] =	wrdreg s1;
	s1 =	sshrl.u32 s25, $0x3  }
0x1e: {  	s18 =	sadd.s32 $0xFFFFFFE0, s24;
	s22 =	sadd.s32 s2, s7;
	s1 =	sadd.s32 s1, s7  }
0x1f: {  	s24 =	simm.s32 $0x13880;
	s2 =	simm.s32 $0x4;
	s1 =	sadd.s32 $0xFFFFFFE0, s1  }
0x20: {  	s25 =	simm.s32 $0x80;
	[dreg:$0x11] =	wrdreg s1;
	s1 =	simm.s32 $0x3  }
.LBB2_1:
0x21: {  	s6 =	rddreg [dreg:$0x5]  }
0x22: {  	s15 =	rddreg [dreg:$0x6];
	s7 =	sshrl.u32 s6, $0x3  }
0x23: {  	[spmem:s7], [sflag:s8] =	dma.local [hbm:s15], $0x2700  }
0x24: {  	_ =	swait.ge [sflag:s23], $0x2700  }
0x25: {  	[sflag:s23] =	ssyncset.done $0x0;
	s6 =	rddreg [dreg:$0x7]  }
0x26: {  	[sflag:s23] =	ssyncadd.s32 $0xFFFFD900;
	s9 =	sshrl.u32 @!p1 s6, $0x3;
	s6 =	rddreg [dreg:$0x8]  }
0x27: {  	[spmem:s9], [sflag:s8] =	dma.local @!p1 [hbm:s6], $0x100  }
0x28: {  	s6 =	simm.s32 @!p1 $0x5  }
0x29: {  	_ =	swait.ge @!p1 [sflag:s6], $0x100  }
0x2a: {  	s10 =	simm.s32 @p0 $0x0;
	[sflag:s6] =	ssyncset.done @!p1 $0x0  }
0x2b: {  	s11 =	simm.s32 @p0 $0x13980;
	s12 =	rddreg [dreg:$0xb];
	[sflag:s6] =	ssyncadd.s32 @!p1 $0xFFFFFF00  }
0x2c: {  	[tilespmem:s11], [sflag:$0x5] =	stream.linear.gather @p0 [hbm4b:s12+s10], $0xA00, $0x38;
	[tilespmem:$0x1E180] =	vst v63  }
0x2d: {  	s10 =	simm.s32 @p0 $0x5  }
0x2e: {  	_ =	swait.ge @p0 [sflag:s10], $0xA00  }
0x2f: {  	s11 =	simm.s32 @!p0 $0x13980;
	[sflag:s10] =	ssyncset.done @p0 $0x0  }
0x30: {  	s12 =	rddreg [dreg:$0xa];
	[sflag:s10] =	ssyncadd.s32 @p0 $0xFFFFF600;
	s10 =	simm.s32 @!p0 $0x0  }
0x31: {  	[tilespmem:s11], [sflag:$0x5] =	stream.linear.gather @!p0 [hbm4b:s12+s10], $0x2800, $0x38;
	[tilespmem:$0x1E180] =	vst v63  }
0x32: {  	s10 =	simm.s32 @!p0 $0x5  }
0x33: {  	_ =	swait.ge @!p0 [sflag:s10], $0x2800  }
0x34: {  	[sflag:s10] =	ssyncset.done @!p0 $0x0  }
0x35: {  	[sflag:s10] =	ssyncadd.s32 @!p0 $0xFFFFD800  }
0x36: {  	[bflag:$0x0] =	sbarrier.arrive $0xFFFF  }
0x37: {  	s16 =	simm.s32 $0x0;
	s17 =	rddreg [dreg:$0x9]  }
0x38: {  	[tilespmem:s24], [sflag:$0x5] =	stream.linear.gather [hbm4b:s17+s16], $0x80, $0x38;
	[tilespmem:$0x1E180] =	vst v63  }
0x39: {  	_ =	swait.ge [sflag:s23], $0x80  }
0x3a: {  	[sflag:s23] =	ssyncset.done $0x0  }
0x3b: {  	[sflag:s23] =	ssyncadd.s32 $0xFFFFFF80  }
0x3c: {  	[tilespmem:s26], [sflag:$0x1] =	stream.indirect.gather [hbm4b:s0+s25], $0x80, s24, s25, $0xb8;
	[tilespmem:$0x1E180] =	vst v63  }
0x3d: {  	s19 =	rddreg [dreg:$0xc]  }
0x3e: {  	[tilespmem:s28], [sflag:$0x5] =	stream.linear.gather [hbm4b:s19+s16], $0x80, $0x38;
	[tilespmem:$0x1E180] =	vst v63  }
0x3f: {  	_ =	swait.ge [sflag:s23], $0x80  }
0x40: {  	[sflag:s23] =	ssyncset.done $0x0  }
0x41: {  	[sflag:s23] =	ssyncadd.s32 $0xFFFFFF80  }
0x42: {  	[tilespmem:s29], [sflag:$0x2] =	stream.indirect.gather [hbm4b:s0+s25], $0x80, s28, s25, $0xb8;
	[tilespmem:$0x1E180] =	vst v63  }
0x43: {  	_ =	swait.ge [sflag:s30], $0x4000  }
0x44: {  	[sflag:s30] =	ssyncset.done $0x0  }
0x45: {  	s20 =	simm.s32 $0x13980;
	[sflag:s30] =	ssyncadd.s32 $0xFFFFC000  }
0x46: {  	[spmem:s3] =	stream.indirect.scatter.add.f32 [tilespmem:s26], [sflag:$0x3], $0x80, s20, s25, $0xb8;
	[tilespmem:$0x1E180] =	vst v63  }
0x47: {  	_ =	swait.ge [sflag:s31], $0x4000  }
0x48: {  	p3 =	sle.u32 s5, $0x2;
	[sflag:s31] =	ssyncset.done $0x0  }
0x49: {  	s13 =	simm.s32 $0x13A00;
	s10 =	simm.s32 @!p3 $0x3;
	[sflag:s31] =	ssyncadd.s32 $0xFFFFC000  }
0x4a: {  	[spmem:s3] =	stream.indirect.scatter.add.f32 [tilespmem:s29], [sflag:$0x4], $0x80, s13, s25, $0xb8;
	[tilespmem:$0x1E180] =	vst v63  }
0x4b: {  	_ =	swait.ge @!p3 [sflag:s10], $0x4000  }
0x4c: {  	s14 =	simm.s32 @!p3 $0x0;
	s11 =	simm.s32 @!p3 $0x13880;
	[sflag:s10] =	ssyncset.done @!p3 $0x0  }
0x4d: {  	s12 =	sadd.s32 @!p3 $0x0, s21;
	[sflag:s10] =	ssyncadd.s32 @!p3 $0xFFFFC000;
	s10 =	simm.s32 @!p3 $0x5  }
0x4e: {  	[tilespmem:s11], [sflag:$0x5] =	stream.linear.gather @!p3 [hbm4b:s12+s14], $0x80, $0x38;
	[tilespmem:$0x1E180] =	vst v63  }
0x4f: {  	p2 =	sle.u32 s5, $0x3;
	_ =	swait.ge @!p3 [sflag:s10], $0x80  }
0x50: {  	s15 =	simm.s32 @!p2 $0x5;
	s12 =	simm.s32 @!p3 $0x80;
	[sflag:s10] =	ssyncset.done @!p3 $0x0  }
0x51: {  	s14 =	simm.s32 @!p3 $0x16180;
	[sflag:s10] =	ssyncadd.s32 @!p3 $0xFFFFFF80;
	s10 =	simm.s32 @!p2 $0x4  }
0x52: {  	[tilespmem:s14], [sflag:$0x1] =	stream.indirect.gather @!p3 [hbm4b:s0+s12], $0x80, s11, s12, $0xb8;
	[tilespmem:$0x1E180] =	vst v63  }
0x53: {  	s17 =	simm.s32 @!p2 $0x1A180;
	p3 =	sne.s32 s18, $0x20;
	_ =	swait.ge @!p2 [sflag:s10], $0x4000  }
.Ltmp0:
0x54: {  	s12 =	simm.s32 @!p2 $0x0;
	[sflag:s10] =	ssyncset.done @!p2 $0x0;
	(pc) =	sbr.rel @!p3 .LBB2_3-.Ltmp0, $4  }
0x55: {  	s11 =	simm.s32 @!p2 $0x13900;
	s14 =	sadd.s32 @!p2 $0x0, s22;
	[sflag:s10] =	ssyncadd.s32 @!p2 $0xFFFFC000  }
0x56: {  	[tilespmem:s11], [sflag:$0x5] =	stream.linear.gather @!p2 [hbm4b:s14+s12], $0x80, $0x38;
	[tilespmem:$0x1E180] =	vst v63  }
0x57: {  	s16 =	simm.s32 @!p2 $0x80;
	s10 =	simm.s32 $0x20;
	_ =	swait.ge @!p2 [sflag:s15], $0x80  }
0x58: {  	s12 =	simm.s32 $0x13B00;
	s14 =	simm.s32 $0x3;
	[sflag:s15] =	ssyncset.done @!p2 $0x0  }
.LBB2_2:
0x59: {  	s13 =	smov.u32 s12;
	s14 =	sadd.s32 $0x2, s14  }
0x5a: {  	[sflag:s15] =	ssyncadd.s32 @!p2 $0xFFFFFF80;
	s15 =	smov.u32 s10;
	s10 =	sadd.s32 $0x20, s10  }
0x5b: {  	[tilespmem:s17], [sflag:$0x2] =	stream.indirect.gather @!p2 [hbm4b:s0+s16], $0x80, s11, s16, $0xb8;
	[tilespmem:$0x1E180] =	vst v63  }
0x5c: {  	p3 =	sne.s32 s18, s10;
	_ =	swait.ge [sflag:s30], $0x4000  }
0x5d: {  	s11 =	sadd.s32 $0xFFFFFF80, s12;
	[sflag:s30] =	ssyncset.done $0x0  }
0x5e: {  	[sflag:s30] =	ssyncadd.s32 $0xFFFFC000  }
0x5f: {  	[spmem:s3] =	stream.indirect.scatter.add.f32 [tilespmem:s26], [sflag:$0x3], $0x80, s11, s25, $0xb8;
	[tilespmem:$0x1E180] =	vst v63  }
0x60: {  	s11 =	sadd.s32 $0xFFFFFFFF, s14;
	_ =	swait.ge [sflag:s31], $0x4000  }
0x61: {  	p4 =	sge.u32 s11, s5;
	[sflag:s31] =	ssyncset.done $0x0  }
0x62: {  	s11 =	simm.s32 @!p4 $0x3;
	[sflag:s31] =	ssyncadd.s32 $0xFFFFC000  }
0x63: {  	[spmem:s3] =	stream.indirect.scatter.add.f32 [tilespmem:s29], [sflag:$0x4], $0x80, s12, s25, $0xb8;
	[tilespmem:$0x1E180] =	vst v63  }
0x64: {  	s16 =	simm.s32 @!p4 $0x13880;
	_ =	swait.ge @!p4 [sflag:s11], $0x4000  }
0x65: {  	s17 =	sadd.s32 @!p4 s15, s21;
	s19 =	simm.s32 @!p4 $0x0;
	[sflag:s11] =	ssyncset.done @!p4 $0x0  }
0x66: {  	[sflag:s11] =	ssyncadd.s32 @!p4 $0xFFFFC000;
	s11 =	simm.s32 @!p4 $0x5  }
0x67: {  	[tilespmem:s16], [sflag:$0x5] =	stream.linear.gather @!p4 [hbm4b:s17+s19], $0x80, $0x38;
	[tilespmem:$0x1E180] =	vst v63  }
0x68: {  	p2 =	sge.u32 s14, s5;
	_ =	swait.ge @!p4 [sflag:s11], $0x80  }
0x69: {  	s17 =	simm.s32 @!p4 $0x80;
	s19 =	simm.s32 @!p4 $0x16180;
	[sflag:s11] =	ssyncset.done @!p4 $0x0  }
0x6a: {  	s20 =	simm.s32 @!p2 $0x4;
	[sflag:s11] =	ssyncadd.s32 @!p4 $0xFFFFFF80  }
0x6b: {  	[tilespmem:s19], [sflag:$0x1] =	stream.indirect.gather @!p4 [hbm4b:s0+s17], $0x80, s16, s17, $0xb8;
	[tilespmem:$0x1E180] =	vst v63  }
0x6c: {  	s11 =	simm.s32 @!p2 $0x13900;
	s16 =	simm.s32 @!p2 $0x0;
	_ =	swait.ge @!p2 [sflag:s20], $0x4000  }
.Ltmp1:
0x6d: {  	s17 =	sadd.s32 @!p2 s15, s22;
	[sflag:s20] =	ssyncset.done @!p2 $0x0;
	(pc) =	sbr.rel @p3 .LBB2_2-.Ltmp1, $4  }
0x6e: {  	s15 =	simm.s32 @!p2 $0x5;
	[sflag:s20] =	ssyncadd.s32 @!p2 $0xFFFFC000  }
0x6f: {  	[tilespmem:s11], [sflag:$0x5] =	stream.linear.gather @!p2 [hbm4b:s17+s16], $0x80, $0x38;
	[tilespmem:$0x1E180] =	vst v63  }
0x70: {  	s12 =	sadd.s32 $0x100, s12;
	_ =	swait.ge @!p2 [sflag:s15], $0x80  }
0x71: {  	s16 =	simm.s32 @!p2 $0x80;
	s17 =	simm.s32 @!p2 $0x1A180;
	[sflag:s15] =	ssyncset.done @!p2 $0x0  }
.LBB2_3:
0x72: {  	[sflag:s15] =	ssyncadd.s32 @!p2 $0xFFFFFF80  }
0x73: {  	[tilespmem:s17], [sflag:$0x2] =	stream.indirect.gather @!p2 [hbm4b:s0+s16], $0x80, s11, s16, $0xb8;
	[tilespmem:$0x1E180] =	vst v63  }
0x74: {  	_ =	swait.ge [sflag:s30], $0x4000  }
0x75: {  	[sflag:s30] =	ssyncset.done $0x0  }
0x76: {  	s15 =	sadd.s32 $0x80, s13;
	[sflag:s30] =	ssyncadd.s32 $0xFFFFC000  }
0x77: {  	[spmem:s3] =	stream.indirect.scatter.add.f32 [tilespmem:s26], [sflag:$0x3], $0x80, s15, s25, $0xb8;
	[tilespmem:$0x1E180] =	vst v63  }
0x78: {  	s16 =	sadd.s32 $0x2, s14;
	_ =	swait.ge [sflag:s31], $0x4000  }
0x79: {  	s17 =	sadd.s32 $0xFFFFFFFF, s16;
	[sflag:s31] =	ssyncset.done $0x0  }
0x7a: {  	p2 =	sge.u32 s17, s5;
	[sflag:s31] =	ssyncadd.s32 $0xFFFFC000  }
0x7b: {  	[spmem:s3] =	stream.indirect.scatter.add.f32 [tilespmem:s29], [sflag:$0x4], $0x80, s12, s25, $0xb8;
	[tilespmem:$0x1E180] =	vst v63  }
0x7c: {  	s12 =	simm.s32 @!p2 $0x3  }
0x7d: {  	_ =	swait.ge @!p2 [sflag:s12], $0x4000  }
0x7e: {  	[sflag:s12] =	ssyncset.done @!p2 $0x0  }
0x7f: {  	[sflag:s12] =	ssyncadd.s32 @!p2 $0xFFFFC000;
	s12 =	rddreg [dreg:$0x11]  }
0x80: {  	s13 =	simm.s32 @!p2 $0x0;
	s14 =	simm.s32 @!p2 $0x13880;
	s12 =	sadd.s32 @!p2 s10, s12  }
0x81: {  	[tilespmem:s14], [sflag:$0x5] =	stream.linear.gather @!p2 [hbm4b:s12+s13], $0x80, $0x38;
	[tilespmem:$0x1E180] =	vst v63  }
0x82: {  	s12 =	simm.s32 @!p2 $0x5  }
0x83: {  	_ =	swait.ge @!p2 [sflag:s12], $0x80  }
0x84: {  	[sflag:s12] =	ssyncset.done @!p2 $0x0  }
0x85: {  	s13 =	simm.s32 @!p2 $0x16180;
	[sflag:s12] =	ssyncadd.s32 @!p2 $0xFFFFFF80;
	s12 =	simm.s32 @!p2 $0x80  }
0x86: {  	[tilespmem:s13], [sflag:$0x1] =	stream.indirect.gather @!p2 [hbm4b:s0+s12], $0x80, s14, s12, $0xb8;
	[tilespmem:$0x1E180] =	vst v63  }
0x87: {  	p2 =	sge.u32 s16, s5  }
0x88: {  	s11 =	simm.s32 @!p2 $0x4  }
0x89: {  	_ =	swait.ge @!p2 [sflag:s11], $0x4000  }
0x8a: {  	[sflag:s11] =	ssyncset.done @!p2 $0x0  }
0x8b: {  	[sflag:s11] =	ssyncadd.s32 @!p2 $0xFFFFC000;
	s11 =	rddreg [dreg:$0x10]  }
0x8c: {  	s12 =	simm.s32 @!p2 $0x13900;
	s10 =	sadd.s32 @!p2 s10, s11;
	s11 =	simm.s32 @!p2 $0x0  }
0x8d: {  	[tilespmem:s12], [sflag:$0x5] =	stream.linear.gather @!p2 [hbm4b:s10+s11], $0x80, $0x38;
	[tilespmem:$0x1E180] =	vst v63  }
0x8e: {  	s10 =	simm.s32 @!p2 $0x5  }
0x8f: {  	_ =	swait.ge @!p2 [sflag:s10], $0x80  }
0x90: {  	[sflag:s10] =	ssyncset.done @!p2 $0x0  }
0x91: {  	s11 =	simm.s32 @!p2 $0x1A180;
	[sflag:s10] =	ssyncadd.s32 @!p2 $0xFFFFFF80;
	s10 =	simm.s32 @!p2 $0x80  }
0x92: {  	[tilespmem:s11], [sflag:$0x2] =	stream.indirect.gather @!p2 [hbm4b:s0+s10], $0x80, s12, s10, $0xb8;
	[tilespmem:$0x1E180] =	vst v63  }
0x93: {  	_ =	swait.ge [sflag:s1], $0x4000  }
0x94: {  	[sflag:s1] =	ssyncset.done $0x0  }
0x95: {  	[sflag:s1] =	ssyncadd.s32 $0xFFFFC000  }
0x96: {  	_ =	swait.ge [sflag:s2], $0x4000  }
0x97: {  	[sflag:s2] =	ssyncset.done $0x0  }
0x98: {  	[sflag:s2] =	ssyncadd.s32 $0xFFFFC000  }
0x99: {  	[bflag:$0x0] =	sbarrier.arrive $0xFFFF  }
0x9a: {  	s19 =	rddreg [dreg:$0xd]  }
0x9b: {  	[hbm:s19], [sflag:s8] =	dma.local [spmem:s7], $0x2700  }
0x9c: {  	_ =	swait.ge [sflag:s23], $0x2700  }
0x9d: {  	[sflag:s23] =	ssyncset.done $0x0  }
0x9e: {  	s7 =	rddreg [dreg:$0xe];
	[sflag:s23] =	ssyncadd.s32 $0xFFFFD900  }
0x9f: {  	[hbm:s7], [sflag:s8] =	dma.local @!p1 [spmem:s9], $0x100  }
0xa0: {  	_ =	swait.ge @!p1 [sflag:s6], $0x100  }
0xa1: {  	s4 =	sadd.s32 $0x1, s4;
	s20 =	rddreg [dreg:$0xf]  }
0xa2: {  	p2 =	sne.s32 s4, s20  }
.Ltmp2:
0xa3: {  	_ = 	snop;
	(pc) =	sbr.rel @p2 .LBB2_1-.Ltmp2, $3  }
0xa4: {  	_ =	sdelay $0x1  }
0xa5: {  	[sflag:s6] =	ssyncset.done @!p1 $0x0  }
0xa6: {  	[sflag:s6] =	ssyncadd.s32 @!p1 $0xFFFFFF00  }
0xa7: {  	_ =	sfence.sel $0x180000  }
0xa8: {  	[bflag:$0x0] =	sbarrier.arrive $0xFFFF  }
0xa9: {  	_ =	strace $0x90000047  }
0xaa: {  	s0 =	stileid.u32;
	[bflag:$0x2] =	sbarrier.arrive $0xFFFF  }
0xab: {  	p0 =	sne.s32 s0, $0x0;
	s0 =	rddreg [dreg:$0x4]  }
0xac: {  	s0 =	sadd.s32 @!p0 $0x100000, s0  }
0xad: {  	[sflag:s0] =	ssyncadd.tile.s32 @!p0 $0x1;
	_ =	shalt  }
.Lfunc_end2:
_tile_overlayer_lowered:
.L_overlay_start_2:
0xae: {  	(tag) =	ssettag $0x2  }
0xaf: {  	s0 =	rddreg [dreg:$0x0];
	s2 =	stileid.u32  }
0xb0: {  	s1 =	rddreg [dreg:$0x1];
	p0 =	sne.s32 s2, $0x0  }
0xb1: {  	s3 =	rddreg [dreg:$0x2];
	[bflag:$0x3] =	sbarrier.arrive $0xFFFF;
	s2 =	simm.s32 @!p0 $0x1C05  }
0xb2: {  	[timem:s3], [sflag:s2] =	dma.local @!p0 [hbm:s0], s1  }
0xb3: {  	s0 =	simm.s32 @!p0 $0x5  }
0xb4: {  	_ =	swait.ge @!p0 [sflag:s0], s1  }
0xb5: {  	s1 =	ssub.s32 @!p0 $0x0, s1;
	[sflag:s0] =	ssyncset.done @!p0 $0x0  }
0xb6: {  	[sflag:s0] =	ssyncadd.s32 @!p0 s1  }
0xb7: {  	[bflag:$0x3] =	sbarrier.arrive $0xFFFF  }
0xb8: {  	_ =	shalt  }

// kernel: kernel.9.cloned.1.call-start
scs
__scs_entry_jumppad:
0x0: {  	(pc) =	sbr.rel $0x88, $3  }
0x1: {  	(tag) =	ssettag $0x0;
	lr =	simm.s32 $0x1  }
0x2: {  	[smem:$0x3F97] =	sst lr;
	_ =	strace $0xD0000000  }
0x3: {  	_ = 	snop  }
0x4: {  	_ = 	snop  }
0x5: {  	_ = 	snop  }
0x6: {  	_ = 	snop  }
0x7: {  	_ = 	snop  }
__scs_overlays_trampoline_lowered:
0x8: {  	[smem:$0x3FA6] =	sst s0  }
0x9: {  	[smem:$0x3FA7] =	sst s1  }
0xa: {  	[smem:$0x3FA8] =	sst s2  }
0xb: {  	[smem:$0x3FA9] =	sst s3  }
0xc: {  	[smem:$0x3FAA] =	sst s4  }
0xd: {  	[smem:$0x3FAB] =	sst s5  }
0xe: {  	[smem:$0x3FAC] =	sst s6  }
0xf: {  	[smem:$0x3FAD] =	sst s7  }
0x10: {  	[smem:$0x3FAE] =	sst s8  }
0x11: {  	[smem:$0x3FAF] =	sst s9;
	s0 =	simm.s32 @!p0 $0x0  }
0x12: {  	s1 =	sld [smem:$0x3F95];
	s0 =	simm.s32 @p0 $0x1  }
0x13: {  	[smem:$0x3FB0] =	sst s0;
	s0 =	simm.s32 @!p1 $0x0  }
0x14: {  	s2 =	sld [smem:$0x3F94];
	s0 =	simm.s32 @p1 $0x1  }
0x15: {  	[smem:$0x3FB1] =	sst s0;
	s0 =	simm.s32 @!p2 $0x0  }
0x16: {  	s3 =	sld [smem:$0x3FDB];
	s0 =	simm.s32 @p2 $0x1  }
0x17: {  	s4 =	simm.s32 $0x1BF5;
	[smem:$0x3FB3] =	sst s0  }
0x18: {  	s0 =	sld [smem:$0x3F96];
	_ =	swait.ge [sflag:s4], $0x0  }
0x19: {  	s7 =	sld [smem:$0x3F97]  }
0x1a: {  	s8 =	sadd.s32 $0xFFFFE003, lr  }
0x1b: {  	s9 =	sadd.s32 $0xFFFFFEF7, lr;
	s5 =	simm.s32 $0xFFFFFFFF;
	p2 =	slt.u32 s8, $0xFFFFF086  }
0x1c: {  	p1 =	slt.u32 s9, $0xF7A;
	s5 =	simm.s32 @!p2 $0x0  }
0x1d: {  	s5 =	simm.s32 @p1 $0x1;
	p0 =	seq.s32 s7, s2  }
0x1e: {  	s7 =	smul.u32 @!p0 $0xF7A, s2;
	p2 =	seq.s32 @!p0 s5, $0x0  }
0x1f: {  	s9 =	smul.u32 $0xF7A, s1;
	s8 =	simm.s32 @!p0 $0x1BF5;
	p2 =	por !p2, p0  }
0x20: {  	[sflag:s8] =	ssyncset.s32 @!p0 $0xFFFFF086;
	s6 =	sadd.s32 @!p0 s3, s7;
	s7 =	simm.s32 @!p0 $0x108  }
0x21: {  	s3 =	sadd.s32 s3, s9;
	s6 =	sadd.s32 @!p0 $0x88, s6;
	s7 =	simm.s32 @p2 $0x1082  }
0x22: {  	[simem:s7], [sflag:s8] =	dma.local @!p0 [hbm:s6], $0xF7A  }
0x23: {  	s9 =	sor.u32 $0xD0000000, s2;
	s6 =	simm.s32 $0x108;
	_ =	swait.ge @!p0 [sflag:s8], $0x0  }
0x24: {  	s3 =	sadd.s32 $0x88, s3;
	s6 =	simm.s32 @!p1 $0x1082;
	[sflag:s4] =	ssyncset.s32 $0xFFFFF086  }
0x25: {  	[simem:s6], [sflag:s4] =	dma.local [hbm:s3], $0xF7A  }
0x26: {  	[smem:$0x3F97] =	sst s1;
	(tag) =	ssettag s2;
	_ =	strace s9  }
0x27: {  	s1 =	sld [smem:$0x3FA7]  }
0x28: {  	s2 =	sld [smem:$0x3FA8]  }
0x29: {  	s4 =	sld [smem:$0x3FAA]  }
0x2a: {  	p0 =	seq.s32 s5, $0x0;
	s5 =	sld [smem:$0x3FAB]  }
0x2b: {  	s6 =	sld [smem:$0x3FAC]  }
0x2c: {  	s7 =	sld [smem:$0x3FAD]  }
0x2d: {  	s3 =	simm.s32 $0x108;
	s8 =	sld [smem:$0x3FAE]  }
0x2e: {  	s3 =	simm.s32 @!p0 $0x1082;
	s9 =	sld [smem:$0x3FAF]  }
0x2f: {  	lr =	sadd.s32 s0, s3;
	s0 =	sld [smem:$0x3FA6]  }
0x30: {  	s3 =	sld [smem:$0x3FA9]  }
0x31: {  	[smem:$0x3FB2] =	sst s10  }
0x32: {  	s10 =	sld [smem:$0x3FB0];
	_ =	sdelay $0x3  }
0x33: {  	p0 =	seq.s32 s10, $0x1;
	s10 =	sld [smem:$0x3FB2];
	_ =	sdelay $0x3  }
0x34: {  	[smem:$0x3FB2] =	sst s10  }
0x35: {  	s10 =	sld [smem:$0x3FB1];
	_ =	sdelay $0x3  }
0x36: {  	p1 =	seq.s32 s10, $0x1;
	s10 =	sld [smem:$0x3FB2];
	_ =	sdelay $0x3  }
0x37: {  	[smem:$0x3FB2] =	sst s10  }
0x38: {  	s10 =	sld [smem:$0x3FB3]  }
0x39: {  	_ = 	snop;
	(pc) =	sbr.ind lr, $3  }
0x3a: {  	_ = 	snop  }
0x3b: {  	_ = 	snop  }
0x3c: {  	p2 =	seq.s32 s10, $0x1;
	s10 =	sld [smem:$0x3FB2]  }
0x3d: {  	_ =	shalt  }
0x3e: {  	_ =	shalt  }
0x3f: {  	_ =	shalt  }
0x40: {  	_ =	shalt  }
0x41: {  	_ =	shalt  }
0x42: {  	_ =	shalt  }
0x43: {  	_ =	shalt  }
0x44: {  	_ =	shalt  }
0x45: {  	_ =	shalt  }
0x46: {  	_ =	shalt  }
0x47: {  	_ =	shalt  }
0x48: {  	_ =	shalt  }
0x49: {  	_ =	shalt  }
0x4a: {  	_ =	shalt  }
0x4b: {  	_ =	shalt  }
0x4c: {  	_ =	shalt  }
0x4d: {  	_ =	shalt  }
0x4e: {  	_ =	shalt  }
0x4f: {  	_ =	shalt  }
0x50: {  	_ =	shalt  }
0x51: {  	_ =	shalt  }
0x52: {  	_ =	shalt  }
0x53: {  	_ =	shalt  }
0x54: {  	_ =	shalt  }
0x55: {  	_ =	shalt  }
0x56: {  	_ =	shalt  }
0x57: {  	_ =	shalt  }
0x58: {  	_ =	shalt  }
0x59: {  	_ =	shalt  }
0x5a: {  	_ =	shalt  }
0x5b: {  	_ =	shalt  }
0x5c: {  	_ =	shalt  }
0x5d: {  	_ =	shalt  }
0x5e: {  	_ =	shalt  }
0x5f: {  	_ =	shalt  }
0x60: {  	_ =	shalt  }
0x61: {  	_ =	shalt  }
0x62: {  	_ =	shalt  }
0x63: {  	_ =	shalt  }
0x64: {  	_ =	shalt  }
0x65: {  	_ =	shalt  }
0x66: {  	_ =	shalt  }
0x67: {  	_ =	shalt  }
0x68: {  	_ =	shalt  }
0x69: {  	_ =	shalt  }
0x6a: {  	_ =	shalt  }
0x6b: {  	_ =	shalt  }
0x6c: {  	_ =	shalt  }
0x6d: {  	_ =	shalt  }
0x6e: {  	_ =	shalt  }
0x6f: {  	_ =	shalt  }
0x70: {  	_ =	shalt  }
0x71: {  	_ =	shalt  }
0x72: {  	_ =	shalt  }
0x73: {  	_ =	shalt  }
0x74: {  	_ =	shalt  }
0x75: {  	_ =	shalt  }
0x76: {  	_ =	shalt  }
0x77: {  	_ =	shalt  }
0x78: {  	_ =	shalt  }
0x79: {  	_ =	shalt  }
0x7a: {  	_ =	shalt  }
0x7b: {  	_ =	shalt  }
0x7c: {  	_ =	shalt  }
0x7d: {  	_ =	shalt  }
0x7e: {  	_ =	shalt  }
0x7f: {  	_ =	shalt  }
0x80: {  	_ =	shalt  }
0x81: {  	_ =	shalt  }
0x82: {  	_ =	shalt  }
0x83: {  	_ =	shalt  }
0x84: {  	_ =	shalt  }
0x85: {  	_ =	shalt  }
0x86: {  	_ =	shalt  }
0x87: {  	_ =	shalt  }
.Lfunc_end0:
.L_simem_size_0:
called_computation.1_lowered:
.L_overlay_start_0:
0x88: {  	s2 =	sld [smem:$0x3FD9]  }
0x89: {  	s3 =	sld [smem:$0x3FFE];
	_ =	sdelay $0x1  }
0x8a: {  	s1 =	srdreg.scid  }
0x8b: {  	s0 =	sand.u32 $0x1, s1  }
0x8c: {  	s17 =	sshll.u32 s0, $0xA;
	s2 =	sadd.s32 s3, s2  }
0x8d: {  	s2 =	sadd.s32 s2, s17  }
0x8e: {  	[smem:$0x3FBE] =	sst s2  }
0x8f: {  	_ = 	snop  }
0x90: {  	s2 =	sld [smem:$0x3FD0];
	(tm) =	ssettm $0x1  }
0x91: {  	s18 =	sld [smem:$0x3FFB];
	_ =	sdelay $0x3  }
0x92: {  	_ =	strace s18  }
0x93: {  	s3 =	sld [smem:$0x3FFC];
	_ =	sdelay $0x3  }
0x94: {  	_ =	strace s3  }
0x95: {  	s3 =	sld [smem:$0x3FFD];
	_ =	sdelay $0x3  }
0x96: {  	_ =	strace s3  }
0x97: {  	_ =	strace $0x8FFFFFFF  }
0x98: {  	s19 =	sld [smem:$0x3FDB];
	_ =	sdelay $0x1  }
0x99: {  	s4 =	simm.s32 $_scs_section_size  }
0x9a: {  	s5 =	simm.s32 $_size__tile_overlayer_lowered;
	s6 =	simm.s32 $_tile_overlayer_lowered  }
0x9b: {  	s22 =	simm.s32 $0x1BFF;
	s21 =	sshll.u32 s6, $0x1;
	s3 =	sadd.s32 s4, s19  }
0x9c: {  	s7 =	simm.s32 $0x0;
	s20 =	sshll.u32 s5, $0x1;
	s5 =	sadd.s32 s21, s3  }
0x9d: {  	[timem:s7], [sflag:s22] =	dma.local [hbm:s5], s20  }
0x9e: {  	_ =	swait.ge [sflag:s22], s20  }
0x9f: {  	s4 =	ssub.s32 $0x0, s20;
	[sflag:s22] =	ssyncset.done $0x0  }
0xa0: {  	[sflag:s22] =	ssyncadd.s32 s4;
	_ =	sdelay $0x1  }
0xa1: {  	s23 =	simm.s32 $0x1B8B  }
0xa2: {  	_ =	swait.ge [sflag:s23], $0x1  }
0xa3: {  	[sflag:s23] =	ssyncset.done $0x0  }
0xa4: {  	s25 =	simm.s32 $0x1B8E;
	s24 =	sld [smem:$0x3FFE];
	[sflag:s23] =	ssyncadd.s32 $0xFFFFFFFF  }
0xa5: {  	s26 =	simm.s32 $execute0_lowered;
	[smem:$0x3FD2] =	sst s25  }
0xa6: {  	s5 =	sshll.u32 s26, $0x1;
	_ =	strace $0x80000049;
	[dreg:$0x1] =	wrdreg $0xFFFFFFFF  }
0xa7: {  	s28 =	simm.s32 $_size_execute0_lowered;
	s3 =	sadd.s32 s3, s5;
	[dreg:$0x0] =	wrdreg $0x0  }
0xa8: {  	s5 =	sshll.u32 s28, $0x1;
	[dreg:$0x2] =	wrdreg s3  }
0xa9: {  	[dreg:$0x3] =	wrdreg s5  }
0xaa: {  	[dreg:$0x4] =	wrdreg $0xC0  }
0xab: {  	_ =	task [dreg:s7], $0x5FFFF  }
0xac: {  	[dreg:$0x1] =	wrdreg $0xFFFFFFFF  }
0xad: {  	[dreg:$0x0] =	wrdreg $0x60  }
0xae: {  	[dreg:$0x2] =	wrdreg s24  }
0xaf: {  	[dreg:$0x3] =	wrdreg s2  }
0xb0: {  	[dreg:$0x4] =	wrdreg $0x0  }
0xb1: {  	[dreg:$0x5] =	wrdreg $0x9  }
0xb2: {  	_ =	task.clear_ibuf [dreg:s7], $0x6FFFF;
	_ =	strace $0x90000049  }
0xb3: {  	s29 =	simm.s32 $0x9;
	_ =	strace $0x8000004B  }
0xb4: {  	_ =	swait.ge [sflag:s29], $0x1  }
0xb5: {  	[sflag:s29] =	ssyncadd.s32 $0xFFFFFFFF  }
0xb6: {  	_ =	strace $0x9000004B  }
0xb7: {  	_ =	sfence  }
0xb8: {  	s30 =	sld [smem:$0x0];
	_ =	sdelay $0x2  }
0xb9: {  	s31 =	sshll.u32 s1, $0xD;
	s1 =	sshrl.u32 s1, $0x2  }
0xba: {  	s3 =	sand.u32 $0x4000, s31;
	s1 =	sadd.s32 s1, s30  }
0xbb: {  	s0 =	sor.u32 s3, s0;
	s1 =	sshll.u32 s1, $0x11  }
0xbc: {  	s0 =	sor.u32 s1, s0  }
0xbd: {  	s0 =	sadd.s32 $0x8F2B, s0  }
0xbe: {  	[sflag:s0] =	ssyncadd.remote.s32 $0x1  }
0xbf: {  	_ =	sfence.sel $0xFFFF  }
0xc0: {  	[dreg:$0x0] =	wrdreg $0xFFFFFFFF;
	(pc) =	sbr.abs _section_cstart, $3  }
0xc1: {  	[dreg:$0x1] =	wrdreg $0xFFFFFFFF  }
0xc2: {  	_ =	task.clear_ibuf [dreg:s7], $0x2FFFF;
	_ =	strace $0x9FFFFFFF  }
0xc3: {  	(tm) =	ssettm $0x7FFFFFFF  }
tec
execute0_lowered:
.L_overlay_start_1:
0x0: {  	(tag) =	ssettag $0x1  }
0x1: {  	s0 =	rddreg [dreg:$0x0]  }
0x2: {  	s1 =	srdreg.scid;
	s3 =	rddreg [dreg:$0x1]  }
0x3: {  	s2 =	rddreg [dreg:$0x2];
	s14 =	stileid.u32;
	s5 =	simm.s32 $0x0  }
0x4: {  	s28 =	simm.s32 $0x13900;
	s29 =	simm.s32 $0x1A180;
	s30 =	simm.s32 $0x1  }
0x5: {  	s31 =	simm.s32 $0x2;
	s1 =	sand.u32 $0x1, s1;
	[smem:$0x7FF] =	sst s5  }
0x6: {  	s7 =	sadd.s32 $0xBE00, s0;
	s10 =	smul.u32 $0x4E000, s14;
	s11 =	sadd.s32 $0x3CE00, s0  }
0x7: {  	s5 =	simm.s32 $0x14;
	s13 =	smul.u32 $0x13800, s14;
	s25 =	sshll.u32 s14, $0x6  }
0x8: {  	s15 =	sadd.s32 $0x138000, s2;
	p1 =	sne.s32 s14, $0xF;
	s26 =	smul.u32 $0x138800, s1  }
0x9: {  	s4 =	sshll.u32 s1, $0x4;
	s8 =	ssub.s32 $0x2, s1;
	s1 =	smul.u32 $0x28000, s1  }
0xa: {  	_ =	strace $0x8000004A;
	[dreg:$0x6] =	wrdreg s15;
	s15 =	smul.u32 $0x2800, s14  }
0xb: {  	s6 =	sor.u32 s14, s4;
	s4 =	sadd.s32 $0x15C00, s0;
	s12 =	sshrl.u32 s8, $0x1  }
0xc: {  	s10 =	sshrl.u32 s10, $0x2;
	s24 =	sshrl.u32 s13, $0x3;
	s22 =	smul.u32 $0x500, s6  }
0xd: {  	p0 =	seq.s32 s6, $0x1F;
	s12 =	ssub.s32 s8, s12;
	s23 =	sadd.s32 s10, s2  }
0xe: {  	s6 =	smul.u32 $0x2800, s6;
	s8 =	sadd.s32 s3, s24;
	s3 =	sadd.s32 $0x27000, s3  }
0xf: {  	s17 =	sadd.s32 s13, s26;
	s18 =	sshrl.u32 s26, $0x3;
	[dreg:$0x4] =	wrdreg s23  }
0x10: {  	s1 =	sadd.s32 s15, s1;
	s5 =	simm.s32 @!p0 $0x50;
	[dreg:$0x5] =	wrdreg s8  }
0x11: {  	s8 =	sor.u32 $0x1C05, s25;
	[dreg:$0x7] =	wrdreg s3;
	s19 =	sadd.s32 s11, s18  }
0x12: {  	s20 =	sor.u32 $0x280, s1;
	s23 =	smax.u32 s12, $0x1;
	s25 =	sor.u32 $0x200, s1  }
0x13: {  	s26 =	sor.u32 $0x100, s1;
	s1 =	sor.u32 $0x180, s1;
	s9 =	sadd.s32 s22, s0  }
0x14: {  	s6 =	sshrl.u32 s6, $0x3;
	s0 =	sadd.s32 $0xBB00, s0;
	s21 =	sadd.s32 $0x27000, s19  }
0x15: {  	s22 =	sshrl.u32 s20, $0x3;
	[dreg:$0xe] =	wrdreg s23;
	s24 =	sshll.u32 s5, $0x4  }
0x16: {  	s3 =	sshrl.u32 s26, $0x3;
	s1 =	sshrl.u32 s1, $0x3;
	s23 =	simm.s32 $0x5  }
0x17: {  	s26 =	simm.s32 $0x16180;
	s6 =	sadd.s32 s7, s6;
	[dreg:$0xa] =	wrdreg s0  }
0x18: {  	s9 =	sadd.s32 $0x2000, s9;
	s0 =	sshrl.u32 s17, $0x3;
	[dreg:$0xd] =	wrdreg s21  }
0x19: {  	s18 =	sadd.s32 $0xFFFFFFE0, s24;
	[dreg:$0x9] =	wrdreg s9;
	s0 =	sadd.s32 s11, s0  }
0x1a: {  	s21 =	sadd.s32 s3, s7;
	[dreg:$0xc] =	wrdreg s0;
	s0 =	sadd.s32 s22, s7  }
0x1b: {  	s24 =	simm.s32 $0x13880;
	[dreg:$0x8] =	wrdreg s6;
	s0 =	sadd.s32 $0xFFFFFFE0, s0  }
0x1c: {  	s16 =	sadd.s32 $0x10, s6;
	[dreg:$0xf] =	wrdreg s0;
	s0 =	sshrl.u32 s25, $0x3  }
0x1d: {  	s3 =	simm.s32 $0x0;
	[dreg:$0xb] =	wrdreg s16;
	s0 =	sadd.s32 s0, s7  }
0x1e: {  	s22 =	sadd.s32 s1, s7;
	s1 =	simm.s32 $0x4;
	s0 =	sadd.s32 $0xFFFFFFE0, s0  }
0x1f: {  	s25 =	simm.s32 $0x80;
	[dreg:$0x10] =	wrdreg s0;
	s0 =	simm.s32 $0x3  }
.LBB2_1:
0x20: {  	s6 =	rddreg [dreg:$0x4]  }
0x21: {  	s15 =	rddreg [dreg:$0x5];
	s7 =	sshrl.u32 s6, $0x3  }
0x22: {  	[spmem:s7], [sflag:s8] =	dma.local [hbm:s15], $0x2700  }
0x23: {  	_ =	swait.ge [sflag:s23], $0x2700  }
0x24: {  	[sflag:s23] =	ssyncset.done $0x0;
	s6 =	rddreg [dreg:$0x6]  }
0x25: {  	[sflag:s23] =	ssyncadd.s32 $0xFFFFD900;
	s9 =	sshrl.u32 @!p1 s6, $0x3;
	s6 =	rddreg [dreg:$0x7]  }
0x26: {  	[spmem:s9], [sflag:s8] =	dma.local @!p1 [hbm:s6], $0x100  }
0x27: {  	s6 =	simm.s32 @!p1 $0x5  }
0x28: {  	_ =	swait.ge @!p1 [sflag:s6], $0x100  }
0x29: {  	s10 =	simm.s32 @p0 $0x0;
	[sflag:s6] =	ssyncset.done @!p1 $0x0  }
0x2a: {  	s11 =	simm.s32 @p0 $0x13980;
	s12 =	rddreg [dreg:$0xa];
	[sflag:s6] =	ssyncadd.s32 @!p1 $0xFFFFFF00  }
0x2b: {  	[tilespmem:s11], [sflag:$0x5] =	stream.linear.gather @p0 [hbm4b:s12+s10], $0xA00, $0x38;
	[tilespmem:$0x1E180] =	vst v63  }
0x2c: {  	s10 =	simm.s32 @p0 $0x5  }
0x2d: {  	_ =	swait.ge @p0 [sflag:s10], $0xA00  }
0x2e: {  	s11 =	simm.s32 @!p0 $0x13980;
	[sflag:s10] =	ssyncset.done @p0 $0x0  }
0x2f: {  	s12 =	rddreg [dreg:$0x9];
	[sflag:s10] =	ssyncadd.s32 @p0 $0xFFFFF600;
	s10 =	simm.s32 @!p0 $0x0  }
0x30: {  	[tilespmem:s11], [sflag:$0x5] =	stream.linear.gather @!p0 [hbm4b:s12+s10], $0x2800, $0x38;
	[tilespmem:$0x1E180] =	vst v63  }
0x31: {  	s10 =	simm.s32 @!p0 $0x5  }
0x32: {  	_ =	swait.ge @!p0 [sflag:s10], $0x2800  }
0x33: {  	[sflag:s10] =	ssyncset.done @!p0 $0x0  }
0x34: {  	[sflag:s10] =	ssyncadd.s32 @!p0 $0xFFFFD800  }
0x35: {  	[bflag:$0x0] =	sbarrier.arrive $0xFFFF  }
0x36: {  	s16 =	simm.s32 $0x0;
	s17 =	rddreg [dreg:$0x8]  }
0x37: {  	[tilespmem:s24], [sflag:$0x5] =	stream.linear.gather [hbm4b:s17+s16], $0x80, $0x38;
	[tilespmem:$0x1E180] =	vst v63  }
0x38: {  	_ =	swait.ge [sflag:s23], $0x80  }
0x39: {  	[sflag:s23] =	ssyncset.done $0x0  }
0x3a: {  	[sflag:s23] =	ssyncadd.s32 $0xFFFFFF80  }
0x3b: {  	[tilespmem:s26], [sflag:$0x1] =	stream.indirect.gather [hbm4b:s4+s25], $0x80, s24, s25, $0xb8;
	[tilespmem:$0x1E180] =	vst v63  }
0x3c: {  	s19 =	rddreg [dreg:$0xb]  }
0x3d: {  	[tilespmem:s28], [sflag:$0x5] =	stream.linear.gather [hbm4b:s19+s16], $0x80, $0x38;
	[tilespmem:$0x1E180] =	vst v63  }
0x3e: {  	_ =	swait.ge [sflag:s23], $0x80  }
0x3f: {  	[sflag:s23] =	ssyncset.done $0x0  }
0x40: {  	[sflag:s23] =	ssyncadd.s32 $0xFFFFFF80  }
0x41: {  	[tilespmem:s29], [sflag:$0x2] =	stream.indirect.gather [hbm4b:s4+s25], $0x80, s28, s25, $0xb8;
	[tilespmem:$0x1E180] =	vst v63  }
0x42: {  	_ =	swait.ge [sflag:s30], $0x4000  }
0x43: {  	[sflag:s30] =	ssyncset.done $0x0  }
0x44: {  	s20 =	simm.s32 $0x13980;
	[sflag:s30] =	ssyncadd.s32 $0xFFFFC000  }
0x45: {  	[spmem:s2] =	stream.indirect.scatter.add.f32 [tilespmem:s26], [sflag:$0x3], $0x80, s20, s25, $0xb8;
	[tilespmem:$0x1E180] =	vst v63  }
0x46: {  	_ =	swait.ge [sflag:s31], $0x4000  }
0x47: {  	p3 =	sle.u32 s5, $0x2;
	[sflag:s31] =	ssyncset.done $0x0  }
0x48: {  	s13 =	simm.s32 $0x13A00;
	s10 =	simm.s32 @!p3 $0x3;
	[sflag:s31] =	ssyncadd.s32 $0xFFFFC000  }
0x49: {  	[spmem:s2] =	stream.indirect.scatter.add.f32 [tilespmem:s29], [sflag:$0x4], $0x80, s13, s25, $0xb8;
	[tilespmem:$0x1E180] =	vst v63  }
0x4a: {  	_ =	swait.ge @!p3 [sflag:s10], $0x4000  }
0x4b: {  	s14 =	simm.s32 @!p3 $0x0;
	s11 =	simm.s32 @!p3 $0x13880;
	[sflag:s10] =	ssyncset.done @!p3 $0x0  }
0x4c: {  	s12 =	sadd.s32 @!p3 $0x0, s21;
	[sflag:s10] =	ssyncadd.s32 @!p3 $0xFFFFC000;
	s10 =	simm.s32 @!p3 $0x5  }
0x4d: {  	[tilespmem:s11], [sflag:$0x5] =	stream.linear.gather @!p3 [hbm4b:s12+s14], $0x80, $0x38;
	[tilespmem:$0x1E180] =	vst v63  }
0x4e: {  	p2 =	sle.u32 s5, $0x3;
	_ =	swait.ge @!p3 [sflag:s10], $0x80  }
0x4f: {  	s15 =	simm.s32 @!p2 $0x5;
	s12 =	simm.s32 @!p3 $0x80;
	[sflag:s10] =	ssyncset.done @!p3 $0x0  }
0x50: {  	s14 =	simm.s32 @!p3 $0x16180;
	[sflag:s10] =	ssyncadd.s32 @!p3 $0xFFFFFF80;
	s10 =	simm.s32 @!p2 $0x4  }
0x51: {  	[tilespmem:s14], [sflag:$0x1] =	stream.indirect.gather @!p3 [hbm4b:s4+s12], $0x80, s11, s12, $0xb8;
	[tilespmem:$0x1E180] =	vst v63  }
0x52: {  	s17 =	simm.s32 @!p2 $0x1A180;
	p3 =	sne.s32 s18, $0x20;
	_ =	swait.ge @!p2 [sflag:s10], $0x4000  }
.Ltmp0:
0x53: {  	s12 =	simm.s32 @!p2 $0x0;
	[sflag:s10] =	ssyncset.done @!p2 $0x0;
	(pc) =	sbr.rel @!p3 .LBB2_3-.Ltmp0, $4  }
0x54: {  	s11 =	simm.s32 @!p2 $0x13900;
	s14 =	sadd.s32 @!p2 $0x0, s22;
	[sflag:s10] =	ssyncadd.s32 @!p2 $0xFFFFC000  }
0x55: {  	[tilespmem:s11], [sflag:$0x5] =	stream.linear.gather @!p2 [hbm4b:s14+s12], $0x80, $0x38;
	[tilespmem:$0x1E180] =	vst v63  }
0x56: {  	s16 =	simm.s32 @!p2 $0x80;
	s10 =	simm.s32 $0x20;
	_ =	swait.ge @!p2 [sflag:s15], $0x80  }
0x57: {  	s12 =	simm.s32 $0x13B00;
	s14 =	simm.s32 $0x3;
	[sflag:s15] =	ssyncset.done @!p2 $0x0  }
.LBB2_2:
0x58: {  	s13 =	smov.u32 s12;
	s14 =	sadd.s32 $0x2, s14  }
0x59: {  	[sflag:s15] =	ssyncadd.s32 @!p2 $0xFFFFFF80;
	s15 =	smov.u32 s10;
	s10 =	sadd.s32 $0x20, s10  }
0x5a: {  	[tilespmem:s17], [sflag:$0x2] =	stream.indirect.gather @!p2 [hbm4b:s4+s16], $0x80, s11, s16, $0xb8;
	[tilespmem:$0x1E180] =	vst v63  }
0x5b: {  	p3 =	sne.s32 s18, s10;
	_ =	swait.ge [sflag:s30], $0x4000  }
0x5c: {  	s11 =	sadd.s32 $0xFFFFFF80, s12;
	[sflag:s30] =	ssyncset.done $0x0  }
0x5d: {  	[sflag:s30] =	ssyncadd.s32 $0xFFFFC000  }
0x5e: {  	[spmem:s2] =	stream.indirect.scatter.add.f32 [tilespmem:s26], [sflag:$0x3], $0x80, s11, s25, $0xb8;
	[tilespmem:$0x1E180] =	vst v63  }
0x5f: {  	s11 =	sadd.s32 $0xFFFFFFFF, s14;
	_ =	swait.ge [sflag:s31], $0x4000  }
0x60: {  	p4 =	sge.u32 s11, s5;
	[sflag:s31] =	ssyncset.done $0x0  }
0x61: {  	s11 =	simm.s32 @!p4 $0x3;
	[sflag:s31] =	ssyncadd.s32 $0xFFFFC000  }
0x62: {  	[spmem:s2] =	stream.indirect.scatter.add.f32 [tilespmem:s29], [sflag:$0x4], $0x80, s12, s25, $0xb8;
	[tilespmem:$0x1E180] =	vst v63  }
0x63: {  	s16 =	simm.s32 @!p4 $0x13880;
	_ =	swait.ge @!p4 [sflag:s11], $0x4000  }
0x64: {  	s17 =	sadd.s32 @!p4 s15, s21;
	s19 =	simm.s32 @!p4 $0x0;
	[sflag:s11] =	ssyncset.done @!p4 $0x0  }
0x65: {  	[sflag:s11] =	ssyncadd.s32 @!p4 $0xFFFFC000;
	s11 =	simm.s32 @!p4 $0x5  }
0x66: {  	[tilespmem:s16], [sflag:$0x5] =	stream.linear.gather @!p4 [hbm4b:s17+s19], $0x80, $0x38;
	[tilespmem:$0x1E180] =	vst v63  }
0x67: {  	p2 =	sge.u32 s14, s5;
	_ =	swait.ge @!p4 [sflag:s11], $0x80  }
0x68: {  	s17 =	simm.s32 @!p4 $0x80;
	s19 =	simm.s32 @!p4 $0x16180;
	[sflag:s11] =	ssyncset.done @!p4 $0x0  }
0x69: {  	s20 =	simm.s32 @!p2 $0x4;
	[sflag:s11] =	ssyncadd.s32 @!p4 $0xFFFFFF80  }
0x6a: {  	[tilespmem:s19], [sflag:$0x1] =	stream.indirect.gather @!p4 [hbm4b:s4+s17], $0x80, s16, s17, $0xb8;
	[tilespmem:$0x1E180] =	vst v63  }
0x6b: {  	s11 =	simm.s32 @!p2 $0x13900;
	s16 =	simm.s32 @!p2 $0x0;
	_ =	swait.ge @!p2 [sflag:s20], $0x4000  }
.Ltmp1:
0x6c: {  	s17 =	sadd.s32 @!p2 s15, s22;
	[sflag:s20] =	ssyncset.done @!p2 $0x0;
	(pc) =	sbr.rel @p3 .LBB2_2-.Ltmp1, $4  }
0x6d: {  	s15 =	simm.s32 @!p2 $0x5;
	[sflag:s20] =	ssyncadd.s32 @!p2 $0xFFFFC000  }
0x6e: {  	[tilespmem:s11], [sflag:$0x5] =	stream.linear.gather @!p2 [hbm4b:s17+s16], $0x80, $0x38;
	[tilespmem:$0x1E180] =	vst v63  }
0x6f: {  	s12 =	sadd.s32 $0x100, s12;
	_ =	swait.ge @!p2 [sflag:s15], $0x80  }
0x70: {  	s16 =	simm.s32 @!p2 $0x80;
	s17 =	simm.s32 @!p2 $0x1A180;
	[sflag:s15] =	ssyncset.done @!p2 $0x0  }
.LBB2_3:
0x71: {  	[sflag:s15] =	ssyncadd.s32 @!p2 $0xFFFFFF80  }
0x72: {  	[tilespmem:s17], [sflag:$0x2] =	stream.indirect.gather @!p2 [hbm4b:s4+s16], $0x80, s11, s16, $0xb8;
	[tilespmem:$0x1E180] =	vst v63  }
0x73: {  	_ =	swait.ge [sflag:s30], $0x4000  }
0x74: {  	[sflag:s30] =	ssyncset.done $0x0  }
0x75: {  	s15 =	sadd.s32 $0x80, s13;
	[sflag:s30] =	ssyncadd.s32 $0xFFFFC000  }
0x76: {  	[spmem:s2] =	stream.indirect.scatter.add.f32 [tilespmem:s26], [sflag:$0x3], $0x80, s15, s25, $0xb8;
	[tilespmem:$0x1E180] =	vst v63  }
0x77: {  	s16 =	sadd.s32 $0x2, s14;
	_ =	swait.ge [sflag:s31], $0x4000  }
0x78: {  	s17 =	sadd.s32 $0xFFFFFFFF, s16;
	[sflag:s31] =	ssyncset.done $0x0  }
0x79: {  	p2 =	sge.u32 s17, s5;
	[sflag:s31] =	ssyncadd.s32 $0xFFFFC000  }
0x7a: {  	[spmem:s2] =	stream.indirect.scatter.add.f32 [tilespmem:s29], [sflag:$0x4], $0x80, s12, s25, $0xb8;
	[tilespmem:$0x1E180] =	vst v63  }
0x7b: {  	s12 =	simm.s32 @!p2 $0x3  }
0x7c: {  	_ =	swait.ge @!p2 [sflag:s12], $0x4000  }
0x7d: {  	[sflag:s12] =	ssyncset.done @!p2 $0x0  }
0x7e: {  	[sflag:s12] =	ssyncadd.s32 @!p2 $0xFFFFC000;
	s12 =	rddreg [dreg:$0x10]  }
0x7f: {  	s13 =	simm.s32 @!p2 $0x0;
	s14 =	simm.s32 @!p2 $0x13880;
	s12 =	sadd.s32 @!p2 s10, s12  }
0x80: {  	[tilespmem:s14], [sflag:$0x5] =	stream.linear.gather @!p2 [hbm4b:s12+s13], $0x80, $0x38;
	[tilespmem:$0x1E180] =	vst v63  }
0x81: {  	s12 =	simm.s32 @!p2 $0x5  }
0x82: {  	_ =	swait.ge @!p2 [sflag:s12], $0x80  }
0x83: {  	[sflag:s12] =	ssyncset.done @!p2 $0x0  }
0x84: {  	s13 =	simm.s32 @!p2 $0x16180;
	[sflag:s12] =	ssyncadd.s32 @!p2 $0xFFFFFF80;
	s12 =	simm.s32 @!p2 $0x80  }
0x85: {  	[tilespmem:s13], [sflag:$0x1] =	stream.indirect.gather @!p2 [hbm4b:s4+s12], $0x80, s14, s12, $0xb8;
	[tilespmem:$0x1E180] =	vst v63  }
0x86: {  	p2 =	sge.u32 s16, s5  }
0x87: {  	s11 =	simm.s32 @!p2 $0x4  }
0x88: {  	_ =	swait.ge @!p2 [sflag:s11], $0x4000  }
0x89: {  	[sflag:s11] =	ssyncset.done @!p2 $0x0  }
0x8a: {  	[sflag:s11] =	ssyncadd.s32 @!p2 $0xFFFFC000;
	s11 =	rddreg [dreg:$0xf]  }
0x8b: {  	s12 =	simm.s32 @!p2 $0x13900;
	s10 =	sadd.s32 @!p2 s10, s11;
	s11 =	simm.s32 @!p2 $0x0  }
0x8c: {  	[tilespmem:s12], [sflag:$0x5] =	stream.linear.gather @!p2 [hbm4b:s10+s11], $0x80, $0x38;
	[tilespmem:$0x1E180] =	vst v63  }
0x8d: {  	s10 =	simm.s32 @!p2 $0x5  }
0x8e: {  	_ =	swait.ge @!p2 [sflag:s10], $0x80  }
0x8f: {  	[sflag:s10] =	ssyncset.done @!p2 $0x0  }
0x90: {  	s11 =	simm.s32 @!p2 $0x1A180;
	[sflag:s10] =	ssyncadd.s32 @!p2 $0xFFFFFF80;
	s10 =	simm.s32 @!p2 $0x80  }
0x91: {  	[tilespmem:s11], [sflag:$0x2] =	stream.indirect.gather @!p2 [hbm4b:s4+s10], $0x80, s12, s10, $0xb8;
	[tilespmem:$0x1E180] =	vst v63  }
0x92: {  	_ =	swait.ge [sflag:s0], $0x4000  }
0x93: {  	[sflag:s0] =	ssyncset.done $0x0  }
0x94: {  	[sflag:s0] =	ssyncadd.s32 $0xFFFFC000  }
0x95: {  	_ =	swait.ge [sflag:s1], $0x4000  }
0x96: {  	[sflag:s1] =	ssyncset.done $0x0  }
0x97: {  	[sflag:s1] =	ssyncadd.s32 $0xFFFFC000  }
0x98: {  	[bflag:$0x0] =	sbarrier.arrive $0xFFFF  }
0x99: {  	s19 =	rddreg [dreg:$0xc]  }
0x9a: {  	[hbm:s19], [sflag:s8] =	dma.local [spmem:s7], $0x2700  }
0x9b: {  	_ =	swait.ge [sflag:s23], $0x2700  }
0x9c: {  	[sflag:s23] =	ssyncset.done $0x0  }
0x9d: {  	s7 =	rddreg [dreg:$0xd];
	[sflag:s23] =	ssyncadd.s32 $0xFFFFD900  }
0x9e: {  	[hbm:s7], [sflag:s8] =	dma.local @!p1 [spmem:s9], $0x100  }
0x9f: {  	_ =	swait.ge @!p1 [sflag:s6], $0x100  }
0xa0: {  	s3 =	sadd.s32 $0x1, s3;
	s20 =	rddreg [dreg:$0xe]  }
0xa1: {  	p2 =	sne.s32 s3, s20  }
.Ltmp2:
0xa2: {  	_ = 	snop;
	(pc) =	sbr.rel @p2 .LBB2_1-.Ltmp2, $3  }
0xa3: {  	_ =	sdelay $0x1  }
0xa4: {  	[sflag:s6] =	ssyncset.done @!p1 $0x0  }
0xa5: {  	[sflag:s6] =	ssyncadd.s32 @!p1 $0xFFFFFF00  }
0xa6: {  	_ =	sfence.sel $0x180000  }
0xa7: {  	[bflag:$0x0] =	sbarrier.arrive $0xFFFF  }
0xa8: {  	_ =	strace $0x9000004A  }
0xa9: {  	s0 =	stileid.u32;
	[bflag:$0x2] =	sbarrier.arrive $0xFFFF  }
0xaa: {  	p0 =	sne.s32 s0, $0x0;
	s0 =	rddreg [dreg:$0x3]  }
0xab: {  	s0 =	sadd.s32 @!p0 $0x100000, s0  }
0xac: {  	[sflag:s0] =	ssyncadd.tile.s32 @!p0 $0x1;
	_ =	shalt  }
.Lfunc_end2:
_tile_overlayer_lowered:
.L_overlay_start_2:
0xad: {  	(tag) =	ssettag $0x2  }
0xae: {  	s0 =	rddreg [dreg:$0x0];
	s2 =	stileid.u32  }
0xaf: {  	s1 =	rddreg [dreg:$0x1];
	p0 =	sne.s32 s2, $0x0  }
0xb0: {  	s3 =	rddreg [dreg:$0x2];
	[bflag:$0x3] =	sbarrier.arrive $0xFFFF;
	s2 =	simm.s32 @!p0 $0x1C05  }
0xb1: {  	[timem:s3], [sflag:s2] =	dma.local @!p0 [hbm:s0], s1  }
0xb2: {  	s0 =	simm.s32 @!p0 $0x5  }
0xb3: {  	_ =	swait.ge @!p0 [sflag:s0], s1  }
0xb4: {  	s1 =	ssub.s32 @!p0 $0x0, s1;
	[sflag:s0] =	ssyncset.done @!p0 $0x0  }
0xb5: {  	[sflag:s0] =	ssyncadd.s32 @!p0 s1  }
0xb6: {  	[bflag:$0x3] =	sbarrier.arrive $0xFFFF  }
0xb7: {  	_ =	shalt  }

</sc_bundles>
